<compile_context>
chip_gen: v7x
topology: tpu7x:2x2x1
jax: 0.10.2.dev20260603
libtpu: 0.0.44.dev20260713+nightly
codegen_flags: <defaults>
</compile_context>

<pallas_src>
import functools

import numpy as np
import jax
import jax.numpy as jnp
from jax import lax
from jax.experimental import pallas as pl
from jax.experimental.pallas import tpu as pltpu
from jax.experimental.pallas import tpu_sc as plsc

B, AT, NBR = 4, 2500, 32
FN = FE = 128
NA = B * AT
NH = NA // 2
MH = NH * NBR
TA = 200
MB = TA * NBR
GRID = NH // TA
GFE = 5.5
F32 = jnp.float32
_WIDTH = GFE / (FE - 1)
_GAMMA = -0.5 / (_WIDTH * _WIDTH)

def _sp(x):
    neg_abs = lax.bitcast_convert_type(
        lax.bitcast_convert_type(x, jnp.int32) | jnp.int32(-2 ** 31), F32)
    return jnp.maximum(x, 0.0) + jnp.log(1.0 + jnp.exp(neg_abs))


def _sc_gather(table, idx):
    info = plsc.get_sparse_core_info()
    nw = info.num_cores * info.num_subcores
    per_w = MH // nw
    ch = 200
    n_it = per_w // ch

    mesh = plsc.VectorSubcoreMesh(core_axis_name="c", subcore_axis_name="s")

    @functools.partial(
        pl.kernel,
        mesh=mesh,
        out_type=jax.ShapeDtypeStruct((MH, FN), F32),
        scratch_types=[
            pltpu.VMEM((ch,), jnp.int32),
            pltpu.VMEM((ch, FN), F32),
            pltpu.SemaphoreType.DMA,
        ],
    )
    def k(table_hbm, idx_hbm, out_hbm, idx_v, rows_v, sem):
        wid = lax.axis_index("s") * info.num_cores + lax.axis_index("c")
        base = wid * per_w

        def body(i, carry):
            off = base + i * ch
            pltpu.sync_copy(idx_hbm.at[pl.ds(off, ch)], idx_v)
            pltpu.async_copy(table_hbm.at[idx_v], rows_v, sem).wait()
            pltpu.sync_copy(rows_v, out_hbm.at[pl.ds(off, ch)])
            return carry

        lax.fori_loop(0, n_it, body, 0)

    return k(table, idx)


def _gauss(d2, offs):
    diff = d2[:, :, None] - offs.reshape(1, 1, FE)
    return jnp.exp(F32(_GAMMA) * diff * diff).reshape(MB, FE)


def _dot(a, b):
    return jnp.dot(a, b, preferred_element_type=F32)


def _edge_update(e, g, node, wea, web, wec, be):
    ni = _dot(node, wea)
    z = _dot(g, web) + _dot(e, wec) + be
    z = (z.reshape(TA, NBR, FE) + ni[:, None, :]).reshape(MB, FE)
    return e + _sp(z)


def _node_update(e, g, node, wf, bf, wn, bn):
    filt = _sp(_dot(e, wf) + bf)
    msg = (g * filt).reshape(TA, NBR, FN).sum(axis=1)
    return node + _sp(_dot(msg, wn) + bn)


def _embed_body(z_ref, emb_ref, out_ref):
    ids = lax.broadcasted_iota(jnp.int32, (TA, FN), 1)
    oh = (ids == z_ref[...]).astype(F32)
    out_ref[...] = _dot(oh, emb_ref[...])


def _a0_body(dist_ref, g_ref, node_ref, offs_ref,
             wf_ref, bf_ref, wn_ref, bn_ref, node_out_ref):
    e = _gauss(dist_ref[...], offs_ref[...])
    node_out_ref[...] = _node_update(
        e, g_ref[...], node_ref[...],
        wf_ref[...], bf_ref[...], wn_ref[...], bn_ref[...])


def _f0_body(dist_ref, g_ref, node_ref, offs_ref,
             wea_ref, web_ref, wec_ref, be_ref,
             wf_ref, bf_ref, wn_ref, bn_ref,
             edge_out_ref, node_out_ref):
    e = _gauss(dist_ref[...], offs_ref[...])
    g = g_ref[...]
    enew = _edge_update(e, g, node_ref[...], wea_ref[...], web_ref[...],
                        wec_ref[...], be_ref[...])
    edge_out_ref[...] = enew
    node_out_ref[...] = _node_update(
        enew, g, node_ref[...], wf_ref[...], bf_ref[...],
        wn_ref[...], bn_ref[...])


def _f1_body(edge_ref, g_ref, node_ref,
             wea_ref, web_ref, wec_ref, be_ref,
             wf_ref, bf_ref, wn_ref, bn_ref,
             edge_out_ref, node_out_ref):
    g = g_ref[...]
    enew = _edge_update(edge_ref[...], g, node_ref[...],
                        wea_ref[...], web_ref[...], wec_ref[...], be_ref[...])
    edge_out_ref[...] = enew
    node_out_ref[...] = _node_update(
        enew, g, node_ref[...], wf_ref[...], bf_ref[...],
        wn_ref[...], bn_ref[...])


def _fin_body(edge_ref, g_ref, node_ref, uvt_ref, sel_ref,
              wea_ref, web_ref, wec_ref, be_ref,
              w1_ref, b1_ref, w2_ref, b2_ref, out_ref):
    enew = _edge_update(edge_ref[...], g_ref[...],
                        node_ref[...], wea_ref[...], web_ref[...],
                        wec_ref[...], be_ref[...])
    h = _sp(_dot(enew, w1_ref[...]) + b1_ref[...])
    fmt = lax.dot_general(w2_ref[...], h,
                          (((0,), (1,)), ((), ())),
                          preferred_element_type=F32) + b2_ref[0, 0]
    p = fmt * uvt_ref[...]
    out_ref[0] = lax.dot_general(p, sel_ref[...],
                                 (((1,), (0,)), ((), ())),
                                 preferred_element_type=F32)


def _full(shape):
    return pl.BlockSpec(shape, lambda i: (0, 0))


_EDGE_BS = pl.BlockSpec((MB, FE), lambda i: (i, 0))
_NODE_BS = pl.BlockSpec((TA, FN), lambda i: (i, 0))
_DIST_BS = pl.BlockSpec((TA, NBR), lambda i: (i, 0))
_W_BS = _full((FN, FN))
_B_BS = _full((1, FN))


def _tc(body, in_specs, out_specs, out_shapes):
    return pl.pallas_call(
        body,
        grid=(GRID,),
        in_specs=in_specs,
        out_specs=out_specs,
        out_shape=out_shapes,
    )


def _half_chain(zf, idx, distf, uvt, sel, embp, offs, p):

    def we_split(l):
        w = p["We%d" % l]
        return w[:FN], w[FN:2 * FN], w[2 * FN:]

    def row(v):
        return v.reshape(1, -1)

    node0 = _tc(
        _embed_body,
        [pl.BlockSpec((TA, 1), lambda i: (i, 0)), _full((FN, FN))],
        _NODE_BS,
        jax.ShapeDtypeStruct((NH, FN), F32),
    )(zf, embp)

    g0 = _sc_gather(node0, idx)
    node1 = _tc(
        _a0_body,
        [_DIST_BS, _EDGE_BS, _NODE_BS, _full((1, FE)),
         _W_BS, _B_BS, _W_BS, _B_BS],
        _NODE_BS,
        jax.ShapeDtypeStruct((NH, FN), F32),
    )(distf, g0, node0, offs,
      p["Wf0"], row(p["bf0"]), p["Wn0"], row(p["bn0"]))

    g1 = _sc_gather(node1, idx)
    wea0, web0, wec0 = we_split(0)
    edge1, node2 = _tc(
        _f0_body,
        [_DIST_BS, _EDGE_BS, _NODE_BS, _full((1, FE)),
         _W_BS, _W_BS, _W_BS, _B_BS, _W_BS, _B_BS, _W_BS, _B_BS],
        [_EDGE_BS, _NODE_BS],
        [jax.ShapeDtypeStruct((MH, FE), F32),
         jax.ShapeDtypeStruct((NH, FN), F32)],
    )(distf, g1, node1, offs, wea0, web0, wec0, row(p["be0"]),
      p["Wf1"], row(p["bf1"]), p["Wn1"], row(p["bn1"]))

    g2 = _sc_gather(node2, idx)
    wea1, web1, wec1 = we_split(1)
    edge2, node3 = _tc(
        _f1_body,
        [_EDGE_BS, _EDGE_BS, _NODE_BS,
         _W_BS, _W_BS, _W_BS, _B_BS, _W_BS, _B_BS, _W_BS, _B_BS],
        [_EDGE_BS, _NODE_BS],
        [jax.ShapeDtypeStruct((MH, FE), F32),
         jax.ShapeDtypeStruct((NH, FN), F32)],
    )(edge1, g2, node2, wea1, web1, wec1, row(p["be1"]),
      p["Wf2"], row(p["bf2"]), p["Wn2"], row(p["bn2"]))

    g3 = _sc_gather(node3, idx)
    wea2, web2, wec2 = we_split(2)
    out8 = _tc(
        _fin_body,
        [_EDGE_BS, _EDGE_BS, _NODE_BS,
         pl.BlockSpec((8, MB), lambda i: (0, i)),
         _full((MB, TA)),
         _W_BS, _W_BS, _W_BS, _B_BS,
         _full((FE, FE // 2)), _full((1, FE // 2)),
         _full((FE // 2, 1)), _full((1, 1))],
        pl.BlockSpec((1, 8, TA), lambda i: (i, 0, 0)),
        jax.ShapeDtypeStruct((GRID, 8, TA), F32),
    )(edge2, g3, node3, uvt, sel, wea2, web2, wec2, row(p["be2"]),
      p["W1"], row(p["b1"]), p["W2"], row(p["b2"]))

    return out8


def kernel(Z, neighbors, distances, unit_vecs, params):
    p = params
    embp = jnp.zeros((FN, FN), F32).at[: p["emb"].shape[0]].set(p["emb"])
    offs = jnp.linspace(0.0, GFE, FE, dtype=F32).reshape(1, FE)

    zf = Z.reshape(NA, 1).astype(jnp.int32)
    dist2 = distances.astype(F32).reshape(NA, NBR)
    idx = (neighbors.astype(jnp.int32)
           + (jnp.arange(B, dtype=jnp.int32) % 2 * AT)[:, None, None]
           ).reshape(2, MH)
    uvt = jnp.zeros((8, 2, MH), F32).at[:3].set(
        unit_vecs.astype(F32).reshape(NA * NBR, 3).T.reshape(3, 2, MH))
    sel = (lax.broadcasted_iota(jnp.int32, (MB, TA), 0) // NBR
           == lax.broadcasted_iota(jnp.int32, (MB, TA), 1)).astype(F32)

    halves = [
        _half_chain(zf[h * NH:(h + 1) * NH], idx[h],
                    dist2[h * NH:(h + 1) * NH], uvt[:, h], sel,
                    embp, offs, p)
        for h in range(2)
    ]
    f = jnp.concatenate(halves, axis=0)[:, :3, :]
    return f.transpose(0, 2, 1).reshape(B, AT, 3)

# --- scband reference (transcript-rebuilt; emitter-appended) ---
"""Pipeline reference for scband-gnnff-33870112096948 (READ-ONLY COPY).

The authoritative reference and input builder live on the scoring server;
editing this copy changes nothing except your own understanding.
"""

import jax, jax.numpy as jnp
import numpy as np

B, AT, NBR = 4, 2500, 32
FN, FE = 128, 128
NL = 3
GFE = 5.5  # gaussian_filter_end = cutoff - 0.5
NZ = 100   # max atomic number vocabulary


def setup_inputs(seed: int = 0) -> dict:
    key = jax.random.key(seed)
    ks = jax.random.split(key, 40)
    Z = jax.random.randint(ks[0], (B, AT), 0, NZ)
    neighbors = jax.random.randint(ks[1], (B, AT, NBR), 0, AT)
    distances = jax.random.uniform(ks[2], (B, AT, NBR), dtype=jnp.float32) * GFE
    uv = jax.random.normal(ks[3], (B, AT, NBR, 3), dtype=jnp.float32)
    unit_vecs = uv / (jnp.linalg.norm(uv, axis=-1, keepdims=True) + 1e-8)
    params = {}
    params['emb'] = jax.random.normal(ks[4], (NZ, FN), dtype=jnp.float32) * 0.1
    idx = 5
    for l in range(NL):
        params['Wf%d' % l] = jax.random.normal(ks[idx], (FE, FN), dtype=jnp.float32) * 0.05; idx += 1
        params['bf%d' % l] = jnp.zeros((FN,), dtype=jnp.float32)
        params['Wn%d' % l] = jax.random.normal(ks[idx], (FN, FN), dtype=jnp.float32) * 0.05; idx += 1
        params['bn%d' % l] = jnp.zeros((FN,), dtype=jnp.float32)
        params['We%d' % l] = jax.random.normal(ks[idx], (2 * FN + FE, FE), dtype=jnp.float32) * 0.05; idx += 1
        params['be%d' % l] = jnp.zeros((FE,), dtype=jnp.float32)
    params['W1'] = jax.random.normal(ks[idx], (FE, FE // 2), dtype=jnp.float32) * 0.05; idx += 1
    params['b1'] = jnp.zeros((FE // 2,), dtype=jnp.float32)
    params['W2'] = jax.random.normal(ks[idx], (FE // 2, 1), dtype=jnp.float32) * 0.05; idx += 1
    params['b2'] = jnp.zeros((1,), dtype=jnp.float32)
    return {'Z': Z, 'neighbors': neighbors, 'distances': distances, 'unit_vecs': unit_vecs, 'params': params}


def _gather_nbh(node, neighbors):
    # node: [B, At, F], neighbors: [B, At, Nbr] -> [B, At, Nbr, F]
    b, at, f = node.shape
    nbr = neighbors.shape[-1]
    flat = neighbors.reshape(b, at * nbr)
    g = jnp.take_along_axis(node, flat[..., None], axis=1)
    return g.reshape(b, at, nbr, f)


def _forward(Z, neighbors, distances, unit_vecs, params):
    sp = jax.nn.softplus
    # node embedding from atomic numbers
    node = jnp.take(params['emb'], Z, axis=0)  # [B, At, FN]
    # edge embedding: Gaussian smearing of distances
    offsets = jnp.linspace(0.0, GFE, FE)
    width = offsets[1] - offsets[0]
    gamma = -0.5 / (width ** 2)
    edge = jnp.exp(gamma * (distances[..., None] - offsets) ** 2)  # [B, At, Nbr, FE]
    for l in range(NL):
        # node update: continuous-filter conv style message passing
        nbh = _gather_nbh(node, neighbors)                       # [B, At, Nbr, FN]
        filt = sp(edge @ params['Wf%d' % l] + params['bf%d' % l])
        msg = (nbh * filt).sum(axis=2)                           # [B, At, FN]
        node = node + sp(msg @ params['Wn%d' % l] + params['bn%d' % l])
        # edge update from both endpoint node features
        nbh2 = _gather_nbh(node, neighbors)
        node_i = jnp.broadcast_to(node[:, :, None, :], nbh2.shape)
        cat = jnp.concatenate([node_i, nbh2, edge], axis=-1)
        edge = edge + sp(cat @ params['We%d' % l] + params['be%d' % l])
    # ForceMagnitudeMapping: 2-layer MLP on edge embedding -> scalar magnitude
    h = sp(edge @ params['W1'] + params['b1'])
    fm = h @ params['W2'] + params['b2']                          # [B, At, Nbr, 1]
    forces = (fm * unit_vecs).sum(axis=2)                         # [B, At, 3]
    return forces


def reference(Z, neighbors, distances, unit_vecs, params):
    return _forward(Z, neighbors, distances, unit_vecs, params)

if __name__ == "__main__":
    import jax
    _d = setup_inputs()
    print(jax.jit(kernel)(*tuple(_d.values())))

</pallas_src>

<mosaic_0001>
#map = affine_map<(d0, d1) -> (0, 0)>
#map1 = affine_map<(d0, d1) -> (0)>
module attributes {stable_mosaic.version = 14 : i64} {
  func.func @k(%arg0: i32, %arg1: i32, %arg2: memref<5000x128xf32, #tpu.memory_space<hbm>>, %arg3: memref<160000xi32, #tpu.memory_space<hbm>>, %arg4: memref<160000x128xf32, #tpu.memory_space<hbm>>, %arg5: memref<200xi32, #tpu.memory_space<vmem>>, %arg6: memref<200x128xf32, #tpu.memory_space<vmem>>, %arg7: memref<!tpu.dma_semaphore, #tpu.memory_space<semaphore_mem>>) attributes {dimension_semantics = [#tpu.dimension_semantics<core_parallel>, #tpu.dimension_semantics<subcore_parallel>], iteration_bounds = array<i64: 2, 16>, scalar_prefetch = 0 : i64, scratch_operands = 3 : i64, tpu.core_type = #tpu.core_type<sc_vector_subcore>, window_params = [{transform_indices = #map}, {transform_indices = #map1}, {transform_indices = #map}]} {
    %mul3A = arith.constant 2 : i32
    %mul3A_0 = arith.muli %arg1, %mul3A : i32
    %add3A = arith.addi %mul3A_0, %arg0 : i32
    %mul3A_1 = arith.constant 5000 : i32
    %mul3A_2 = arith.muli %add3A, %mul3A_1 : i32
    %scan3A = arith.constant 0 : i32
    %scan3A_3 = arith.constant 0 : i32
    %scan3A_4 = arith.constant 25 : i32
    %scan3A_5 = arith.addi %scan3A_3, %scan3A_4 : i32
    %scan3A_6 = arith.constant 1 : i32
    scf.for %scan3A_8 = %scan3A_3 to %scan3A_5 step %scan3A_6  : i32 {
      %mul3A_9 = arith.constant 200 : i32
      %mul3A_10 = arith.muli %scan3A_8, %mul3A_9 : i32
      %add3A_11 = arith.addi %mul3A_2, %mul3A_10 : i32
      "tpu.region"() ({
        %run_scoped3A = tpu.sem_alloc : memref<!tpu.dma_semaphore, #tpu.memory_space<semaphore_mem>>
        %dma_start3A_16 = tpu.memref_slice %arg3[%add3A_11] : memref<160000xi32, #tpu.memory_space<hbm>> -> memref<200xi32, #tpu.memory_space<hbm>>
        %dma_start3A_17 = tpu.memref_slice %arg3[%add3A_11] : memref<160000xi32, #tpu.memory_space<hbm>> -> memref<200xi32, #tpu.memory_space<hbm>>
        tpu.enqueue_dma source(%dma_start3A_17 : memref<200xi32, #tpu.memory_space<hbm>>) target(%arg5 : memref<200xi32, #tpu.memory_space<vmem>>) target_semaphore(%run_scoped3A : memref<!tpu.dma_semaphore, #tpu.memory_space<semaphore_mem>>)
        %dma_wait3A_18 = tpu.memref_slice %arg3[%add3A_11] : memref<160000xi32, #tpu.memory_space<hbm>> -> memref<200xi32, #tpu.memory_space<hbm>>
        %dma_wait3A_19 = tpu.memref_slice %arg3[%add3A_11] : memref<160000xi32, #tpu.memory_space<hbm>> -> memref<200xi32, #tpu.memory_space<hbm>>
        tpu.wait_dma2 semaphore(%run_scoped3A : memref<!tpu.dma_semaphore, #tpu.memory_space<semaphore_mem>>) src(%dma_wait3A_19 : memref<200xi32, #tpu.memory_space<hbm>>) dst(%arg5 : memref<200xi32, #tpu.memory_space<vmem>>)
        tpu.yield
      }) : () -> ()
      %dma_start3A = arith.constant 0 : i32
      %dma_start3A_12 = arith.constant 0 : i32
      %dma_start3A_13 = tpu.memref_slice %arg2[%dma_start3A, %dma_start3A_12] : memref<5000x128xf32, #tpu.memory_space<hbm>> -> memref<5000x128xf32, #tpu.memory_space<hbm>>
      tpu.enqueue_indirect_dma source(%dma_start3A_13 : memref<5000x128xf32, #tpu.memory_space<hbm>>) target(%arg6 : memref<200x128xf32, #tpu.memory_space<vmem>>) offsets(%arg5 : memref<200xi32, #tpu.memory_space<vmem>>) semaphore(%arg7 : memref<!tpu.dma_semaphore, #tpu.memory_space<semaphore_mem>>)
      %dma_wait3A = arith.constant 0 : i32
      %dma_wait3A_14 = arith.constant 0 : i32
      %dma_wait3A_15 = tpu.memref_slice %arg2[%dma_wait3A, %dma_wait3A_14] : memref<5000x128xf32, #tpu.memory_space<hbm>> -> memref<5000x128xf32, #tpu.memory_space<hbm>>
      tpu.wait_indirect_dma semaphore(%arg7 : memref<!tpu.dma_semaphore, #tpu.memory_space<semaphore_mem>>) src(%dma_wait3A_15 : memref<5000x128xf32, #tpu.memory_space<hbm>>) dst(%arg6 : memref<200x128xf32, #tpu.memory_space<vmem>>)
      "tpu.region"() ({
        %run_scoped3A = tpu.sem_alloc : memref<!tpu.dma_semaphore, #tpu.memory_space<semaphore_mem>>
        %dma_start3A_16 = arith.constant 0 : i32
        %dma_start3A_17 = tpu.memref_slice %arg4[%add3A_11, %dma_start3A_16] : memref<160000x128xf32, #tpu.memory_space<hbm>> -> memref<200x128xf32, #tpu.memory_space<hbm>>
        %dma_start3A_18 = arith.constant 0 : i32
        %dma_start3A_19 = tpu.memref_slice %arg4[%add3A_11, %dma_start3A_18] : memref<160000x128xf32, #tpu.memory_space<hbm>> -> memref<200x128xf32, #tpu.memory_space<hbm>>
        tpu.enqueue_dma source(%arg6 : memref<200x128xf32, #tpu.memory_space<vmem>>) target(%dma_start3A_19 : memref<200x128xf32, #tpu.memory_space<hbm>>) target_semaphore(%run_scoped3A : memref<!tpu.dma_semaphore, #tpu.memory_space<semaphore_mem>>)
        %dma_wait3A_20 = arith.constant 0 : i32
        %dma_wait3A_21 = tpu.memref_slice %arg4[%add3A_11, %dma_wait3A_20] : memref<160000x128xf32, #tpu.memory_space<hbm>> -> memref<200x128xf32, #tpu.memory_space<hbm>>
        %dma_wait3A_22 = arith.constant 0 : i32
        %dma_wait3A_23 = tpu.memref_slice %arg4[%add3A_11, %dma_wait3A_22] : memref<160000x128xf32, #tpu.memory_space<hbm>> -> memref<200x128xf32, #tpu.memory_space<hbm>>
        tpu.wait_dma2 semaphore(%run_scoped3A : memref<!tpu.dma_semaphore, #tpu.memory_space<semaphore_mem>>) src(%arg6 : memref<200x128xf32, #tpu.memory_space<vmem>>) dst(%dma_wait3A_23 : memref<200x128xf32, #tpu.memory_space<hbm>>)
        tpu.yield
      }) : () -> ()
    }
    %scan3A_7 = arith.constant 25 : i32
    return
  }
}

#map = affine_map<(d0, d1) -> (0, 0)>
#map1 = affine_map<(d0, d1) -> (0)>
module attributes {stable_mosaic.version = 14 : i64} {
  func.func @k(%arg0: i32, %arg1: i32, %arg2: memref<5000x128xf32, #tpu.memory_space<hbm>>, %arg3: memref<160000xi32, #tpu.memory_space<hbm>>, %arg4: memref<160000x128xf32, #tpu.memory_space<hbm>>, %arg5: memref<200xi32, #tpu.memory_space<vmem>>, %arg6: memref<200x128xf32, #tpu.memory_space<vmem>>, %arg7: memref<!tpu.dma_semaphore, #tpu.memory_space<semaphore_mem>>) attributes {dimension_semantics = [#tpu.dimension_semantics<core_parallel>, #tpu.dimension_semantics<subcore_parallel>], iteration_bounds = array<i64: 2, 16>, scalar_prefetch = 0 : i64, scratch_operands = 3 : i64, tpu.core_type = #tpu.core_type<sc_vector_subcore>, window_params = [{transform_indices = #map}, {transform_indices = #map1}, {transform_indices = #map}]} {
    %mul3A = arith.constant 2 : i32
    %mul3A_0 = arith.muli %arg1, %mul3A : i32
    %add3A = arith.addi %mul3A_0, %arg0 : i32
    %mul3A_1 = arith.constant 5000 : i32
    %mul3A_2 = arith.muli %add3A, %mul3A_1 : i32
    %scan3A = arith.constant 0 : i32
    %scan3A_3 = arith.constant 0 : i32
    %scan3A_4 = arith.constant 25 : i32
    %scan3A_5 = arith.addi %scan3A_3, %scan3A_4 : i32
    %scan3A_6 = arith.constant 1 : i32
    scf.for %scan3A_8 = %scan3A_3 to %scan3A_5 step %scan3A_6  : i32 {
      %mul3A_9 = arith.constant 200 : i32
      %mul3A_10 = arith.muli %scan3A_8, %mul3A_9 : i32
      %add3A_11 = arith.addi %mul3A_2, %mul3A_10 : i32
      "tpu.region"() ({
        %run_scoped3A = tpu.sem_alloc : memref<!tpu.dma_semaphore, #tpu.memory_space<semaphore_mem>>
        %dma_start3A_16 = tpu.memref_slice %arg3[%add3A_11] : memref<160000xi32, #tpu.memory_space<hbm>> -> memref<200xi32, #tpu.memory_space<hbm>>
        %dma_start3A_17 = tpu.memref_slice %arg3[%add3A_11] : memref<160000xi32, #tpu.memory_space<hbm>> -> memref<200xi32, #tpu.memory_space<hbm>>
        tpu.enqueue_dma source(%dma_start3A_17 : memref<200xi32, #tpu.memory_space<hbm>>) target(%arg5 : memref<200xi32, #tpu.memory_space<vmem>>) target_semaphore(%run_scoped3A : memref<!tpu.dma_semaphore, #tpu.memory_space<semaphore_mem>>)
        %dma_wait3A_18 = tpu.memref_slice %arg3[%add3A_11] : memref<160000xi32, #tpu.memory_space<hbm>> -> memref<200xi32, #tpu.memory_space<hbm>>
        %dma_wait3A_19 = tpu.memref_slice %arg3[%add3A_11] : memref<160000xi32, #tpu.memory_space<hbm>> -> memref<200xi32, #tpu.memory_space<hbm>>
        tpu.wait_dma2 semaphore(%run_scoped3A : memref<!tpu.dma_semaphore, #tpu.memory_space<semaphore_mem>>) src(%dma_wait3A_19 : memref<200xi32, #tpu.memory_space<hbm>>) dst(%arg5 : memref<200xi32, #tpu.memory_space<vmem>>)
        tpu.yield
      }) : () -> ()
      %dma_start3A = arith.constant 0 : i32
      %dma_start3A_12 = arith.constant 0 : i32
      %dma_start3A_13 = tpu.memref_slice %arg2[%dma_start3A, %dma_start3A_12] : memref<5000x128xf32, #tpu.memory_space<hbm>> -> memref<5000x128xf32, #tpu.memory_space<hbm>>
      tpu.enqueue_indirect_dma source(%dma_start3A_13 : memref<5000x128xf32, #tpu.memory_space<hbm>>) target(%arg6 : memref<200x128xf32, #tpu.memory_space<vmem>>) offsets(%arg5 : memref<200xi32, #tpu.memory_space<vmem>>) semaphore(%arg7 : memref<!tpu.dma_semaphore, #tpu.memory_space<semaphore_mem>>)
      %dma_wait3A = arith.constant 0 : i32
      %dma_wait3A_14 = arith.constant 0 : i32
      %dma_wait3A_15 = tpu.memref_slice %arg2[%dma_wait3A, %dma_wait3A_14] : memref<5000x128xf32, #tpu.memory_space<hbm>> -> memref<5000x128xf32, #tpu.memory_space<hbm>>
      tpu.wait_indirect_dma semaphore(%arg7 : memref<!tpu.dma_semaphore, #tpu.memory_space<semaphore_mem>>) src(%dma_wait3A_15 : memref<5000x128xf32, #tpu.memory_space<hbm>>) dst(%arg6 : memref<200x128xf32, #tpu.memory_space<vmem>>)
      "tpu.region"() ({
        %run_scoped3A = tpu.sem_alloc : memref<!tpu.dma_semaphore, #tpu.memory_space<semaphore_mem>>
        %dma_start3A_16 = arith.constant 0 : i32
        %dma_start3A_17 = tpu.memref_slice %arg4[%add3A_11, %dma_start3A_16] : memref<160000x128xf32, #tpu.memory_space<hbm>> -> memref<200x128xf32, #tpu.memory_space<hbm>>
        %dma_start3A_18 = arith.constant 0 : i32
        %dma_start3A_19 = tpu.memref_slice %arg4[%add3A_11, %dma_start3A_18] : memref<160000x128xf32, #tpu.memory_space<hbm>> -> memref<200x128xf32, #tpu.memory_space<hbm>>
        tpu.enqueue_dma source(%arg6 : memref<200x128xf32, #tpu.memory_space<vmem>>) target(%dma_start3A_19 : memref<200x128xf32, #tpu.memory_space<hbm>>) target_semaphore(%run_scoped3A : memref<!tpu.dma_semaphore, #tpu.memory_space<semaphore_mem>>)
        %dma_wait3A_20 = arith.constant 0 : i32
        %dma_wait3A_21 = tpu.memref_slice %arg4[%add3A_11, %dma_wait3A_20] : memref<160000x128xf32, #tpu.memory_space<hbm>> -> memref<200x128xf32, #tpu.memory_space<hbm>>
        %dma_wait3A_22 = arith.constant 0 : i32
        %dma_wait3A_23 = tpu.memref_slice %arg4[%add3A_11, %dma_wait3A_22] : memref<160000x128xf32, #tpu.memory_space<hbm>> -> memref<200x128xf32, #tpu.memory_space<hbm>>
        tpu.wait_dma2 semaphore(%run_scoped3A : memref<!tpu.dma_semaphore, #tpu.memory_space<semaphore_mem>>) src(%arg6 : memref<200x128xf32, #tpu.memory_space<vmem>>) dst(%dma_wait3A_23 : memref<200x128xf32, #tpu.memory_space<hbm>>)
        tpu.yield
      }) : () -> ()
    }
    %scan3A_7 = arith.constant 25 : i32
    return
  }
}

#map = affine_map<(d0, d1) -> (0, 0)>
#map1 = affine_map<(d0, d1) -> (0)>
module attributes {stable_mosaic.version = 14 : i64} {
  func.func @k(%arg0: i32, %arg1: i32, %arg2: memref<5000x128xf32, #tpu.memory_space<hbm>>, %arg3: memref<160000xi32, #tpu.memory_space<hbm>>, %arg4: memref<160000x128xf32, #tpu.memory_space<hbm>>, %arg5: memref<200xi32, #tpu.memory_space<vmem>>, %arg6: memref<200x128xf32, #tpu.memory_space<vmem>>, %arg7: memref<!tpu.dma_semaphore, #tpu.memory_space<semaphore_mem>>) attributes {dimension_semantics = [#tpu.dimension_semantics<core_parallel>, #tpu.dimension_semantics<subcore_parallel>], iteration_bounds = array<i64: 2, 16>, scalar_prefetch = 0 : i64, scratch_operands = 3 : i64, tpu.core_type = #tpu.core_type<sc_vector_subcore>, window_params = [{transform_indices = #map}, {transform_indices = #map1}, {transform_indices = #map}]} {
    %mul3A = arith.constant 2 : i32
    %mul3A_0 = arith.muli %arg1, %mul3A : i32
    %add3A = arith.addi %mul3A_0, %arg0 : i32
    %mul3A_1 = arith.constant 5000 : i32
    %mul3A_2 = arith.muli %add3A, %mul3A_1 : i32
    %scan3A = arith.constant 0 : i32
    %scan3A_3 = arith.constant 0 : i32
    %scan3A_4 = arith.constant 25 : i32
    %scan3A_5 = arith.addi %scan3A_3, %scan3A_4 : i32
    %scan3A_6 = arith.constant 1 : i32
    scf.for %scan3A_8 = %scan3A_3 to %scan3A_5 step %scan3A_6  : i32 {
      %mul3A_9 = arith.constant 200 : i32
      %mul3A_10 = arith.muli %scan3A_8, %mul3A_9 : i32
      %add3A_11 = arith.addi %mul3A_2, %mul3A_10 : i32
      "tpu.region"() ({
        %run_scoped3A = tpu.sem_alloc : memref<!tpu.dma_semaphore, #tpu.memory_space<semaphore_mem>>
        %dma_start3A_16 = tpu.memref_slice %arg3[%add3A_11] : memref<160000xi32, #tpu.memory_space<hbm>> -> memref<200xi32, #tpu.memory_space<hbm>>
        %dma_start3A_17 = tpu.memref_slice %arg3[%add3A_11] : memref<160000xi32, #tpu.memory_space<hbm>> -> memref<200xi32, #tpu.memory_space<hbm>>
        tpu.enqueue_dma source(%dma_start3A_17 : memref<200xi32, #tpu.memory_space<hbm>>) target(%arg5 : memref<200xi32, #tpu.memory_space<vmem>>) target_semaphore(%run_scoped3A : memref<!tpu.dma_semaphore, #tpu.memory_space<semaphore_mem>>)
        %dma_wait3A_18 = tpu.memref_slice %arg3[%add3A_11] : memref<160000xi32, #tpu.memory_space<hbm>> -> memref<200xi32, #tpu.memory_space<hbm>>
        %dma_wait3A_19 = tpu.memref_slice %arg3[%add3A_11] : memref<160000xi32, #tpu.memory_space<hbm>> -> memref<200xi32, #tpu.memory_space<hbm>>
        tpu.wait_dma2 semaphore(%run_scoped3A : memref<!tpu.dma_semaphore, #tpu.memory_space<semaphore_mem>>) src(%dma_wait3A_19 : memref<200xi32, #tpu.memory_space<hbm>>) dst(%arg5 : memref<200xi32, #tpu.memory_space<vmem>>)
        tpu.yield
      }) : () -> ()
      %dma_start3A = arith.constant 0 : i32
      %dma_start3A_12 = arith.constant 0 : i32
      %dma_start3A_13 = tpu.memref_slice %arg2[%dma_start3A, %dma_start3A_12] : memref<5000x128xf32, #tpu.memory_space<hbm>> -> memref<5000x128xf32, #tpu.memory_space<hbm>>
      tpu.enqueue_indirect_dma source(%dma_start3A_13 : memref<5000x128xf32, #tpu.memory_space<hbm>>) target(%arg6 : memref<200x128xf32, #tpu.memory_space<vmem>>) offsets(%arg5 : memref<200xi32, #tpu.memory_space<vmem>>) semaphore(%arg7 : memref<!tpu.dma_semaphore, #tpu.memory_space<semaphore_mem>>)
      %dma_wait3A = arith.constant 0 : i32
      %dma_wait3A_14 = arith.constant 0 : i32
      %dma_wait3A_15 = tpu.memref_slice %arg2[%dma_wait3A, %dma_wait3A_14] : memref<5000x128xf32, #tpu.memory_space<hbm>> -> memref<5000x128xf32, #tpu.memory_space<hbm>>
      tpu.wait_indirect_dma semaphore(%arg7 : memref<!tpu.dma_semaphore, #tpu.memory_space<semaphore_mem>>) src(%dma_wait3A_15 : memref<5000x128xf32, #tpu.memory_space<hbm>>) dst(%arg6 : memref<200x128xf32, #tpu.memory_space<vmem>>)
      "tpu.region"() ({
        %run_scoped3A = tpu.sem_alloc : memref<!tpu.dma_semaphore, #tpu.memory_space<semaphore_mem>>
        %dma_start3A_16 = arith.constant 0 : i32
        %dma_start3A_17 = tpu.memref_slice %arg4[%add3A_11, %dma_start3A_16] : memref<160000x128xf32, #tpu.memory_space<hbm>> -> memref<200x128xf32, #tpu.memory_space<hbm>>
        %dma_start3A_18 = arith.constant 0 : i32
        %dma_start3A_19 = tpu.memref_slice %arg4[%add3A_11, %dma_start3A_18] : memref<160000x128xf32, #tpu.memory_space<hbm>> -> memref<200x128xf32, #tpu.memory_space<hbm>>
        tpu.enqueue_dma source(%arg6 : memref<200x128xf32, #tpu.memory_space<vmem>>) target(%dma_start3A_19 : memref<200x128xf32, #tpu.memory_space<hbm>>) target_semaphore(%run_scoped3A : memref<!tpu.dma_semaphore, #tpu.memory_space<semaphore_mem>>)
        %dma_wait3A_20 = arith.constant 0 : i32
        %dma_wait3A_21 = tpu.memref_slice %arg4[%add3A_11, %dma_wait3A_20] : memref<160000x128xf32, #tpu.memory_space<hbm>> -> memref<200x128xf32, #tpu.memory_space<hbm>>
        %dma_wait3A_22 = arith.constant 0 : i32
        %dma_wait3A_23 = tpu.memref_slice %arg4[%add3A_11, %dma_wait3A_22] : memref<160000x128xf32, #tpu.memory_space<hbm>> -> memref<200x128xf32, #tpu.memory_space<hbm>>
        tpu.wait_dma2 semaphore(%run_scoped3A : memref<!tpu.dma_semaphore, #tpu.memory_space<semaphore_mem>>) src(%arg6 : memref<200x128xf32, #tpu.memory_space<vmem>>) dst(%dma_wait3A_23 : memref<200x128xf32, #tpu.memory_space<hbm>>)
        tpu.yield
      }) : () -> ()
    }
    %scan3A_7 = arith.constant 25 : i32
    return
  }
}

#map = affine_map<(d0, d1) -> (0, 0)>
#map1 = affine_map<(d0, d1) -> (0)>
module attributes {stable_mosaic.version = 14 : i64} {
  func.func @k(%arg0: i32, %arg1: i32, %arg2: memref<5000x128xf32, #tpu.memory_space<hbm>>, %arg3: memref<160000xi32, #tpu.memory_space<hbm>>, %arg4: memref<160000x128xf32, #tpu.memory_space<hbm>>, %arg5: memref<200xi32, #tpu.memory_space<vmem>>, %arg6: memref<200x128xf32, #tpu.memory_space<vmem>>, %arg7: memref<!tpu.dma_semaphore, #tpu.memory_space<semaphore_mem>>) attributes {dimension_semantics = [#tpu.dimension_semantics<core_parallel>, #tpu.dimension_semantics<subcore_parallel>], iteration_bounds = array<i64: 2, 16>, scalar_prefetch = 0 : i64, scratch_operands = 3 : i64, tpu.core_type = #tpu.core_type<sc_vector_subcore>, window_params = [{transform_indices = #map}, {transform_indices = #map1}, {transform_indices = #map}]} {
    %mul3A = arith.constant 2 : i32
    %mul3A_0 = arith.muli %arg1, %mul3A : i32
    %add3A = arith.addi %mul3A_0, %arg0 : i32
    %mul3A_1 = arith.constant 5000 : i32
    %mul3A_2 = arith.muli %add3A, %mul3A_1 : i32
    %scan3A = arith.constant 0 : i32
    %scan3A_3 = arith.constant 0 : i32
    %scan3A_4 = arith.constant 25 : i32
    %scan3A_5 = arith.addi %scan3A_3, %scan3A_4 : i32
    %scan3A_6 = arith.constant 1 : i32
    scf.for %scan3A_8 = %scan3A_3 to %scan3A_5 step %scan3A_6  : i32 {
      %mul3A_9 = arith.constant 200 : i32
      %mul3A_10 = arith.muli %scan3A_8, %mul3A_9 : i32
      %add3A_11 = arith.addi %mul3A_2, %mul3A_10 : i32
      "tpu.region"() ({
        %run_scoped3A = tpu.sem_alloc : memref<!tpu.dma_semaphore, #tpu.memory_space<semaphore_mem>>
        %dma_start3A_16 = tpu.memref_slice %arg3[%add3A_11] : memref<160000xi32, #tpu.memory_space<hbm>> -> memref<200xi32, #tpu.memory_space<hbm>>
        %dma_start3A_17 = tpu.memref_slice %arg3[%add3A_11] : memref<160000xi32, #tpu.memory_space<hbm>> -> memref<200xi32, #tpu.memory_space<hbm>>
        tpu.enqueue_dma source(%dma_start3A_17 : memref<200xi32, #tpu.memory_space<hbm>>) target(%arg5 : memref<200xi32, #tpu.memory_space<vmem>>) target_semaphore(%run_scoped3A : memref<!tpu.dma_semaphore, #tpu.memory_space<semaphore_mem>>)
        %dma_wait3A_18 = tpu.memref_slice %arg3[%add3A_11] : memref<160000xi32, #tpu.memory_space<hbm>> -> memref<200xi32, #tpu.memory_space<hbm>>
        %dma_wait3A_19 = tpu.memref_slice %arg3[%add3A_11] : memref<160000xi32, #tpu.memory_space<hbm>> -> memref<200xi32, #tpu.memory_space<hbm>>
        tpu.wait_dma2 semaphore(%run_scoped3A : memref<!tpu.dma_semaphore, #tpu.memory_space<semaphore_mem>>) src(%dma_wait3A_19 : memref<200xi32, #tpu.memory_space<hbm>>) dst(%arg5 : memref<200xi32, #tpu.memory_space<vmem>>)
        tpu.yield
      }) : () -> ()
      %dma_start3A = arith.constant 0 : i32
      %dma_start3A_12 = arith.constant 0 : i32
      %dma_start3A_13 = tpu.memref_slice %arg2[%dma_start3A, %dma_start3A_12] : memref<5000x128xf32, #tpu.memory_space<hbm>> -> memref<5000x128xf32, #tpu.memory_space<hbm>>
      tpu.enqueue_indirect_dma source(%dma_start3A_13 : memref<5000x128xf32, #tpu.memory_space<hbm>>) target(%arg6 : memref<200x128xf32, #tpu.memory_space<vmem>>) offsets(%arg5 : memref<200xi32, #tpu.memory_space<vmem>>) semaphore(%arg7 : memref<!tpu.dma_semaphore, #tpu.memory_space<semaphore_mem>>)
      %dma_wait3A = arith.constant 0 : i32
      %dma_wait3A_14 = arith.constant 0 : i32
      %dma_wait3A_15 = tpu.memref_slice %arg2[%dma_wait3A, %dma_wait3A_14] : memref<5000x128xf32, #tpu.memory_space<hbm>> -> memref<5000x128xf32, #tpu.memory_space<hbm>>
      tpu.wait_indirect_dma semaphore(%arg7 : memref<!tpu.dma_semaphore, #tpu.memory_space<semaphore_mem>>) src(%dma_wait3A_15 : memref<5000x128xf32, #tpu.memory_space<hbm>>) dst(%arg6 : memref<200x128xf32, #tpu.memory_space<vmem>>)
      "tpu.region"() ({
        %run_scoped3A = tpu.sem_alloc : memref<!tpu.dma_semaphore, #tpu.memory_space<semaphore_mem>>
        %dma_start3A_16 = arith.constant 0 : i32
        %dma_start3A_17 = tpu.memref_slice %arg4[%add3A_11, %dma_start3A_16] : memref<160000x128xf32, #tpu.memory_space<hbm>> -> memref<200x128xf32, #tpu.memory_space<hbm>>
        %dma_start3A_18 = arith.constant 0 : i32
        %dma_start3A_19 = tpu.memref_slice %arg4[%add3A_11, %dma_start3A_18] : memref<160000x128xf32, #tpu.memory_space<hbm>> -> memref<200x128xf32, #tpu.memory_space<hbm>>
        tpu.enqueue_dma source(%arg6 : memref<200x128xf32, #tpu.memory_space<vmem>>) target(%dma_start3A_19 : memref<200x128xf32, #tpu.memory_space<hbm>>) target_semaphore(%run_scoped3A : memref<!tpu.dma_semaphore, #tpu.memory_space<semaphore_mem>>)
        %dma_wait3A_20 = arith.constant 0 : i32
        %dma_wait3A_21 = tpu.memref_slice %arg4[%add3A_11, %dma_wait3A_20] : memref<160000x128xf32, #tpu.memory_space<hbm>> -> memref<200x128xf32, #tpu.memory_space<hbm>>
        %dma_wait3A_22 = arith.constant 0 : i32
        %dma_wait3A_23 = tpu.memref_slice %arg4[%add3A_11, %dma_wait3A_22] : memref<160000x128xf32, #tpu.memory_space<hbm>> -> memref<200x128xf32, #tpu.memory_space<hbm>>
        tpu.wait_dma2 semaphore(%run_scoped3A : memref<!tpu.dma_semaphore, #tpu.memory_space<semaphore_mem>>) src(%arg6 : memref<200x128xf32, #tpu.memory_space<vmem>>) dst(%dma_wait3A_23 : memref<200x128xf32, #tpu.memory_space<hbm>>)
        tpu.yield
      }) : () -> ()
    }
    %scan3A_7 = arith.constant 25 : i32
    return
  }
}

#map = affine_map<(d0, d1) -> (0, 0)>
#map1 = affine_map<(d0, d1) -> (0)>
module attributes {stable_mosaic.version = 14 : i64} {
  func.func @k(%arg0: i32, %arg1: i32, %arg2: memref<5000x128xf32, #tpu.memory_space<hbm>>, %arg3: memref<160000xi32, #tpu.memory_space<hbm>>, %arg4: memref<160000x128xf32, #tpu.memory_space<hbm>>, %arg5: memref<200xi32, #tpu.memory_space<vmem>>, %arg6: memref<200x128xf32, #tpu.memory_space<vmem>>, %arg7: memref<!tpu.dma_semaphore, #tpu.memory_space<semaphore_mem>>) attributes {dimension_semantics = [#tpu.dimension_semantics<core_parallel>, #tpu.dimension_semantics<subcore_parallel>], iteration_bounds = array<i64: 2, 16>, scalar_prefetch = 0 : i64, scratch_operands = 3 : i64, tpu.core_type = #tpu.core_type<sc_vector_subcore>, window_params = [{transform_indices = #map}, {transform_indices = #map1}, {transform_indices = #map}]} {
    %mul3A = arith.constant 2 : i32
    %mul3A_0 = arith.muli %arg1, %mul3A : i32
    %add3A = arith.addi %mul3A_0, %arg0 : i32
    %mul3A_1 = arith.constant 5000 : i32
    %mul3A_2 = arith.muli %add3A, %mul3A_1 : i32
    %scan3A = arith.constant 0 : i32
    %scan3A_3 = arith.constant 0 : i32
    %scan3A_4 = arith.constant 25 : i32
    %scan3A_5 = arith.addi %scan3A_3, %scan3A_4 : i32
    %scan3A_6 = arith.constant 1 : i32
    scf.for %scan3A_8 = %scan3A_3 to %scan3A_5 step %scan3A_6  : i32 {
      %mul3A_9 = arith.constant 200 : i32
      %mul3A_10 = arith.muli %scan3A_8, %mul3A_9 : i32
      %add3A_11 = arith.addi %mul3A_2, %mul3A_10 : i32
      "tpu.region"() ({
        %run_scoped3A = tpu.sem_alloc : memref<!tpu.dma_semaphore, #tpu.memory_space<semaphore_mem>>
        %dma_start3A_16 = tpu.memref_slice %arg3[%add3A_11] : memref<160000xi32, #tpu.memory_space<hbm>> -> memref<200xi32, #tpu.memory_space<hbm>>
        %dma_start3A_17 = tpu.memref_slice %arg3[%add3A_11] : memref<160000xi32, #tpu.memory_space<hbm>> -> memref<200xi32, #tpu.memory_space<hbm>>
        tpu.enqueue_dma source(%dma_start3A_17 : memref<200xi32, #tpu.memory_space<hbm>>) target(%arg5 : memref<200xi32, #tpu.memory_space<vmem>>) target_semaphore(%run_scoped3A : memref<!tpu.dma_semaphore, #tpu.memory_space<semaphore_mem>>)
        %dma_wait3A_18 = tpu.memref_slice %arg3[%add3A_11] : memref<160000xi32, #tpu.memory_space<hbm>> -> memref<200xi32, #tpu.memory_space<hbm>>
        %dma_wait3A_19 = tpu.memref_slice %arg3[%add3A_11] : memref<160000xi32, #tpu.memory_space<hbm>> -> memref<200xi32, #tpu.memory_space<hbm>>
        tpu.wait_dma2 semaphore(%run_scoped3A : memref<!tpu.dma_semaphore, #tpu.memory_space<semaphore_mem>>) src(%dma_wait3A_19 : memref<200xi32, #tpu.memory_space<hbm>>) dst(%arg5 : memref<200xi32, #tpu.memory_space<vmem>>)
        tpu.yield
      }) : () -> ()
      %dma_start3A = arith.constant 0 : i32
      %dma_start3A_12 = arith.constant 0 : i32
      %dma_start3A_13 = tpu.memref_slice %arg2[%dma_start3A, %dma_start3A_12] : memref<5000x128xf32, #tpu.memory_space<hbm>> -> memref<5000x128xf32, #tpu.memory_space<hbm>>
      tpu.enqueue_indirect_dma source(%dma_start3A_13 : memref<5000x128xf32, #tpu.memory_space<hbm>>) target(%arg6 : memref<200x128xf32, #tpu.memory_space<vmem>>) offsets(%arg5 : memref<200xi32, #tpu.memory_space<vmem>>) semaphore(%arg7 : memref<!tpu.dma_semaphore, #tpu.memory_space<semaphore_mem>>)
      %dma_wait3A = arith.constant 0 : i32
      %dma_wait3A_14 = arith.constant 0 : i32
      %dma_wait3A_15 = tpu.memref_slice %arg2[%dma_wait3A, %dma_wait3A_14] : memref<5000x128xf32, #tpu.memory_space<hbm>> -> memref<5000x128xf32, #tpu.memory_space<hbm>>
      tpu.wait_indirect_dma semaphore(%arg7 : memref<!tpu.dma_semaphore, #tpu.memory_space<semaphore_mem>>) src(%dma_wait3A_15 : memref<5000x128xf32, #tpu.memory_space<hbm>>) dst(%arg6 : memref<200x128xf32, #tpu.memory_space<vmem>>)
      "tpu.region"() ({
        %run_scoped3A = tpu.sem_alloc : memref<!tpu.dma_semaphore, #tpu.memory_space<semaphore_mem>>
        %dma_start3A_16 = arith.constant 0 : i32
        %dma_start3A_17 = tpu.memref_slice %arg4[%add3A_11, %dma_start3A_16] : memref<160000x128xf32, #tpu.memory_space<hbm>> -> memref<200x128xf32, #tpu.memory_space<hbm>>
        %dma_start3A_18 = arith.constant 0 : i32
        %dma_start3A_19 = tpu.memref_slice %arg4[%add3A_11, %dma_start3A_18] : memref<160000x128xf32, #tpu.memory_space<hbm>> -> memref<200x128xf32, #tpu.memory_space<hbm>>
        tpu.enqueue_dma source(%arg6 : memref<200x128xf32, #tpu.memory_space<vmem>>) target(%dma_start3A_19 : memref<200x128xf32, #tpu.memory_space<hbm>>) target_semaphore(%run_scoped3A : memref<!tpu.dma_semaphore, #tpu.memory_space<semaphore_mem>>)
        %dma_wait3A_20 = arith.constant 0 : i32
        %dma_wait3A_21 = tpu.memref_slice %arg4[%add3A_11, %dma_wait3A_20] : memref<160000x128xf32, #tpu.memory_space<hbm>> -> memref<200x128xf32, #tpu.memory_space<hbm>>
        %dma_wait3A_22 = arith.constant 0 : i32
        %dma_wait3A_23 = tpu.memref_slice %arg4[%add3A_11, %dma_wait3A_22] : memref<160000x128xf32, #tpu.memory_space<hbm>> -> memref<200x128xf32, #tpu.memory_space<hbm>>
        tpu.wait_dma2 semaphore(%run_scoped3A : memref<!tpu.dma_semaphore, #tpu.memory_space<semaphore_mem>>) src(%arg6 : memref<200x128xf32, #tpu.memory_space<vmem>>) dst(%dma_wait3A_23 : memref<200x128xf32, #tpu.memory_space<hbm>>)
        tpu.yield
      }) : () -> ()
    }
    %scan3A_7 = arith.constant 25 : i32
    return
  }
}

#map = affine_map<(d0, d1) -> (0, 0)>
#map1 = affine_map<(d0, d1) -> (0)>
module attributes {stable_mosaic.version = 14 : i64} {
  func.func @k(%arg0: i32, %arg1: i32, %arg2: memref<5000x128xf32, #tpu.memory_space<hbm>>, %arg3: memref<160000xi32, #tpu.memory_space<hbm>>, %arg4: memref<160000x128xf32, #tpu.memory_space<hbm>>, %arg5: memref<200xi32, #tpu.memory_space<vmem>>, %arg6: memref<200x128xf32, #tpu.memory_space<vmem>>, %arg7: memref<!tpu.dma_semaphore, #tpu.memory_space<semaphore_mem>>) attributes {dimension_semantics = [#tpu.dimension_semantics<core_parallel>, #tpu.dimension_semantics<subcore_parallel>], iteration_bounds = array<i64: 2, 16>, scalar_prefetch = 0 : i64, scratch_operands = 3 : i64, tpu.core_type = #tpu.core_type<sc_vector_subcore>, window_params = [{transform_indices = #map}, {transform_indices = #map1}, {transform_indices = #map}]} {
    %mul3A = arith.constant 2 : i32
    %mul3A_0 = arith.muli %arg1, %mul3A : i32
    %add3A = arith.addi %mul3A_0, %arg0 : i32
    %mul3A_1 = arith.constant 5000 : i32
    %mul3A_2 = arith.muli %add3A, %mul3A_1 : i32
    %scan3A = arith.constant 0 : i32
    %scan3A_3 = arith.constant 0 : i32
    %scan3A_4 = arith.constant 25 : i32
    %scan3A_5 = arith.addi %scan3A_3, %scan3A_4 : i32
    %scan3A_6 = arith.constant 1 : i32
    scf.for %scan3A_8 = %scan3A_3 to %scan3A_5 step %scan3A_6  : i32 {
      %mul3A_9 = arith.constant 200 : i32
      %mul3A_10 = arith.muli %scan3A_8, %mul3A_9 : i32
      %add3A_11 = arith.addi %mul3A_2, %mul3A_10 : i32
      "tpu.region"() ({
        %run_scoped3A = tpu.sem_alloc : memref<!tpu.dma_semaphore, #tpu.memory_space<semaphore_mem>>
        %dma_start3A_16 = tpu.memref_slice %arg3[%add3A_11] : memref<160000xi32, #tpu.memory_space<hbm>> -> memref<200xi32, #tpu.memory_space<hbm>>
        %dma_start3A_17 = tpu.memref_slice %arg3[%add3A_11] : memref<160000xi32, #tpu.memory_space<hbm>> -> memref<200xi32, #tpu.memory_space<hbm>>
        tpu.enqueue_dma source(%dma_start3A_17 : memref<200xi32, #tpu.memory_space<hbm>>) target(%arg5 : memref<200xi32, #tpu.memory_space<vmem>>) target_semaphore(%run_scoped3A : memref<!tpu.dma_semaphore, #tpu.memory_space<semaphore_mem>>)
        %dma_wait3A_18 = tpu.memref_slice %arg3[%add3A_11] : memref<160000xi32, #tpu.memory_space<hbm>> -> memref<200xi32, #tpu.memory_space<hbm>>
        %dma_wait3A_19 = tpu.memref_slice %arg3[%add3A_11] : memref<160000xi32, #tpu.memory_space<hbm>> -> memref<200xi32, #tpu.memory_space<hbm>>
        tpu.wait_dma2 semaphore(%run_scoped3A : memref<!tpu.dma_semaphore, #tpu.memory_space<semaphore_mem>>) src(%dma_wait3A_19 : memref<200xi32, #tpu.memory_space<hbm>>) dst(%arg5 : memref<200xi32, #tpu.memory_space<vmem>>)
        tpu.yield
      }) : () -> ()
      %dma_start3A = arith.constant 0 : i32
      %dma_start3A_12 = arith.constant 0 : i32
      %dma_start3A_13 = tpu.memref_slice %arg2[%dma_start3A, %dma_start3A_12] : memref<5000x128xf32, #tpu.memory_space<hbm>> -> memref<5000x128xf32, #tpu.memory_space<hbm>>
      tpu.enqueue_indirect_dma source(%dma_start3A_13 : memref<5000x128xf32, #tpu.memory_space<hbm>>) target(%arg6 : memref<200x128xf32, #tpu.memory_space<vmem>>) offsets(%arg5 : memref<200xi32, #tpu.memory_space<vmem>>) semaphore(%arg7 : memref<!tpu.dma_semaphore, #tpu.memory_space<semaphore_mem>>)
      %dma_wait3A = arith.constant 0 : i32
      %dma_wait3A_14 = arith.constant 0 : i32
      %dma_wait3A_15 = tpu.memref_slice %arg2[%dma_wait3A, %dma_wait3A_14] : memref<5000x128xf32, #tpu.memory_space<hbm>> -> memref<5000x128xf32, #tpu.memory_space<hbm>>
      tpu.wait_indirect_dma semaphore(%arg7 : memref<!tpu.dma_semaphore, #tpu.memory_space<semaphore_mem>>) src(%dma_wait3A_15 : memref<5000x128xf32, #tpu.memory_space<hbm>>) dst(%arg6 : memref<200x128xf32, #tpu.memory_space<vmem>>)
      "tpu.region"() ({
        %run_scoped3A = tpu.sem_alloc : memref<!tpu.dma_semaphore, #tpu.memory_space<semaphore_mem>>
        %dma_start3A_16 = arith.constant 0 : i32
        %dma_start3A_17 = tpu.memref_slice %arg4[%add3A_11, %dma_start3A_16] : memref<160000x128xf32, #tpu.memory_space<hbm>> -> memref<200x128xf32, #tpu.memory_space<hbm>>
        %dma_start3A_18 = arith.constant 0 : i32
        %dma_start3A_19 = tpu.memref_slice %arg4[%add3A_11, %dma_start3A_18] : memref<160000x128xf32, #tpu.memory_space<hbm>> -> memref<200x128xf32, #tpu.memory_space<hbm>>
        tpu.enqueue_dma source(%arg6 : memref<200x128xf32, #tpu.memory_space<vmem>>) target(%dma_start3A_19 : memref<200x128xf32, #tpu.memory_space<hbm>>) target_semaphore(%run_scoped3A : memref<!tpu.dma_semaphore, #tpu.memory_space<semaphore_mem>>)
        %dma_wait3A_20 = arith.constant 0 : i32
        %dma_wait3A_21 = tpu.memref_slice %arg4[%add3A_11, %dma_wait3A_20] : memref<160000x128xf32, #tpu.memory_space<hbm>> -> memref<200x128xf32, #tpu.memory_space<hbm>>
        %dma_wait3A_22 = arith.constant 0 : i32
        %dma_wait3A_23 = tpu.memref_slice %arg4[%add3A_11, %dma_wait3A_22] : memref<160000x128xf32, #tpu.memory_space<hbm>> -> memref<200x128xf32, #tpu.memory_space<hbm>>
        tpu.wait_dma2 semaphore(%run_scoped3A : memref<!tpu.dma_semaphore, #tpu.memory_space<semaphore_mem>>) src(%arg6 : memref<200x128xf32, #tpu.memory_space<vmem>>) dst(%dma_wait3A_23 : memref<200x128xf32, #tpu.memory_space<hbm>>)
        tpu.yield
      }) : () -> ()
    }
    %scan3A_7 = arith.constant 25 : i32
    return
  }
}

#map = affine_map<(d0, d1) -> (0, 0)>
#map1 = affine_map<(d0, d1) -> (0)>
module attributes {stable_mosaic.version = 14 : i64} {
  func.func @k(%arg0: i32, %arg1: i32, %arg2: memref<5000x128xf32, #tpu.memory_space<hbm>>, %arg3: memref<160000xi32, #tpu.memory_space<hbm>>, %arg4: memref<160000x128xf32, #tpu.memory_space<hbm>>, %arg5: memref<200xi32, #tpu.memory_space<vmem>>, %arg6: memref<200x128xf32, #tpu.memory_space<vmem>>, %arg7: memref<!tpu.dma_semaphore, #tpu.memory_space<semaphore_mem>>) attributes {dimension_semantics = [#tpu.dimension_semantics<core_parallel>, #tpu.dimension_semantics<subcore_parallel>], iteration_bounds = array<i64: 2, 16>, scalar_prefetch = 0 : i64, scratch_operands = 3 : i64, tpu.core_type = #tpu.core_type<sc_vector_subcore>, window_params = [{transform_indices = #map}, {transform_indices = #map1}, {transform_indices = #map}]} {
    %mul3A = arith.constant 2 : i32
    %mul3A_0 = arith.muli %arg1, %mul3A : i32
    %add3A = arith.addi %mul3A_0, %arg0 : i32
    %mul3A_1 = arith.constant 5000 : i32
    %mul3A_2 = arith.muli %add3A, %mul3A_1 : i32
    %scan3A = arith.constant 0 : i32
    %scan3A_3 = arith.constant 0 : i32
    %scan3A_4 = arith.constant 25 : i32
    %scan3A_5 = arith.addi %scan3A_3, %scan3A_4 : i32
    %scan3A_6 = arith.constant 1 : i32
    scf.for %scan3A_8 = %scan3A_3 to %scan3A_5 step %scan3A_6  : i32 {
      %mul3A_9 = arith.constant 200 : i32
      %mul3A_10 = arith.muli %scan3A_8, %mul3A_9 : i32
      %add3A_11 = arith.addi %mul3A_2, %mul3A_10 : i32
      "tpu.region"() ({
        %run_scoped3A = tpu.sem_alloc : memref<!tpu.dma_semaphore, #tpu.memory_space<semaphore_mem>>
        %dma_start3A_16 = tpu.memref_slice %arg3[%add3A_11] : memref<160000xi32, #tpu.memory_space<hbm>> -> memref<200xi32, #tpu.memory_space<hbm>>
        %dma_start3A_17 = tpu.memref_slice %arg3[%add3A_11] : memref<160000xi32, #tpu.memory_space<hbm>> -> memref<200xi32, #tpu.memory_space<hbm>>
        tpu.enqueue_dma source(%dma_start3A_17 : memref<200xi32, #tpu.memory_space<hbm>>) target(%arg5 : memref<200xi32, #tpu.memory_space<vmem>>) target_semaphore(%run_scoped3A : memref<!tpu.dma_semaphore, #tpu.memory_space<semaphore_mem>>)
        %dma_wait3A_18 = tpu.memref_slice %arg3[%add3A_11] : memref<160000xi32, #tpu.memory_space<hbm>> -> memref<200xi32, #tpu.memory_space<hbm>>
        %dma_wait3A_19 = tpu.memref_slice %arg3[%add3A_11] : memref<160000xi32, #tpu.memory_space<hbm>> -> memref<200xi32, #tpu.memory_space<hbm>>
        tpu.wait_dma2 semaphore(%run_scoped3A : memref<!tpu.dma_semaphore, #tpu.memory_space<semaphore_mem>>) src(%dma_wait3A_19 : memref<200xi32, #tpu.memory_space<hbm>>) dst(%arg5 : memref<200xi32, #tpu.memory_space<vmem>>)
        tpu.yield
      }) : () -> ()
      %dma_start3A = arith.constant 0 : i32
      %dma_start3A_12 = arith.constant 0 : i32
      %dma_start3A_13 = tpu.memref_slice %arg2[%dma_start3A, %dma_start3A_12] : memref<5000x128xf32, #tpu.memory_space<hbm>> -> memref<5000x128xf32, #tpu.memory_space<hbm>>
      tpu.enqueue_indirect_dma source(%dma_start3A_13 : memref<5000x128xf32, #tpu.memory_space<hbm>>) target(%arg6 : memref<200x128xf32, #tpu.memory_space<vmem>>) offsets(%arg5 : memref<200xi32, #tpu.memory_space<vmem>>) semaphore(%arg7 : memref<!tpu.dma_semaphore, #tpu.memory_space<semaphore_mem>>)
      %dma_wait3A = arith.constant 0 : i32
      %dma_wait3A_14 = arith.constant 0 : i32
      %dma_wait3A_15 = tpu.memref_slice %arg2[%dma_wait3A, %dma_wait3A_14] : memref<5000x128xf32, #tpu.memory_space<hbm>> -> memref<5000x128xf32, #tpu.memory_space<hbm>>
      tpu.wait_indirect_dma semaphore(%arg7 : memref<!tpu.dma_semaphore, #tpu.memory_space<semaphore_mem>>) src(%dma_wait3A_15 : memref<5000x128xf32, #tpu.memory_space<hbm>>) dst(%arg6 : memref<200x128xf32, #tpu.memory_space<vmem>>)
      "tpu.region"() ({
        %run_scoped3A = tpu.sem_alloc : memref<!tpu.dma_semaphore, #tpu.memory_space<semaphore_mem>>
        %dma_start3A_16 = arith.constant 0 : i32
        %dma_start3A_17 = tpu.memref_slice %arg4[%add3A_11, %dma_start3A_16] : memref<160000x128xf32, #tpu.memory_space<hbm>> -> memref<200x128xf32, #tpu.memory_space<hbm>>
        %dma_start3A_18 = arith.constant 0 : i32
        %dma_start3A_19 = tpu.memref_slice %arg4[%add3A_11, %dma_start3A_18] : memref<160000x128xf32, #tpu.memory_space<hbm>> -> memref<200x128xf32, #tpu.memory_space<hbm>>
        tpu.enqueue_dma source(%arg6 : memref<200x128xf32, #tpu.memory_space<vmem>>) target(%dma_start3A_19 : memref<200x128xf32, #tpu.memory_space<hbm>>) target_semaphore(%run_scoped3A : memref<!tpu.dma_semaphore, #tpu.memory_space<semaphore_mem>>)
        %dma_wait3A_20 = arith.constant 0 : i32
        %dma_wait3A_21 = tpu.memref_slice %arg4[%add3A_11, %dma_wait3A_20] : memref<160000x128xf32, #tpu.memory_space<hbm>> -> memref<200x128xf32, #tpu.memory_space<hbm>>
        %dma_wait3A_22 = arith.constant 0 : i32
        %dma_wait3A_23 = tpu.memref_slice %arg4[%add3A_11, %dma_wait3A_22] : memref<160000x128xf32, #tpu.memory_space<hbm>> -> memref<200x128xf32, #tpu.memory_space<hbm>>
        tpu.wait_dma2 semaphore(%run_scoped3A : memref<!tpu.dma_semaphore, #tpu.memory_space<semaphore_mem>>) src(%arg6 : memref<200x128xf32, #tpu.memory_space<vmem>>) dst(%dma_wait3A_23 : memref<200x128xf32, #tpu.memory_space<hbm>>)
        tpu.yield
      }) : () -> ()
    }
    %scan3A_7 = arith.constant 25 : i32
    return
  }
}

#map = affine_map<(d0, d1) -> (0, 0)>
#map1 = affine_map<(d0, d1) -> (0)>
module attributes {stable_mosaic.version = 14 : i64} {
  func.func @k(%arg0: i32, %arg1: i32, %arg2: memref<5000x128xf32, #tpu.memory_space<hbm>>, %arg3: memref<160000xi32, #tpu.memory_space<hbm>>, %arg4: memref<160000x128xf32, #tpu.memory_space<hbm>>, %arg5: memref<200xi32, #tpu.memory_space<vmem>>, %arg6: memref<200x128xf32, #tpu.memory_space<vmem>>, %arg7: memref<!tpu.dma_semaphore, #tpu.memory_space<semaphore_mem>>) attributes {dimension_semantics = [#tpu.dimension_semantics<core_parallel>, #tpu.dimension_semantics<subcore_parallel>], iteration_bounds = array<i64: 2, 16>, scalar_prefetch = 0 : i64, scratch_operands = 3 : i64, tpu.core_type = #tpu.core_type<sc_vector_subcore>, window_params = [{transform_indices = #map}, {transform_indices = #map1}, {transform_indices = #map}]} {
    %mul3A = arith.constant 2 : i32
    %mul3A_0 = arith.muli %arg1, %mul3A : i32
    %add3A = arith.addi %mul3A_0, %arg0 : i32
    %mul3A_1 = arith.constant 5000 : i32
    %mul3A_2 = arith.muli %add3A, %mul3A_1 : i32
    %scan3A = arith.constant 0 : i32
    %scan3A_3 = arith.constant 0 : i32
    %scan3A_4 = arith.constant 25 : i32
    %scan3A_5 = arith.addi %scan3A_3, %scan3A_4 : i32
    %scan3A_6 = arith.constant 1 : i32
    scf.for %scan3A_8 = %scan3A_3 to %scan3A_5 step %scan3A_6  : i32 {
      %mul3A_9 = arith.constant 200 : i32
      %mul3A_10 = arith.muli %scan3A_8, %mul3A_9 : i32
      %add3A_11 = arith.addi %mul3A_2, %mul3A_10 : i32
      "tpu.region"() ({
        %run_scoped3A = tpu.sem_alloc : memref<!tpu.dma_semaphore, #tpu.memory_space<semaphore_mem>>
        %dma_start3A_16 = tpu.memref_slice %arg3[%add3A_11] : memref<160000xi32, #tpu.memory_space<hbm>> -> memref<200xi32, #tpu.memory_space<hbm>>
        %dma_start3A_17 = tpu.memref_slice %arg3[%add3A_11] : memref<160000xi32, #tpu.memory_space<hbm>> -> memref<200xi32, #tpu.memory_space<hbm>>
        tpu.enqueue_dma source(%dma_start3A_17 : memref<200xi32, #tpu.memory_space<hbm>>) target(%arg5 : memref<200xi32, #tpu.memory_space<vmem>>) target_semaphore(%run_scoped3A : memref<!tpu.dma_semaphore, #tpu.memory_space<semaphore_mem>>)
        %dma_wait3A_18 = tpu.memref_slice %arg3[%add3A_11] : memref<160000xi32, #tpu.memory_space<hbm>> -> memref<200xi32, #tpu.memory_space<hbm>>
        %dma_wait3A_19 = tpu.memref_slice %arg3[%add3A_11] : memref<160000xi32, #tpu.memory_space<hbm>> -> memref<200xi32, #tpu.memory_space<hbm>>
        tpu.wait_dma2 semaphore(%run_scoped3A : memref<!tpu.dma_semaphore, #tpu.memory_space<semaphore_mem>>) src(%dma_wait3A_19 : memref<200xi32, #tpu.memory_space<hbm>>) dst(%arg5 : memref<200xi32, #tpu.memory_space<vmem>>)
        tpu.yield
      }) : () -> ()
      %dma_start3A = arith.constant 0 : i32
      %dma_start3A_12 = arith.constant 0 : i32
      %dma_start3A_13 = tpu.memref_slice %arg2[%dma_start3A, %dma_start3A_12] : memref<5000x128xf32, #tpu.memory_space<hbm>> -> memref<5000x128xf32, #tpu.memory_space<hbm>>
      tpu.enqueue_indirect_dma source(%dma_start3A_13 : memref<5000x128xf32, #tpu.memory_space<hbm>>) target(%arg6 : memref<200x128xf32, #tpu.memory_space<vmem>>) offsets(%arg5 : memref<200xi32, #tpu.memory_space<vmem>>) semaphore(%arg7 : memref<!tpu.dma_semaphore, #tpu.memory_space<semaphore_mem>>)
      %dma_wait3A = arith.constant 0 : i32
      %dma_wait3A_14 = arith.constant 0 : i32
      %dma_wait3A_15 = tpu.memref_slice %arg2[%dma_wait3A, %dma_wait3A_14] : memref<5000x128xf32, #tpu.memory_space<hbm>> -> memref<5000x128xf32, #tpu.memory_space<hbm>>
      tpu.wait_indirect_dma semaphore(%arg7 : memref<!tpu.dma_semaphore, #tpu.memory_space<semaphore_mem>>) src(%dma_wait3A_15 : memref<5000x128xf32, #tpu.memory_space<hbm>>) dst(%arg6 : memref<200x128xf32, #tpu.memory_space<vmem>>)
      "tpu.region"() ({
        %run_scoped3A = tpu.sem_alloc : memref<!tpu.dma_semaphore, #tpu.memory_space<semaphore_mem>>
        %dma_start3A_16 = arith.constant 0 : i32
        %dma_start3A_17 = tpu.memref_slice %arg4[%add3A_11, %dma_start3A_16] : memref<160000x128xf32, #tpu.memory_space<hbm>> -> memref<200x128xf32, #tpu.memory_space<hbm>>
        %dma_start3A_18 = arith.constant 0 : i32
        %dma_start3A_19 = tpu.memref_slice %arg4[%add3A_11, %dma_start3A_18] : memref<160000x128xf32, #tpu.memory_space<hbm>> -> memref<200x128xf32, #tpu.memory_space<hbm>>
        tpu.enqueue_dma source(%arg6 : memref<200x128xf32, #tpu.memory_space<vmem>>) target(%dma_start3A_19 : memref<200x128xf32, #tpu.memory_space<hbm>>) target_semaphore(%run_scoped3A : memref<!tpu.dma_semaphore, #tpu.memory_space<semaphore_mem>>)
        %dma_wait3A_20 = arith.constant 0 : i32
        %dma_wait3A_21 = tpu.memref_slice %arg4[%add3A_11, %dma_wait3A_20] : memref<160000x128xf32, #tpu.memory_space<hbm>> -> memref<200x128xf32, #tpu.memory_space<hbm>>
        %dma_wait3A_22 = arith.constant 0 : i32
        %dma_wait3A_23 = tpu.memref_slice %arg4[%add3A_11, %dma_wait3A_22] : memref<160000x128xf32, #tpu.memory_space<hbm>> -> memref<200x128xf32, #tpu.memory_space<hbm>>
        tpu.wait_dma2 semaphore(%run_scoped3A : memref<!tpu.dma_semaphore, #tpu.memory_space<semaphore_mem>>) src(%arg6 : memref<200x128xf32, #tpu.memory_space<vmem>>) dst(%dma_wait3A_23 : memref<200x128xf32, #tpu.memory_space<hbm>>)
        tpu.yield
      }) : () -> ()
    }
    %scan3A_7 = arith.constant 25 : i32
    return
  }
}

module attributes {stable_mosaic.version = 14 : i64} {
  func.func @_embed_body(%arg0: i32, %arg1: memref<200x1xi32, #tpu.memory_space<vmem>>, %arg2: memref<128x128xf32, #tpu.memory_space<vmem>>, %arg3: memref<200x128xf32, #tpu.memory_space<vmem>>) attributes {dimension_semantics = [#tpu.dimension_semantics<arbitrary>], iteration_bounds = array<i64: 25>, scalar_prefetch = 0 : i64, scratch_operands = 0 : i64, tpu.core_type = #tpu.core_type<tc>, window_params = [{transform_indices = @transform_0, window_bounds = array<i64: 200, 1>}, {pipeline_mode = #tpu.pipeline_mode<synchronous>, transform_indices = @transform_1, window_bounds = array<i64: 128, 128>}, {transform_indices = @transform_2, window_bounds = array<i64: 200, 128>}]} {
    %iota3A = tpu.iota {dimensions = array<i32: 1>} : vector<200x128xi32>
    %get3A = arith.constant 0 : index
    %get3A_0 = arith.constant 0 : index
    %get3A_1 = vector.load %arg1[%get3A, %get3A_0] : memref<200x1xi32, #tpu.memory_space<vmem>>, vector<200x1xi32>
    %eq3A = vector.broadcast %get3A_1 : vector<200x1xi32> to vector<200x128xi32>
    %eq3A_2 = arith.cmpi eq, %iota3A, %eq3A : vector<200x128xi32>
    %convert_element_type3A = arith.extui %eq3A_2 : vector<200x128xi1> to vector<200x128xi32>
    %convert_element_type3A_3 = arith.sitofp %convert_element_type3A : vector<200x128xi32> to vector<200x128xf32>
    %get3A_4 = arith.constant 0 : index
    %get3A_5 = arith.constant 0 : index
    %get3A_6 = vector.load %arg2[%get3A_4, %get3A_5] : memref<128x128xf32, #tpu.memory_space<vmem>>, vector<128x128xf32>
    %dot_general3A = arith.constant dense<0.000000e+00> : vector<200x128xf32>
    %dot_general3A_7 = tpu.matmul %convert_element_type3A_3, %get3A_6, %dot_general3A {dimension_numbers = #tpu.dot_dimension_numbers<[1], [0], [0], [1], [0, 0, 1, 1], [], []>, transpose_lhs_hint = false} : vector<200x128xf32>, vector<128x128xf32>, vector<200x128xf32> -> vector<200x128xf32>
    %swap3A = arith.constant 0 : index
    %swap3A_8 = arith.constant 0 : index
    %swap3A_9 = vector.load %arg3[%swap3A, %swap3A_8] : memref<200x128xf32, #tpu.memory_space<vmem>>, vector<200x128xf32>
    tpu.vector_store %arg3[%swap3A, %swap3A_8], %dot_general3A_7 {strides = array<i32>} : memref<200x128xf32, #tpu.memory_space<vmem>>, vector<200x128xf32>,
    return
  }
  func.func @transform_0(%arg0: i32) -> (i32, i32) {
    %c0_i32 = arith.constant 0 : i32
    %c0_i32_0 = arith.constant 0 : i32
    return %arg0, %c0_i32 : i32, i32
  }
  func.func @transform_1(%arg0: i32) -> (i32, i32) {
    %c0_i32 = arith.constant 0 : i32
    %c0_i32_0 = arith.constant 0 : i32
    %c0_i32_1 = arith.constant 0 : i32
    return %c0_i32, %c0_i32_0 : i32, i32
  }
  func.func @transform_2(%arg0: i32) -> (i32, i32) {
    %c0_i32 = arith.constant 0 : i32
    %c0_i32_0 = arith.constant 0 : i32
    return %arg0, %c0_i32 : i32, i32
  }
}

module attributes {stable_mosaic.version = 14 : i64} {
  func.func @_a0_body(%arg0: i32, %arg1: memref<200x32xf32, #tpu.memory_space<vmem>>, %arg2: memref<6400x128xf32, #tpu.memory_space<vmem>>, %arg3: memref<200x128xf32, #tpu.memory_space<vmem>>, %arg4: memref<1x128xf32, #tpu.memory_space<vmem>>, %arg5: memref<128x128xf32, #tpu.memory_space<vmem>>, %arg6: memref<1x128xf32, #tpu.memory_space<vmem>>, %arg7: memref<128x128xf32, #tpu.memory_space<vmem>>, %arg8: memref<1x128xf32, #tpu.memory_space<vmem>>, %arg9: memref<200x128xf32, #tpu.memory_space<vmem>>) attributes {dimension_semantics = [#tpu.dimension_semantics<arbitrary>], iteration_bounds = array<i64: 25>, scalar_prefetch = 0 : i64, scratch_operands = 0 : i64, tpu.core_type = #tpu.core_type<tc>, window_params = [{transform_indices = @transform_0, window_bounds = array<i64: 200, 32>}, {transform_indices = @transform_1, window_bounds = array<i64: 6400, 128>}, {transform_indices = @transform_2, window_bounds = array<i64: 200, 128>}, {pipeline_mode = #tpu.pipeline_mode<synchronous>, transform_indices = @transform_3, window_bounds = array<i64: 1, 128>}, {pipeline_mode = #tpu.pipeline_mode<synchronous>, transform_indices = @transform_4, window_bounds = array<i64: 128, 128>}, {pipeline_mode = #tpu.pipeline_mode<synchronous>, transform_indices = @transform_5, window_bounds = array<i64: 1, 128>}, {pipeline_mode = #tpu.pipeline_mode<synchronous>, transform_indices = @transform_6, window_bounds = array<i64: 128, 128>}, {pipeline_mode = #tpu.pipeline_mode<synchronous>, transform_indices = @transform_7, window_bounds = array<i64: 1, 128>}, {transform_indices = @transform_8, window_bounds = array<i64: 200, 128>}]} {
    %get3A = arith.constant 0 : index
    %get3A_0 = arith.constant 0 : index
    %get3A_1 = vector.load %arg1[%get3A, %get3A_0] : memref<200x32xf32, #tpu.memory_space<vmem>>, vector<200x32xf32>
    %get3A_2 = arith.constant 0 : index
    %get3A_3 = arith.constant 0 : index
    %get3A_4 = vector.load %arg4[%get3A_2, %get3A_3] : memref<1x128xf32, #tpu.memory_space<vmem>>, vector<1x128xf32>
    %broadcast_in_dim3A = vector.shape_cast %get3A_1 : vector<200x32xf32> to vector<200x32x1xf32>
    %reshape3A = vector.shape_cast %get3A_4 : vector<1x128xf32> to vector<1x1x128xf32>
    %sub3A = vector.broadcast %broadcast_in_dim3A : vector<200x32x1xf32> to vector<200x32x128xf32>
    %sub3A_5 = vector.broadcast %reshape3A : vector<1x1x128xf32> to vector<200x32x128xf32>
    %sub3A_6 = arith.subf %sub3A, %sub3A_5 : vector<200x32x128xf32>
    %mul3A = arith.constant -266.595032 : f32
    %mul3A_7 = vector.broadcast %mul3A : f32 to vector<200x32x128xf32>
    %mul3A_8 = arith.mulf %mul3A_7, %sub3A_6 : vector<200x32x128xf32>
    %mul3A_9 = arith.mulf %mul3A_8, %sub3A_6 : vector<200x32x128xf32>
    %exp3A = math.exp %mul3A_9 : vector<200x32x128xf32>
    %reshape3A_10 = vector.shape_cast %exp3A : vector<200x32x128xf32> to vector<6400x128xf32>
    %get3A_11 = arith.constant 0 : index
    %get3A_12 = arith.constant 0 : index
    %get3A_13 = vector.load %arg2[%get3A_11, %get3A_12] : memref<6400x128xf32, #tpu.memory_space<vmem>>, vector<6400x128xf32>
    %get3A_14 = arith.constant 0 : index
    %get3A_15 = arith.constant 0 : index
    %get3A_16 = vector.load %arg3[%get3A_14, %get3A_15] : memref<200x128xf32, #tpu.memory_space<vmem>>, vector<200x128xf32>
    %get3A_17 = arith.constant 0 : index
    %get3A_18 = arith.constant 0 : index
    %get3A_19 = vector.load %arg5[%get3A_17, %get3A_18] : memref<128x128xf32, #tpu.memory_space<vmem>>, vector<128x128xf32>
    %get3A_20 = arith.constant 0 : index
    %get3A_21 = arith.constant 0 : index
    %get3A_22 = vector.load %arg6[%get3A_20, %get3A_21] : memref<1x128xf32, #tpu.memory_space<vmem>>, vector<1x128xf32>
    %get3A_23 = arith.constant 0 : index
    %get3A_24 = arith.constant 0 : index
    %get3A_25 = vector.load %arg7[%get3A_23, %get3A_24] : memref<128x128xf32, #tpu.memory_space<vmem>>, vector<128x128xf32>
    %get3A_26 = arith.constant 0 : index
    %get3A_27 = arith.constant 0 : index
    %get3A_28 = vector.load %arg8[%get3A_26, %get3A_27] : memref<1x128xf32, #tpu.memory_space<vmem>>, vector<1x128xf32>
    %dot_general3A = arith.constant dense<0.000000e+00> : vector<6400x128xf32>
    %dot_general3A_29 = tpu.matmul %reshape3A_10, %get3A_19, %dot_general3A {dimension_numbers = #tpu.dot_dimension_numbers<[1], [0], [0], [1], [0, 0, 1, 1], [], []>, transpose_lhs_hint = false} : vector<6400x128xf32>, vector<128x128xf32>, vector<6400x128xf32> -> vector<6400x128xf32>
    %add3A = vector.broadcast %get3A_22 : vector<1x128xf32> to vector<6400x128xf32>
    %add3A_30 = arith.addf %dot_general3A_29, %add3A : vector<6400x128xf32>
    %bitcast_convert_type3A = tpu.bitcast %add3A_30 : vector<6400x128xf32> -> vector<6400x128xi32>
    %or3A = arith.constant -2147483648 : i32
    %or3A_31 = vector.broadcast %or3A : i32 to vector<6400x128xi32>
    %or3A_32 = arith.ori %bitcast_convert_type3A, %or3A_31 : vector<6400x128xi32>
    %bitcast_convert_type3A_33 = tpu.bitcast %or3A_32 : vector<6400x128xi32> -> vector<6400x128xf32>
    %max3A = arith.constant 0.000000e+00 : f32
    %max3A_34 = vector.broadcast %max3A : f32 to vector<6400x128xf32>
    %max3A_35 = arith.maximumf %add3A_30, %max3A_34 : vector<6400x128xf32>
    %exp3A_36 = math.exp %bitcast_convert_type3A_33 : vector<6400x128xf32>
    %add3A_37 = arith.constant 1.000000e+00 : f32
    %add3A_38 = vector.broadcast %add3A_37 : f32 to vector<6400x128xf32>
    %add3A_39 = arith.addf %add3A_38, %exp3A_36 : vector<6400x128xf32>
    %log3A = math.log %add3A_39 : vector<6400x128xf32>
    %add3A_40 = arith.addf %max3A_35, %log3A : vector<6400x128xf32>
    %mul3A_41 = arith.mulf %get3A_13, %add3A_40 : vector<6400x128xf32>
    %reshape3A_42 = vector.shape_cast %mul3A_41 : vector<6400x128xf32> to vector<200x32x128xf32>
    %reduce_sum3A = arith.constant dense<0.000000e+00> : vector<200x128xf32>
    %reduce_sum3A_43 = vector.multi_reduction <add>, %reshape3A_42, %reduce_sum3A [1] : vector<200x32x128xf32> to vector<200x128xf32>
    %dot_general3A_44 = arith.constant dense<0.000000e+00> : vector<200x128xf32>
    %dot_general3A_45 = tpu.matmul %reduce_sum3A_43, %get3A_25, %dot_general3A_44 {dimension_numbers = #tpu.dot_dimension_numbers<[1], [0], [0], [1], [0, 0, 1, 1], [], []>, transpose_lhs_hint = false} : vector<200x128xf32>, vector<128x128xf32>, vector<200x128xf32> -> vector<200x128xf32>
    %add3A_46 = vector.broadcast %get3A_28 : vector<1x128xf32> to vector<200x128xf32>
    %add3A_47 = arith.addf %dot_general3A_45, %add3A_46 : vector<200x128xf32>
    %bitcast_convert_type3A_48 = tpu.bitcast %add3A_47 : vector<200x128xf32> -> vector<200x128xi32>
    %or3A_49 = arith.constant -2147483648 : i32
    %or3A_50 = vector.broadcast %or3A_49 : i32 to vector<200x128xi32>
    %or3A_51 = arith.ori %bitcast_convert_type3A_48, %or3A_50 : vector<200x128xi32>
    %bitcast_convert_type3A_52 = tpu.bitcast %or3A_51 : vector<200x128xi32> -> vector<200x128xf32>
    %max3A_53 = arith.constant 0.000000e+00 : f32
    %max3A_54 = vector.broadcast %max3A_53 : f32 to vector<200x128xf32>
    %max3A_55 = arith.maximumf %add3A_47, %max3A_54 : vector<200x128xf32>
    %exp3A_56 = math.exp %bitcast_convert_type3A_52 : vector<200x128xf32>
    %add3A_57 = arith.constant 1.000000e+00 : f32
    %add3A_58 = vector.broadcast %add3A_57 : f32 to vector<200x128xf32>
    %add3A_59 = arith.addf %add3A_58, %exp3A_56 : vector<200x128xf32>
    %log3A_60 = math.log %add3A_59 : vector<200x128xf32>
    %add3A_61 = arith.addf %max3A_55, %log3A_60 : vector<200x128xf32>
    %add3A_62 = arith.addf %get3A_16, %add3A_61 : vector<200x128xf32>
    %swap3A = arith.constant 0 : index
    %swap3A_63 = arith.constant 0 : index
    %swap3A_64 = vector.load %arg9[%swap3A, %swap3A_63] : memref<200x128xf32, #tpu.memory_space<vmem>>, vector<200x128xf32>
    tpu.vector_store %arg9[%swap3A, %swap3A_63], %add3A_62 {strides = array<i32>} : memref<200x128xf32, #tpu.memory_space<vmem>>, vector<200x128xf32>,
    return
  }
  func.func @transform_0(%arg0: i32) -> (i32, i32) {
    %c0_i32 = arith.constant 0 : i32
    %c0_i32_0 = arith.constant 0 : i32
    return %arg0, %c0_i32 : i32, i32
  }
  func.func @transform_1(%arg0: i32) -> (i32, i32) {
    %c0_i32 = arith.constant 0 : i32
    %c0_i32_0 = arith.constant 0 : i32
    return %arg0, %c0_i32 : i32, i32
  }
  func.func @transform_2(%arg0: i32) -> (i32, i32) {
    %c0_i32 = arith.constant 0 : i32
    %c0_i32_0 = arith.constant 0 : i32
    return %arg0, %c0_i32 : i32, i32
  }
  func.func @transform_3(%arg0: i32) -> (i32, i32) {
    %c0_i32 = arith.constant 0 : i32
    %c0_i32_0 = arith.constant 0 : i32
    %c0_i32_1 = arith.constant 0 : i32
    return %c0_i32, %c0_i32_0 : i32, i32
  }
  func.func @transform_4(%arg0: i32) -> (i32, i32) {
    %c0_i32 = arith.constant 0 : i32
    %c0_i32_0 = arith.constant 0 : i32
    %c0_i32_1 = arith.constant 0 : i32
    return %c0_i32, %c0_i32_0 : i32, i32
  }
  func.func @transform_5(%arg0: i32) -> (i32, i32) {
    %c0_i32 = arith.constant 0 : i32
    %c0_i32_0 = arith.constant 0 : i32
    %c0_i32_1 = arith.constant 0 : i32
    return %c0_i32, %c0_i32_0 : i32, i32
  }
  func.func @transform_6(%arg0: i32) -> (i32, i32) {
    %c0_i32 = arith.constant 0 : i32
    %c0_i32_0 = arith.constant 0 : i32
    %c0_i32_1 = arith.constant 0 : i32
    return %c0_i32, %c0_i32_0 : i32, i32
  }
  func.func @transform_7(%arg0: i32) -> (i32, i32) {
    %c0_i32 = arith.constant 0 : i32
    %c0_i32_0 = arith.constant 0 : i32
    %c0_i32_1 = arith.constant 0 : i32
    return %c0_i32, %c0_i32_0 : i32, i32
  }
  func.func @transform_8(%arg0: i32) -> (i32, i32) {
    %c0_i32 = arith.constant 0 : i32
    %c0_i32_0 = arith.constant 0 : i32
    return %arg0, %c0_i32 : i32, i32
  }
}

module attributes {stable_mosaic.version = 14 : i64} {
  func.func @_f0_body(%arg0: i32, %arg1: memref<200x32xf32, #tpu.memory_space<vmem>>, %arg2: memref<6400x128xf32, #tpu.memory_space<vmem>>, %arg3: memref<200x128xf32, #tpu.memory_space<vmem>>, %arg4: memref<1x128xf32, #tpu.memory_space<vmem>>, %arg5: memref<128x128xf32, #tpu.memory_space<vmem>>, %arg6: memref<128x128xf32, #tpu.memory_space<vmem>>, %arg7: memref<128x128xf32, #tpu.memory_space<vmem>>, %arg8: memref<1x128xf32, #tpu.memory_space<vmem>>, %arg9: memref<128x128xf32, #tpu.memory_space<vmem>>, %arg10: memref<1x128xf32, #tpu.memory_space<vmem>>, %arg11: memref<128x128xf32, #tpu.memory_space<vmem>>, %arg12: memref<1x128xf32, #tpu.memory_space<vmem>>, %arg13: memref<6400x128xf32, #tpu.memory_space<vmem>>, %arg14: memref<200x128xf32, #tpu.memory_space<vmem>>) attributes {dimension_semantics = [#tpu.dimension_semantics<arbitrary>], iteration_bounds = array<i64: 25>, scalar_prefetch = 0 : i64, scratch_operands = 0 : i64, tpu.core_type = #tpu.core_type<tc>, window_params = [{transform_indices = @transform_0, window_bounds = array<i64: 200, 32>}, {transform_indices = @transform_1, window_bounds = array<i64: 6400, 128>}, {transform_indices = @transform_2, window_bounds = array<i64: 200, 128>}, {pipeline_mode = #tpu.pipeline_mode<synchronous>, transform_indices = @transform_3, window_bounds = array<i64: 1, 128>}, {pipeline_mode = #tpu.pipeline_mode<synchronous>, transform_indices = @transform_4, window_bounds = array<i64: 128, 128>}, {pipeline_mode = #tpu.pipeline_mode<synchronous>, transform_indices = @transform_5, window_bounds = array<i64: 128, 128>}, {pipeline_mode = #tpu.pipeline_mode<synchronous>, transform_indices = @transform_6, window_bounds = array<i64: 128, 128>}, {pipeline_mode = #tpu.pipeline_mode<synchronous>, transform_indices = @transform_7, window_bounds = array<i64: 1, 128>}, {pipeline_mode = #tpu.pipeline_mode<synchronous>, transform_indices = @transform_8, window_bounds = array<i64: 128, 128>}, {pipeline_mode = #tpu.pipeline_mode<synchronous>, transform_indices = @transform_9, window_bounds = array<i64: 1, 128>}, {pipeline_mode = #tpu.pipeline_mode<synchronous>, transform_indices = @transform_10, window_bounds = array<i64: 128, 128>}, {pipeline_mode = #tpu.pipeline_mode<synchronous>, transform_indices = @transform_11, window_bounds = array<i64: 1, 128>}, {transform_indices = @transform_12, window_bounds = array<i64: 6400, 128>}, {transform_indices = @transform_13, window_bounds = array<i64: 200, 128>}]} {
    %get3A = arith.constant 0 : index
    %get3A_0 = arith.constant 0 : index
    %get3A_1 = vector.load %arg1[%get3A, %get3A_0] : memref<200x32xf32, #tpu.memory_space<vmem>>, vector<200x32xf32>
    %get3A_2 = arith.constant 0 : index
    %get3A_3 = arith.constant 0 : index
    %get3A_4 = vector.load %arg4[%get3A_2, %get3A_3] : memref<1x128xf32, #tpu.memory_space<vmem>>, vector<1x128xf32>
    %broadcast_in_dim3A = vector.shape_cast %get3A_1 : vector<200x32xf32> to vector<200x32x1xf32>
    %reshape3A = vector.shape_cast %get3A_4 : vector<1x128xf32> to vector<1x1x128xf32>
    %sub3A = vector.broadcast %broadcast_in_dim3A : vector<200x32x1xf32> to vector<200x32x128xf32>
    %sub3A_5 = vector.broadcast %reshape3A : vector<1x1x128xf32> to vector<200x32x128xf32>
    %sub3A_6 = arith.subf %sub3A, %sub3A_5 : vector<200x32x128xf32>
    %mul3A = arith.constant -266.595032 : f32
    %mul3A_7 = vector.broadcast %mul3A : f32 to vector<200x32x128xf32>
    %mul3A_8 = arith.mulf %mul3A_7, %sub3A_6 : vector<200x32x128xf32>
    %mul3A_9 = arith.mulf %mul3A_8, %sub3A_6 : vector<200x32x128xf32>
    %exp3A = math.exp %mul3A_9 : vector<200x32x128xf32>
    %reshape3A_10 = vector.shape_cast %exp3A : vector<200x32x128xf32> to vector<6400x128xf32>
    %get3A_11 = arith.constant 0 : index
    %get3A_12 = arith.constant 0 : index
    %get3A_13 = vector.load %arg2[%get3A_11, %get3A_12] : memref<6400x128xf32, #tpu.memory_space<vmem>>, vector<6400x128xf32>
    %get3A_14 = arith.constant 0 : index
    %get3A_15 = arith.constant 0 : index
    %get3A_16 = vector.load %arg3[%get3A_14, %get3A_15] : memref<200x128xf32, #tpu.memory_space<vmem>>, vector<200x128xf32>
    %get3A_17 = arith.constant 0 : index
    %get3A_18 = arith.constant 0 : index
    %get3A_19 = vector.load %arg5[%get3A_17, %get3A_18] : memref<128x128xf32, #tpu.memory_space<vmem>>, vector<128x128xf32>
    %get3A_20 = arith.constant 0 : index
    %get3A_21 = arith.constant 0 : index
    %get3A_22 = vector.load %arg6[%get3A_20, %get3A_21] : memref<128x128xf32, #tpu.memory_space<vmem>>, vector<128x128xf32>
    %get3A_23 = arith.constant 0 : index
    %get3A_24 = arith.constant 0 : index
    %get3A_25 = vector.load %arg7[%get3A_23, %get3A_24] : memref<128x128xf32, #tpu.memory_space<vmem>>, vector<128x128xf32>
    %get3A_26 = arith.constant 0 : index
    %get3A_27 = arith.constant 0 : index
    %get3A_28 = vector.load %arg8[%get3A_26, %get3A_27] : memref<1x128xf32, #tpu.memory_space<vmem>>, vector<1x128xf32>
    %dot_general3A = arith.constant dense<0.000000e+00> : vector<200x128xf32>
    %dot_general3A_29 = tpu.matmul %get3A_16, %get3A_19, %dot_general3A {dimension_numbers = #tpu.dot_dimension_numbers<[1], [0], [0], [1], [0, 0, 1, 1], [], []>, transpose_lhs_hint = false} : vector<200x128xf32>, vector<128x128xf32>, vector<200x128xf32> -> vector<200x128xf32>
    %dot_general3A_30 = arith.constant dense<0.000000e+00> : vector<6400x128xf32>
    %dot_general3A_31 = tpu.matmul %get3A_13, %get3A_22, %dot_general3A_30 {dimension_numbers = #tpu.dot_dimension_numbers<[1], [0], [0], [1], [0, 0, 1, 1], [], []>, transpose_lhs_hint = false} : vector<6400x128xf32>, vector<128x128xf32>, vector<6400x128xf32> -> vector<6400x128xf32>
    %dot_general3A_32 = arith.constant dense<0.000000e+00> : vector<6400x128xf32>
    %dot_general3A_33 = tpu.matmul %reshape3A_10, %get3A_25, %dot_general3A_32 {dimension_numbers = #tpu.dot_dimension_numbers<[1], [0], [0], [1], [0, 0, 1, 1], [], []>, transpose_lhs_hint = false} : vector<6400x128xf32>, vector<128x128xf32>, vector<6400x128xf32> -> vector<6400x128xf32>
    %add3A = arith.addf %dot_general3A_31, %dot_general3A_33 : vector<6400x128xf32>
    %add3A_34 = vector.broadcast %get3A_28 : vector<1x128xf32> to vector<6400x128xf32>
    %add3A_35 = arith.addf %add3A, %add3A_34 : vector<6400x128xf32>
    %reshape3A_36 = vector.shape_cast %add3A_35 : vector<6400x128xf32> to vector<200x32x128xf32>
    %broadcast_in_dim3A_37 = vector.shape_cast %dot_general3A_29 : vector<200x128xf32> to vector<200x1x128xf32>
    %add3A_38 = vector.broadcast %broadcast_in_dim3A_37 : vector<200x1x128xf32> to vector<200x32x128xf32>
    %add3A_39 = arith.addf %reshape3A_36, %add3A_38 : vector<200x32x128xf32>
    %reshape3A_40 = vector.shape_cast %add3A_39 : vector<200x32x128xf32> to vector<6400x128xf32>
    %bitcast_convert_type3A = tpu.bitcast %reshape3A_40 : vector<6400x128xf32> -> vector<6400x128xi32>
    %or3A = arith.constant -2147483648 : i32
    %or3A_41 = vector.broadcast %or3A : i32 to vector<6400x128xi32>
    %or3A_42 = arith.ori %bitcast_convert_type3A, %or3A_41 : vector<6400x128xi32>
    %bitcast_convert_type3A_43 = tpu.bitcast %or3A_42 : vector<6400x128xi32> -> vector<6400x128xf32>
    %max3A = arith.constant 0.000000e+00 : f32
    %max3A_44 = vector.broadcast %max3A : f32 to vector<6400x128xf32>
    %max3A_45 = arith.maximumf %reshape3A_40, %max3A_44 : vector<6400x128xf32>
    %exp3A_46 = math.exp %bitcast_convert_type3A_43 : vector<6400x128xf32>
    %add3A_47 = arith.constant 1.000000e+00 : f32
    %add3A_48 = vector.broadcast %add3A_47 : f32 to vector<6400x128xf32>
    %add3A_49 = arith.addf %add3A_48, %exp3A_46 : vector<6400x128xf32>
    %log3A = math.log %add3A_49 : vector<6400x128xf32>
    %add3A_50 = arith.addf %max3A_45, %log3A : vector<6400x128xf32>
    %add3A_51 = arith.addf %reshape3A_10, %add3A_50 : vector<6400x128xf32>
    %swap3A = arith.constant 0 : index
    %swap3A_52 = arith.constant 0 : index
    %swap3A_53 = vector.load %arg13[%swap3A, %swap3A_52] : memref<6400x128xf32, #tpu.memory_space<vmem>>, vector<6400x128xf32>
    tpu.vector_store %arg13[%swap3A, %swap3A_52], %add3A_51 {strides = array<i32>} : memref<6400x128xf32, #tpu.memory_space<vmem>>, vector<6400x128xf32>,
    %get3A_54 = arith.constant 0 : index
    %get3A_55 = arith.constant 0 : index
    %get3A_56 = vector.load %arg3[%get3A_54, %get3A_55] : memref<200x128xf32, #tpu.memory_space<vmem>>, vector<200x128xf32>
    %get3A_57 = arith.constant 0 : index
    %get3A_58 = arith.constant 0 : index
    %get3A_59 = vector.load %arg9[%get3A_57, %get3A_58] : memref<128x128xf32, #tpu.memory_space<vmem>>, vector<128x128xf32>
    %get3A_60 = arith.constant 0 : index
    %get3A_61 = arith.constant 0 : index
    %get3A_62 = vector.load %arg10[%get3A_60, %get3A_61] : memref<1x128xf32, #tpu.memory_space<vmem>>, vector<1x128xf32>
    %get3A_63 = arith.constant 0 : index
    %get3A_64 = arith.constant 0 : index
    %get3A_65 = vector.load %arg11[%get3A_63, %get3A_64] : memref<128x128xf32, #tpu.memory_space<vmem>>, vector<128x128xf32>
    %get3A_66 = arith.constant 0 : index
    %get3A_67 = arith.constant 0 : index
    %get3A_68 = vector.load %arg12[%get3A_66, %get3A_67] : memref<1x128xf32, #tpu.memory_space<vmem>>, vector<1x128xf32>
    %dot_general3A_69 = arith.constant dense<0.000000e+00> : vector<6400x128xf32>
    %dot_general3A_70 = tpu.matmul %add3A_51, %get3A_59, %dot_general3A_69 {dimension_numbers = #tpu.dot_dimension_numbers<[1], [0], [0], [1], [0, 0, 1, 1], [], []>, transpose_lhs_hint = false} : vector<6400x128xf32>, vector<128x128xf32>, vector<6400x128xf32> -> vector<6400x128xf32>
    %add3A_71 = vector.broadcast %get3A_62 : vector<1x128xf32> to vector<6400x128xf32>
    %add3A_72 = arith.addf %dot_general3A_70, %add3A_71 : vector<6400x128xf32>
    %bitcast_convert_type3A_73 = tpu.bitcast %add3A_72 : vector<6400x128xf32> -> vector<6400x128xi32>
    %or3A_74 = arith.constant -2147483648 : i32
    %or3A_75 = vector.broadcast %or3A_74 : i32 to vector<6400x128xi32>
    %or3A_76 = arith.ori %bitcast_convert_type3A_73, %or3A_75 : vector<6400x128xi32>
    %bitcast_convert_type3A_77 = tpu.bitcast %or3A_76 : vector<6400x128xi32> -> vector<6400x128xf32>
    %max3A_78 = arith.constant 0.000000e+00 : f32
    %max3A_79 = vector.broadcast %max3A_78 : f32 to vector<6400x128xf32>
    %max3A_80 = arith.maximumf %add3A_72, %max3A_79 : vector<6400x128xf32>
    %exp3A_81 = math.exp %bitcast_convert_type3A_77 : vector<6400x128xf32>
    %add3A_82 = arith.constant 1.000000e+00 : f32
    %add3A_83 = vector.broadcast %add3A_82 : f32 to vector<6400x128xf32>
    %add3A_84 = arith.addf %add3A_83, %exp3A_81 : vector<6400x128xf32>
    %log3A_85 = math.log %add3A_84 : vector<6400x128xf32>
    %add3A_86 = arith.addf %max3A_80, %log3A_85 : vector<6400x128xf32>
    %mul3A_87 = arith.mulf %get3A_13, %add3A_86 : vector<6400x128xf32>
    %reshape3A_88 = vector.shape_cast %mul3A_87 : vector<6400x128xf32> to vector<200x32x128xf32>
    %reduce_sum3A = arith.constant dense<0.000000e+00> : vector<200x128xf32>
    %reduce_sum3A_89 = vector.multi_reduction <add>, %reshape3A_88, %reduce_sum3A [1] : vector<200x32x128xf32> to vector<200x128xf32>
    %dot_general3A_90 = arith.constant dense<0.000000e+00> : vector<200x128xf32>
    %dot_general3A_91 = tpu.matmul %reduce_sum3A_89, %get3A_65, %dot_general3A_90 {dimension_numbers = #tpu.dot_dimension_numbers<[1], [0], [0], [1], [0, 0, 1, 1], [], []>, transpose_lhs_hint = false} : vector<200x128xf32>, vector<128x128xf32>, vector<200x128xf32> -> vector<200x128xf32>
    %add3A_92 = vector.broadcast %get3A_68 : vector<1x128xf32> to vector<200x128xf32>
    %add3A_93 = arith.addf %dot_general3A_91, %add3A_92 : vector<200x128xf32>
    %bitcast_convert_type3A_94 = tpu.bitcast %add3A_93 : vector<200x128xf32> -> vector<200x128xi32>
    %or3A_95 = arith.constant -2147483648 : i32
    %or3A_96 = vector.broadcast %or3A_95 : i32 to vector<200x128xi32>
    %or3A_97 = arith.ori %bitcast_convert_type3A_94, %or3A_96 : vector<200x128xi32>
    %bitcast_convert_type3A_98 = tpu.bitcast %or3A_97 : vector<200x128xi32> -> vector<200x128xf32>
    %max3A_99 = arith.constant 0.000000e+00 : f32
    %max3A_100 = vector.broadcast %max3A_99 : f32 to vector<200x128xf32>
    %max3A_101 = arith.maximumf %add3A_93, %max3A_100 : vector<200x128xf32>
    %exp3A_102 = math.exp %bitcast_convert_type3A_98 : vector<200x128xf32>
    %add3A_103 = arith.constant 1.000000e+00 : f32
    %add3A_104 = vector.broadcast %add3A_103 : f32 to vector<200x128xf32>
    %add3A_105 = arith.addf %add3A_104, %exp3A_102 : vector<200x128xf32>
    %log3A_106 = math.log %add3A_105 : vector<200x128xf32>
    %add3A_107 = arith.addf %max3A_101, %log3A_106 : vector<200x128xf32>
    %add3A_108 = arith.addf %get3A_56, %add3A_107 : vector<200x128xf32>
    %swap3A_109 = arith.constant 0 : index
    %swap3A_110 = arith.constant 0 : index
    %swap3A_111 = vector.load %arg14[%swap3A_109, %swap3A_110] : memref<200x128xf32, #tpu.memory_space<vmem>>, vector<200x128xf32>
    tpu.vector_store %arg14[%swap3A_109, %swap3A_110], %add3A_108 {strides = array<i32>} : memref<200x128xf32, #tpu.memory_space<vmem>>, vector<200x128xf32>,
    return
  }
  func.func @transform_0(%arg0: i32) -> (i32, i32) {
    %c0_i32 = arith.constant 0 : i32
    %c0_i32_0 = arith.constant 0 : i32
    return %arg0, %c0_i32 : i32, i32
  }
  func.func @transform_1(%arg0: i32) -> (i32, i32) {
    %c0_i32 = arith.constant 0 : i32
    %c0_i32_0 = arith.constant 0 : i32
    return %arg0, %c0_i32 : i32, i32
  }
  func.func @transform_2(%arg0: i32) -> (i32, i32) {
    %c0_i32 = arith.constant 0 : i32
    %c0_i32_0 = arith.constant 0 : i32
    return %arg0, %c0_i32 : i32, i32
  }
  func.func @transform_3(%arg0: i32) -> (i32, i32) {
    %c0_i32 = arith.constant 0 : i32
    %c0_i32_0 = arith.constant 0 : i32
    %c0_i32_1 = arith.constant 0 : i32
    return %c0_i32, %c0_i32_0 : i32, i32
  }
  func.func @transform_4(%arg0: i32) -> (i32, i32) {
    %c0_i32 = arith.constant 0 : i32
    %c0_i32_0 = arith.constant 0 : i32
    %c0_i32_1 = arith.constant 0 : i32
    return %c0_i32, %c0_i32_0 : i32, i32
  }
  func.func @transform_5(%arg0: i32) -> (i32, i32) {
    %c0_i32 = arith.constant 0 : i32
    %c0_i32_0 = arith.constant 0 : i32
    %c0_i32_1 = arith.constant 0 : i32
    return %c0_i32, %c0_i32_0 : i32, i32
  }
  func.func @transform_6(%arg0: i32) -> (i32, i32) {
    %c0_i32 = arith.constant 0 : i32
    %c0_i32_0 = arith.constant 0 : i32
    %c0_i32_1 = arith.constant 0 : i32
    return %c0_i32, %c0_i32_0 : i32, i32
  }
  func.func @transform_7(%arg0: i32) -> (i32, i32) {
    %c0_i32 = arith.constant 0 : i32
    %c0_i32_0 = arith.constant 0 : i32
    %c0_i32_1 = arith.constant 0 : i32
    return %c0_i32, %c0_i32_0 : i32, i32
  }
  func.func @transform_8(%arg0: i32) -> (i32, i32) {
    %c0_i32 = arith.constant 0 : i32
    %c0_i32_0 = arith.constant 0 : i32
    %c0_i32_1 = arith.constant 0 : i32
    return %c0_i32, %c0_i32_0 : i32, i32
  }
  func.func @transform_9(%arg0: i32) -> (i32, i32) {
    %c0_i32 = arith.constant 0 : i32
    %c0_i32_0 = arith.constant 0 : i32
    %c0_i32_1 = arith.constant 0 : i32
    return %c0_i32, %c0_i32_0 : i32, i32
  }
  func.func @transform_10(%arg0: i32) -> (i32, i32) {
    %c0_i32 = arith.constant 0 : i32
    %c0_i32_0 = arith.constant 0 : i32
    %c0_i32_1 = arith.constant 0 : i32
    return %c0_i32, %c0_i32_0 : i32, i32
  }
  func.func @transform_11(%arg0: i32) -> (i32, i32) {
    %c0_i32 = arith.constant 0 : i32
    %c0_i32_0 = arith.constant 0 : i32
    %c0_i32_1 = arith.constant 0 : i32
    return %c0_i32, %c0_i32_0 : i32, i32
  }
  func.func @transform_12(%arg0: i32) -> (i32, i32) {
    %c0_i32 = arith.constant 0 : i32
    %c0_i32_0 = arith.constant 0 : i32
    return %arg0, %c0_i32 : i32, i32
  }
  func.func @transform_13(%arg0: i32) -> (i32, i32) {
    %c0_i32 = arith.constant 0 : i32
    %c0_i32_0 = arith.constant 0 : i32
    return %arg0, %c0_i32 : i32, i32
  }
}

module attributes {stable_mosaic.version = 14 : i64} {
  func.func @_f1_body(%arg0: i32, %arg1: memref<6400x128xf32, #tpu.memory_space<vmem>>, %arg2: memref<6400x128xf32, #tpu.memory_space<vmem>>, %arg3: memref<200x128xf32, #tpu.memory_space<vmem>>, %arg4: memref<128x128xf32, #tpu.memory_space<vmem>>, %arg5: memref<128x128xf32, #tpu.memory_space<vmem>>, %arg6: memref<128x128xf32, #tpu.memory_space<vmem>>, %arg7: memref<1x128xf32, #tpu.memory_space<vmem>>, %arg8: memref<128x128xf32, #tpu.memory_space<vmem>>, %arg9: memref<1x128xf32, #tpu.memory_space<vmem>>, %arg10: memref<128x128xf32, #tpu.memory_space<vmem>>, %arg11: memref<1x128xf32, #tpu.memory_space<vmem>>, %arg12: memref<6400x128xf32, #tpu.memory_space<vmem>>, %arg13: memref<200x128xf32, #tpu.memory_space<vmem>>) attributes {dimension_semantics = [#tpu.dimension_semantics<arbitrary>], iteration_bounds = array<i64: 25>, scalar_prefetch = 0 : i64, scratch_operands = 0 : i64, tpu.core_type = #tpu.core_type<tc>, window_params = [{transform_indices = @transform_0, window_bounds = array<i64: 6400, 128>}, {transform_indices = @transform_1, window_bounds = array<i64: 6400, 128>}, {transform_indices = @transform_2, window_bounds = array<i64: 200, 128>}, {pipeline_mode = #tpu.pipeline_mode<synchronous>, transform_indices = @transform_3, window_bounds = array<i64: 128, 128>}, {pipeline_mode = #tpu.pipeline_mode<synchronous>, transform_indices = @transform_4, window_bounds = array<i64: 128, 128>}, {pipeline_mode = #tpu.pipeline_mode<synchronous>, transform_indices = @transform_5, window_bounds = array<i64: 128, 128>}, {pipeline_mode = #tpu.pipeline_mode<synchronous>, transform_indices = @transform_6, window_bounds = array<i64: 1, 128>}, {pipeline_mode = #tpu.pipeline_mode<synchronous>, transform_indices = @transform_7, window_bounds = array<i64: 128, 128>}, {pipeline_mode = #tpu.pipeline_mode<synchronous>, transform_indices = @transform_8, window_bounds = array<i64: 1, 128>}, {pipeline_mode = #tpu.pipeline_mode<synchronous>, transform_indices = @transform_9, window_bounds = array<i64: 128, 128>}, {pipeline_mode = #tpu.pipeline_mode<synchronous>, transform_indices = @transform_10, window_bounds = array<i64: 1, 128>}, {transform_indices = @transform_11, window_bounds = array<i64: 6400, 128>}, {transform_indices = @transform_12, window_bounds = array<i64: 200, 128>}]} {
    %get3A = arith.constant 0 : index
    %get3A_0 = arith.constant 0 : index
    %get3A_1 = vector.load %arg2[%get3A, %get3A_0] : memref<6400x128xf32, #tpu.memory_space<vmem>>, vector<6400x128xf32>
    %get3A_2 = arith.constant 0 : index
    %get3A_3 = arith.constant 0 : index
    %get3A_4 = vector.load %arg1[%get3A_2, %get3A_3] : memref<6400x128xf32, #tpu.memory_space<vmem>>, vector<6400x128xf32>
    %get3A_5 = arith.constant 0 : index
    %get3A_6 = arith.constant 0 : index
    %get3A_7 = vector.load %arg3[%get3A_5, %get3A_6] : memref<200x128xf32, #tpu.memory_space<vmem>>, vector<200x128xf32>
    %get3A_8 = arith.constant 0 : index
    %get3A_9 = arith.constant 0 : index
    %get3A_10 = vector.load %arg4[%get3A_8, %get3A_9] : memref<128x128xf32, #tpu.memory_space<vmem>>, vector<128x128xf32>
    %get3A_11 = arith.constant 0 : index
    %get3A_12 = arith.constant 0 : index
    %get3A_13 = vector.load %arg5[%get3A_11, %get3A_12] : memref<128x128xf32, #tpu.memory_space<vmem>>, vector<128x128xf32>
    %get3A_14 = arith.constant 0 : index
    %get3A_15 = arith.constant 0 : index
    %get3A_16 = vector.load %arg6[%get3A_14, %get3A_15] : memref<128x128xf32, #tpu.memory_space<vmem>>, vector<128x128xf32>
    %get3A_17 = arith.constant 0 : index
    %get3A_18 = arith.constant 0 : index
    %get3A_19 = vector.load %arg7[%get3A_17, %get3A_18] : memref<1x128xf32, #tpu.memory_space<vmem>>, vector<1x128xf32>
    %dot_general3A = arith.constant dense<0.000000e+00> : vector<200x128xf32>
    %dot_general3A_20 = tpu.matmul %get3A_7, %get3A_10, %dot_general3A {dimension_numbers = #tpu.dot_dimension_numbers<[1], [0], [0], [1], [0, 0, 1, 1], [], []>, transpose_lhs_hint = false} : vector<200x128xf32>, vector<128x128xf32>, vector<200x128xf32> -> vector<200x128xf32>
    %dot_general3A_21 = arith.constant dense<0.000000e+00> : vector<6400x128xf32>
    %dot_general3A_22 = tpu.matmul %get3A_1, %get3A_13, %dot_general3A_21 {dimension_numbers = #tpu.dot_dimension_numbers<[1], [0], [0], [1], [0, 0, 1, 1], [], []>, transpose_lhs_hint = false} : vector<6400x128xf32>, vector<128x128xf32>, vector<6400x128xf32> -> vector<6400x128xf32>
    %dot_general3A_23 = arith.constant dense<0.000000e+00> : vector<6400x128xf32>
    %dot_general3A_24 = tpu.matmul %get3A_4, %get3A_16, %dot_general3A_23 {dimension_numbers = #tpu.dot_dimension_numbers<[1], [0], [0], [1], [0, 0, 1, 1], [], []>, transpose_lhs_hint = false} : vector<6400x128xf32>, vector<128x128xf32>, vector<6400x128xf32> -> vector<6400x128xf32>
    %add3A = arith.addf %dot_general3A_22, %dot_general3A_24 : vector<6400x128xf32>
    %add3A_25 = vector.broadcast %get3A_19 : vector<1x128xf32> to vector<6400x128xf32>
    %add3A_26 = arith.addf %add3A, %add3A_25 : vector<6400x128xf32>
    %reshape3A = vector.shape_cast %add3A_26 : vector<6400x128xf32> to vector<200x32x128xf32>
    %broadcast_in_dim3A = vector.shape_cast %dot_general3A_20 : vector<200x128xf32> to vector<200x1x128xf32>
    %add3A_27 = vector.broadcast %broadcast_in_dim3A : vector<200x1x128xf32> to vector<200x32x128xf32>
    %add3A_28 = arith.addf %reshape3A, %add3A_27 : vector<200x32x128xf32>
    %reshape3A_29 = vector.shape_cast %add3A_28 : vector<200x32x128xf32> to vector<6400x128xf32>
    %bitcast_convert_type3A = tpu.bitcast %reshape3A_29 : vector<6400x128xf32> -> vector<6400x128xi32>
    %or3A = arith.constant -2147483648 : i32
    %or3A_30 = vector.broadcast %or3A : i32 to vector<6400x128xi32>
    %or3A_31 = arith.ori %bitcast_convert_type3A, %or3A_30 : vector<6400x128xi32>
    %bitcast_convert_type3A_32 = tpu.bitcast %or3A_31 : vector<6400x128xi32> -> vector<6400x128xf32>
    %max3A = arith.constant 0.000000e+00 : f32
    %max3A_33 = vector.broadcast %max3A : f32 to vector<6400x128xf32>
    %max3A_34 = arith.maximumf %reshape3A_29, %max3A_33 : vector<6400x128xf32>
    %exp3A = math.exp %bitcast_convert_type3A_32 : vector<6400x128xf32>
    %add3A_35 = arith.constant 1.000000e+00 : f32
    %add3A_36 = vector.broadcast %add3A_35 : f32 to vector<6400x128xf32>
    %add3A_37 = arith.addf %add3A_36, %exp3A : vector<6400x128xf32>
    %log3A = math.log %add3A_37 : vector<6400x128xf32>
    %add3A_38 = arith.addf %max3A_34, %log3A : vector<6400x128xf32>
    %add3A_39 = arith.addf %get3A_4, %add3A_38 : vector<6400x128xf32>
    %swap3A = arith.constant 0 : index
    %swap3A_40 = arith.constant 0 : index
    %swap3A_41 = vector.load %arg12[%swap3A, %swap3A_40] : memref<6400x128xf32, #tpu.memory_space<vmem>>, vector<6400x128xf32>
    tpu.vector_store %arg12[%swap3A, %swap3A_40], %add3A_39 {strides = array<i32>} : memref<6400x128xf32, #tpu.memory_space<vmem>>, vector<6400x128xf32>,
    %get3A_42 = arith.constant 0 : index
    %get3A_43 = arith.constant 0 : index
    %get3A_44 = vector.load %arg3[%get3A_42, %get3A_43] : memref<200x128xf32, #tpu.memory_space<vmem>>, vector<200x128xf32>
    %get3A_45 = arith.constant 0 : index
    %get3A_46 = arith.constant 0 : index
    %get3A_47 = vector.load %arg8[%get3A_45, %get3A_46] : memref<128x128xf32, #tpu.memory_space<vmem>>, vector<128x128xf32>
    %get3A_48 = arith.constant 0 : index
    %get3A_49 = arith.constant 0 : index
    %get3A_50 = vector.load %arg9[%get3A_48, %get3A_49] : memref<1x128xf32, #tpu.memory_space<vmem>>, vector<1x128xf32>
    %get3A_51 = arith.constant 0 : index
    %get3A_52 = arith.constant 0 : index
    %get3A_53 = vector.load %arg10[%get3A_51, %get3A_52] : memref<128x128xf32, #tpu.memory_space<vmem>>, vector<128x128xf32>
    %get3A_54 = arith.constant 0 : index
    %get3A_55 = arith.constant 0 : index
    %get3A_56 = vector.load %arg11[%get3A_54, %get3A_55] : memref<1x128xf32, #tpu.memory_space<vmem>>, vector<1x128xf32>
    %dot_general3A_57 = arith.constant dense<0.000000e+00> : vector<6400x128xf32>
    %dot_general3A_58 = tpu.matmul %add3A_39, %get3A_47, %dot_general3A_57 {dimension_numbers = #tpu.dot_dimension_numbers<[1], [0], [0], [1], [0, 0, 1, 1], [], []>, transpose_lhs_hint = false} : vector<6400x128xf32>, vector<128x128xf32>, vector<6400x128xf32> -> vector<6400x128xf32>
    %add3A_59 = vector.broadcast %get3A_50 : vector<1x128xf32> to vector<6400x128xf32>
    %add3A_60 = arith.addf %dot_general3A_58, %add3A_59 : vector<6400x128xf32>
    %bitcast_convert_type3A_61 = tpu.bitcast %add3A_60 : vector<6400x128xf32> -> vector<6400x128xi32>
    %or3A_62 = arith.constant -2147483648 : i32
    %or3A_63 = vector.broadcast %or3A_62 : i32 to vector<6400x128xi32>
    %or3A_64 = arith.ori %bitcast_convert_type3A_61, %or3A_63 : vector<6400x128xi32>
    %bitcast_convert_type3A_65 = tpu.bitcast %or3A_64 : vector<6400x128xi32> -> vector<6400x128xf32>
    %max3A_66 = arith.constant 0.000000e+00 : f32
    %max3A_67 = vector.broadcast %max3A_66 : f32 to vector<6400x128xf32>
    %max3A_68 = arith.maximumf %add3A_60, %max3A_67 : vector<6400x128xf32>
    %exp3A_69 = math.exp %bitcast_convert_type3A_65 : vector<6400x128xf32>
    %add3A_70 = arith.constant 1.000000e+00 : f32
    %add3A_71 = vector.broadcast %add3A_70 : f32 to vector<6400x128xf32>
    %add3A_72 = arith.addf %add3A_71, %exp3A_69 : vector<6400x128xf32>
    %log3A_73 = math.log %add3A_72 : vector<6400x128xf32>
    %add3A_74 = arith.addf %max3A_68, %log3A_73 : vector<6400x128xf32>
    %mul3A = arith.mulf %get3A_1, %add3A_74 : vector<6400x128xf32>
    %reshape3A_75 = vector.shape_cast %mul3A : vector<6400x128xf32> to vector<200x32x128xf32>
    %reduce_sum3A = arith.constant dense<0.000000e+00> : vector<200x128xf32>
    %reduce_sum3A_76 = vector.multi_reduction <add>, %reshape3A_75, %reduce_sum3A [1] : vector<200x32x128xf32> to vector<200x128xf32>
    %dot_general3A_77 = arith.constant dense<0.000000e+00> : vector<200x128xf32>
    %dot_general3A_78 = tpu.matmul %reduce_sum3A_76, %get3A_53, %dot_general3A_77 {dimension_numbers = #tpu.dot_dimension_numbers<[1], [0], [0], [1], [0, 0, 1, 1], [], []>, transpose_lhs_hint = false} : vector<200x128xf32>, vector<128x128xf32>, vector<200x128xf32> -> vector<200x128xf32>
    %add3A_79 = vector.broadcast %get3A_56 : vector<1x128xf32> to vector<200x128xf32>
    %add3A_80 = arith.addf %dot_general3A_78, %add3A_79 : vector<200x128xf32>
    %bitcast_convert_type3A_81 = tpu.bitcast %add3A_80 : vector<200x128xf32> -> vector<200x128xi32>
    %or3A_82 = arith.constant -2147483648 : i32
    %or3A_83 = vector.broadcast %or3A_82 : i32 to vector<200x128xi32>
    %or3A_84 = arith.ori %bitcast_convert_type3A_81, %or3A_83 : vector<200x128xi32>
    %bitcast_convert_type3A_85 = tpu.bitcast %or3A_84 : vector<200x128xi32> -> vector<200x128xf32>
    %max3A_86 = arith.constant 0.000000e+00 : f32
    %max3A_87 = vector.broadcast %max3A_86 : f32 to vector<200x128xf32>
    %max3A_88 = arith.maximumf %add3A_80, %max3A_87 : vector<200x128xf32>
    %exp3A_89 = math.exp %bitcast_convert_type3A_85 : vector<200x128xf32>
    %add3A_90 = arith.constant 1.000000e+00 : f32
    %add3A_91 = vector.broadcast %add3A_90 : f32 to vector<200x128xf32>
    %add3A_92 = arith.addf %add3A_91, %exp3A_89 : vector<200x128xf32>
    %log3A_93 = math.log %add3A_92 : vector<200x128xf32>
    %add3A_94 = arith.addf %max3A_88, %log3A_93 : vector<200x128xf32>
    %add3A_95 = arith.addf %get3A_44, %add3A_94 : vector<200x128xf32>
    %swap3A_96 = arith.constant 0 : index
    %swap3A_97 = arith.constant 0 : index
    %swap3A_98 = vector.load %arg13[%swap3A_96, %swap3A_97] : memref<200x128xf32, #tpu.memory_space<vmem>>, vector<200x128xf32>
    tpu.vector_store %arg13[%swap3A_96, %swap3A_97], %add3A_95 {strides = array<i32>} : memref<200x128xf32, #tpu.memory_space<vmem>>, vector<200x128xf32>,
    return
  }
  func.func @transform_0(%arg0: i32) -> (i32, i32) {
    %c0_i32 = arith.constant 0 : i32
    %c0_i32_0 = arith.constant 0 : i32
    return %arg0, %c0_i32 : i32, i32
  }
  func.func @transform_1(%arg0: i32) -> (i32, i32) {
    %c0_i32 = arith.constant 0 : i32
    %c0_i32_0 = arith.constant 0 : i32
    return %arg0, %c0_i32 : i32, i32
  }
  func.func @transform_2(%arg0: i32) -> (i32, i32) {
    %c0_i32 = arith.constant 0 : i32
    %c0_i32_0 = arith.constant 0 : i32
    return %arg0, %c0_i32 : i32, i32
  }
  func.func @transform_3(%arg0: i32) -> (i32, i32) {
    %c0_i32 = arith.constant 0 : i32
    %c0_i32_0 = arith.constant 0 : i32
    %c0_i32_1 = arith.constant 0 : i32
    return %c0_i32, %c0_i32_0 : i32, i32
  }
  func.func @transform_4(%arg0: i32) -> (i32, i32) {
    %c0_i32 = arith.constant 0 : i32
    %c0_i32_0 = arith.constant 0 : i32
    %c0_i32_1 = arith.constant 0 : i32
    return %c0_i32, %c0_i32_0 : i32, i32
  }
  func.func @transform_5(%arg0: i32) -> (i32, i32) {
    %c0_i32 = arith.constant 0 : i32
    %c0_i32_0 = arith.constant 0 : i32
    %c0_i32_1 = arith.constant 0 : i32
    return %c0_i32, %c0_i32_0 : i32, i32
  }
  func.func @transform_6(%arg0: i32) -> (i32, i32) {
    %c0_i32 = arith.constant 0 : i32
    %c0_i32_0 = arith.constant 0 : i32
    %c0_i32_1 = arith.constant 0 : i32
    return %c0_i32, %c0_i32_0 : i32, i32
  }
  func.func @transform_7(%arg0: i32) -> (i32, i32) {
    %c0_i32 = arith.constant 0 : i32
    %c0_i32_0 = arith.constant 0 : i32
    %c0_i32_1 = arith.constant 0 : i32
    return %c0_i32, %c0_i32_0 : i32, i32
  }
  func.func @transform_8(%arg0: i32) -> (i32, i32) {
    %c0_i32 = arith.constant 0 : i32
    %c0_i32_0 = arith.constant 0 : i32
    %c0_i32_1 = arith.constant 0 : i32
    return %c0_i32, %c0_i32_0 : i32, i32
  }
  func.func @transform_9(%arg0: i32) -> (i32, i32) {
    %c0_i32 = arith.constant 0 : i32
    %c0_i32_0 = arith.constant 0 : i32
    %c0_i32_1 = arith.constant 0 : i32
    return %c0_i32, %c0_i32_0 : i32, i32
  }
  func.func @transform_10(%arg0: i32) -> (i32, i32) {
    %c0_i32 = arith.constant 0 : i32
    %c0_i32_0 = arith.constant 0 : i32
    %c0_i32_1 = arith.constant 0 : i32
    return %c0_i32, %c0_i32_0 : i32, i32
  }
  func.func @transform_11(%arg0: i32) -> (i32, i32) {
    %c0_i32 = arith.constant 0 : i32
    %c0_i32_0 = arith.constant 0 : i32
    return %arg0, %c0_i32 : i32, i32
  }
  func.func @transform_12(%arg0: i32) -> (i32, i32) {
    %c0_i32 = arith.constant 0 : i32
    %c0_i32_0 = arith.constant 0 : i32
    return %arg0, %c0_i32 : i32, i32
  }
}

module attributes {stable_mosaic.version = 14 : i64} {
  func.func @_fin_body(%arg0: i32, %arg1: memref<6400x128xf32, #tpu.memory_space<vmem>>, %arg2: memref<6400x128xf32, #tpu.memory_space<vmem>>, %arg3: memref<200x128xf32, #tpu.memory_space<vmem>>, %arg4: memref<8x6400xf32, #tpu.memory_space<vmem>>, %arg5: memref<6400x200xf32, #tpu.memory_space<vmem>>, %arg6: memref<128x128xf32, #tpu.memory_space<vmem>>, %arg7: memref<128x128xf32, #tpu.memory_space<vmem>>, %arg8: memref<128x128xf32, #tpu.memory_space<vmem>>, %arg9: memref<1x128xf32, #tpu.memory_space<vmem>>, %arg10: memref<128x64xf32, #tpu.memory_space<vmem>>, %arg11: memref<1x64xf32, #tpu.memory_space<vmem>>, %arg12: memref<64x1xf32, #tpu.memory_space<vmem>>, %arg13: memref<1x1xf32, #tpu.memory_space<vmem>>, %arg14: memref<1x8x200xf32, #tpu.memory_space<vmem>>) attributes {dimension_semantics = [#tpu.dimension_semantics<arbitrary>], iteration_bounds = array<i64: 25>, scalar_prefetch = 0 : i64, scratch_operands = 0 : i64, tpu.core_type = #tpu.core_type<tc>, window_params = [{transform_indices = @transform_0, window_bounds = array<i64: 6400, 128>}, {transform_indices = @transform_1, window_bounds = array<i64: 6400, 128>}, {transform_indices = @transform_2, window_bounds = array<i64: 200, 128>}, {transform_indices = @transform_3, window_bounds = array<i64: 8, 6400>}, {pipeline_mode = #tpu.pipeline_mode<synchronous>, transform_indices = @transform_4, window_bounds = array<i64: 6400, 200>}, {pipeline_mode = #tpu.pipeline_mode<synchronous>, transform_indices = @transform_5, window_bounds = array<i64: 128, 128>}, {pipeline_mode = #tpu.pipeline_mode<synchronous>, transform_indices = @transform_6, window_bounds = array<i64: 128, 128>}, {pipeline_mode = #tpu.pipeline_mode<synchronous>, transform_indices = @transform_7, window_bounds = array<i64: 128, 128>}, {pipeline_mode = #tpu.pipeline_mode<synchronous>, transform_indices = @transform_8, window_bounds = array<i64: 1, 128>}, {pipeline_mode = #tpu.pipeline_mode<synchronous>, transform_indices = @transform_9, window_bounds = array<i64: 128, 64>}, {pipeline_mode = #tpu.pipeline_mode<synchronous>, transform_indices = @transform_10, window_bounds = array<i64: 1, 64>}, {pipeline_mode = #tpu.pipeline_mode<synchronous>, transform_indices = @transform_11, window_bounds = array<i64: 64, 1>}, {pipeline_mode = #tpu.pipeline_mode<synchronous>, transform_indices = @transform_12, window_bounds = array<i64: 1, 1>}, {transform_indices = @transform_13, window_bounds = array<i64: 1, 8, 200>}]} {
    %get3A = arith.constant 0 : index
    %get3A_0 = arith.constant 0 : index
    %get3A_1 = vector.load %arg1[%get3A, %get3A_0] : memref<6400x128xf32, #tpu.memory_space<vmem>>, vector<6400x128xf32>
    %get3A_2 = arith.constant 0 : index
    %get3A_3 = arith.constant 0 : index
    %get3A_4 = vector.load %arg2[%get3A_2, %get3A_3] : memref<6400x128xf32, #tpu.memory_space<vmem>>, vector<6400x128xf32>
    %get3A_5 = arith.constant 0 : index
    %get3A_6 = arith.constant 0 : index
    %get3A_7 = vector.load %arg3[%get3A_5, %get3A_6] : memref<200x128xf32, #tpu.memory_space<vmem>>, vector<200x128xf32>
    %get3A_8 = arith.constant 0 : index
    %get3A_9 = arith.constant 0 : index
    %get3A_10 = vector.load %arg6[%get3A_8, %get3A_9] : memref<128x128xf32, #tpu.memory_space<vmem>>, vector<128x128xf32>
    %get3A_11 = arith.constant 0 : index
    %get3A_12 = arith.constant 0 : index
    %get3A_13 = vector.load %arg7[%get3A_11, %get3A_12] : memref<128x128xf32, #tpu.memory_space<vmem>>, vector<128x128xf32>
    %get3A_14 = arith.constant 0 : index
    %get3A_15 = arith.constant 0 : index
    %get3A_16 = vector.load %arg8[%get3A_14, %get3A_15] : memref<128x128xf32, #tpu.memory_space<vmem>>, vector<128x128xf32>
    %get3A_17 = arith.constant 0 : index
    %get3A_18 = arith.constant 0 : index
    %get3A_19 = vector.load %arg9[%get3A_17, %get3A_18] : memref<1x128xf32, #tpu.memory_space<vmem>>, vector<1x128xf32>
    %dot_general3A = arith.constant dense<0.000000e+00> : vector<200x128xf32>
    %dot_general3A_20 = tpu.matmul %get3A_7, %get3A_10, %dot_general3A {dimension_numbers = #tpu.dot_dimension_numbers<[1], [0], [0], [1], [0, 0, 1, 1], [], []>, transpose_lhs_hint = false} : vector<200x128xf32>, vector<128x128xf32>, vector<200x128xf32> -> vector<200x128xf32>
    %dot_general3A_21 = arith.constant dense<0.000000e+00> : vector<6400x128xf32>
    %dot_general3A_22 = tpu.matmul %get3A_4, %get3A_13, %dot_general3A_21 {dimension_numbers = #tpu.dot_dimension_numbers<[1], [0], [0], [1], [0, 0, 1, 1], [], []>, transpose_lhs_hint = false} : vector<6400x128xf32>, vector<128x128xf32>, vector<6400x128xf32> -> vector<6400x128xf32>
    %dot_general3A_23 = arith.constant dense<0.000000e+00> : vector<6400x128xf32>
    %dot_general3A_24 = tpu.matmul %get3A_1, %get3A_16, %dot_general3A_23 {dimension_numbers = #tpu.dot_dimension_numbers<[1], [0], [0], [1], [0, 0, 1, 1], [], []>, transpose_lhs_hint = false} : vector<6400x128xf32>, vector<128x128xf32>, vector<6400x128xf32> -> vector<6400x128xf32>
    %add3A = arith.addf %dot_general3A_22, %dot_general3A_24 : vector<6400x128xf32>
    %add3A_25 = vector.broadcast %get3A_19 : vector<1x128xf32> to vector<6400x128xf32>
    %add3A_26 = arith.addf %add3A, %add3A_25 : vector<6400x128xf32>
    %reshape3A = vector.shape_cast %add3A_26 : vector<6400x128xf32> to vector<200x32x128xf32>
    %broadcast_in_dim3A = vector.shape_cast %dot_general3A_20 : vector<200x128xf32> to vector<200x1x128xf32>
    %add3A_27 = vector.broadcast %broadcast_in_dim3A : vector<200x1x128xf32> to vector<200x32x128xf32>
    %add3A_28 = arith.addf %reshape3A, %add3A_27 : vector<200x32x128xf32>
    %reshape3A_29 = vector.shape_cast %add3A_28 : vector<200x32x128xf32> to vector<6400x128xf32>
    %bitcast_convert_type3A = tpu.bitcast %reshape3A_29 : vector<6400x128xf32> -> vector<6400x128xi32>
    %or3A = arith.constant -2147483648 : i32
    %or3A_30 = vector.broadcast %or3A : i32 to vector<6400x128xi32>
    %or3A_31 = arith.ori %bitcast_convert_type3A, %or3A_30 : vector<6400x128xi32>
    %bitcast_convert_type3A_32 = tpu.bitcast %or3A_31 : vector<6400x128xi32> -> vector<6400x128xf32>
    %max3A = arith.constant 0.000000e+00 : f32
    %max3A_33 = vector.broadcast %max3A : f32 to vector<6400x128xf32>
    %max3A_34 = arith.maximumf %reshape3A_29, %max3A_33 : vector<6400x128xf32>
    %exp3A = math.exp %bitcast_convert_type3A_32 : vector<6400x128xf32>
    %add3A_35 = arith.constant 1.000000e+00 : f32
    %add3A_36 = vector.broadcast %add3A_35 : f32 to vector<6400x128xf32>
    %add3A_37 = arith.addf %add3A_36, %exp3A : vector<6400x128xf32>
    %log3A = math.log %add3A_37 : vector<6400x128xf32>
    %add3A_38 = arith.addf %max3A_34, %log3A : vector<6400x128xf32>
    %add3A_39 = arith.addf %get3A_1, %add3A_38 : vector<6400x128xf32>
    %get3A_40 = arith.constant 0 : index
    %get3A_41 = arith.constant 0 : index
    %get3A_42 = vector.load %arg10[%get3A_40, %get3A_41] : memref<128x64xf32, #tpu.memory_space<vmem>>, vector<128x64xf32>
    %dot_general3A_43 = arith.constant dense<0.000000e+00> : vector<6400x64xf32>
    %dot_general3A_44 = tpu.matmul %add3A_39, %get3A_42, %dot_general3A_43 {dimension_numbers = #tpu.dot_dimension_numbers<[1], [0], [0], [1], [0, 0, 1, 1], [], []>, transpose_lhs_hint = false} : vector<6400x128xf32>, vector<128x64xf32>, vector<6400x64xf32> -> vector<6400x64xf32>
    %get3A_45 = arith.constant 0 : index
    %get3A_46 = arith.constant 0 : index
    %get3A_47 = vector.load %arg11[%get3A_45, %get3A_46] : memref<1x64xf32, #tpu.memory_space<vmem>>, vector<1x64xf32>
    %add3A_48 = vector.broadcast %get3A_47 : vector<1x64xf32> to vector<6400x64xf32>
    %add3A_49 = arith.addf %dot_general3A_44, %add3A_48 : vector<6400x64xf32>
    %bitcast_convert_type3A_50 = tpu.bitcast %add3A_49 : vector<6400x64xf32> -> vector<6400x64xi32>
    %or3A_51 = arith.constant -2147483648 : i32
    %or3A_52 = vector.broadcast %or3A_51 : i32 to vector<6400x64xi32>
    %or3A_53 = arith.ori %bitcast_convert_type3A_50, %or3A_52 : vector<6400x64xi32>
    %bitcast_convert_type3A_54 = tpu.bitcast %or3A_53 : vector<6400x64xi32> -> vector<6400x64xf32>
    %max3A_55 = arith.constant 0.000000e+00 : f32
    %max3A_56 = vector.broadcast %max3A_55 : f32 to vector<6400x64xf32>
    %max3A_57 = arith.maximumf %add3A_49, %max3A_56 : vector<6400x64xf32>
    %exp3A_58 = math.exp %bitcast_convert_type3A_54 : vector<6400x64xf32>
    %add3A_59 = arith.constant 1.000000e+00 : f32
    %add3A_60 = vector.broadcast %add3A_59 : f32 to vector<6400x64xf32>
    %add3A_61 = arith.addf %add3A_60, %exp3A_58 : vector<6400x64xf32>
    %log3A_62 = math.log %add3A_61 : vector<6400x64xf32>
    %add3A_63 = arith.addf %max3A_57, %log3A_62 : vector<6400x64xf32>
    %get3A_64 = arith.constant 0 : index
    %get3A_65 = arith.constant 0 : index
    %get3A_66 = vector.load %arg12[%get3A_64, %get3A_65] : memref<64x1xf32, #tpu.memory_space<vmem>>, vector<64x1xf32>
    %dot_general3A_67 = arith.constant dense<0.000000e+00> : vector<1x6400xf32>
    %dot_general3A_68 = tpu.matmul %get3A_66, %add3A_63, %dot_general3A_67 {dimension_numbers = #tpu.dot_dimension_numbers<[0], [1], [1], [0], [0, 1, 1, 0], [], []>, transpose_lhs_hint = false} : vector<64x1xf32>, vector<6400x64xf32>, vector<1x6400xf32> -> vector<1x6400xf32>
    %get3A_69 = arith.constant 0 : index
    %get3A_70 = arith.constant 0 : index
    %get3A_71 = vector.load %arg13[%get3A_69, %get3A_70] : memref<1x1xf32, #tpu.memory_space<vmem>>, vector<1x1xf32>
    %get3A_72 = vector.extract %get3A_71[0, 0] : f32 from vector<1x1xf32>
    %add3A_73 = vector.broadcast %get3A_72 : f32 to vector<1x6400xf32>
    %add3A_74 = arith.addf %dot_general3A_68, %add3A_73 : vector<1x6400xf32>
    %get3A_75 = arith.constant 0 : index
    %get3A_76 = arith.constant 0 : index
    %get3A_77 = vector.load %arg4[%get3A_75, %get3A_76] : memref<8x6400xf32, #tpu.memory_space<vmem>>, vector<8x6400xf32>
    %mul3A = vector.broadcast %add3A_74 : vector<1x6400xf32> to vector<8x6400xf32>
    %mul3A_78 = arith.mulf %mul3A, %get3A_77 : vector<8x6400xf32>
    %get3A_79 = arith.constant 0 : index
    %get3A_80 = arith.constant 0 : index
    %get3A_81 = vector.load %arg5[%get3A_79, %get3A_80] : memref<6400x200xf32, #tpu.memory_space<vmem>>, vector<6400x200xf32>
    %dot_general3A_82 = arith.constant dense<0.000000e+00> : vector<8x200xf32>
    %dot_general3A_83 = tpu.matmul %mul3A_78, %get3A_81, %dot_general3A_82 {dimension_numbers = #tpu.dot_dimension_numbers<[1], [0], [0], [1], [0, 0, 1, 1], [], []>, transpose_lhs_hint = false} : vector<8x6400xf32>, vector<6400x200xf32>, vector<8x200xf32> -> vector<8x200xf32>
    %swap3A = arith.constant 0 : index
    %swap3A_84 = arith.constant 0 : index
    %swap3A_85 = arith.constant 0 : index
    %swap3A_86 = vector.load %arg14[%swap3A, %swap3A_84, %swap3A_85] : memref<1x8x200xf32, #tpu.memory_space<vmem>>, vector<1x8x200xf32>
    %swap3A_87 = vector.shape_cast %swap3A_86 : vector<1x8x200xf32> to vector<8x200xf32>
    %swap3A_88 = vector.shape_cast %dot_general3A_83 : vector<8x200xf32> to vector<1x8x200xf32>
    tpu.vector_store %arg14[%swap3A, %swap3A_84, %swap3A_85], %swap3A_88 {strides = array<i32>} : memref<1x8x200xf32, #tpu.memory_space<vmem>>, vector<1x8x200xf32>,
    return
  }
  func.func @transform_0(%arg0: i32) -> (i32, i32) {
    %c0_i32 = arith.constant 0 : i32
    %c0_i32_0 = arith.constant 0 : i32
    return %arg0, %c0_i32 : i32, i32
  }
  func.func @transform_1(%arg0: i32) -> (i32, i32) {
    %c0_i32 = arith.constant 0 : i32
    %c0_i32_0 = arith.constant 0 : i32
    return %arg0, %c0_i32 : i32, i32
  }
  func.func @transform_2(%arg0: i32) -> (i32, i32) {
    %c0_i32 = arith.constant 0 : i32
    %c0_i32_0 = arith.constant 0 : i32
    return %arg0, %c0_i32 : i32, i32
  }
  func.func @transform_3(%arg0: i32) -> (i32, i32) {
    %c0_i32 = arith.constant 0 : i32
    %c0_i32_0 = arith.constant 0 : i32
    return %c0_i32, %arg0 : i32, i32
  }
  func.func @transform_4(%arg0: i32) -> (i32, i32) {
    %c0_i32 = arith.constant 0 : i32
    %c0_i32_0 = arith.constant 0 : i32
    %c0_i32_1 = arith.constant 0 : i32
    return %c0_i32, %c0_i32_0 : i32, i32
  }
  func.func @transform_5(%arg0: i32) -> (i32, i32) {
    %c0_i32 = arith.constant 0 : i32
    %c0_i32_0 = arith.constant 0 : i32
    %c0_i32_1 = arith.constant 0 : i32
    return %c0_i32, %c0_i32_0 : i32, i32
  }
  func.func @transform_6(%arg0: i32) -> (i32, i32) {
    %c0_i32 = arith.constant 0 : i32
    %c0_i32_0 = arith.constant 0 : i32
    %c0_i32_1 = arith.constant 0 : i32
    return %c0_i32, %c0_i32_0 : i32, i32
  }
  func.func @transform_7(%arg0: i32) -> (i32, i32) {
    %c0_i32 = arith.constant 0 : i32
    %c0_i32_0 = arith.constant 0 : i32
    %c0_i32_1 = arith.constant 0 : i32
    return %c0_i32, %c0_i32_0 : i32, i32
  }
  func.func @transform_8(%arg0: i32) -> (i32, i32) {
    %c0_i32 = arith.constant 0 : i32
    %c0_i32_0 = arith.constant 0 : i32
    %c0_i32_1 = arith.constant 0 : i32
    return %c0_i32, %c0_i32_0 : i32, i32
  }
  func.func @transform_9(%arg0: i32) -> (i32, i32) {
    %c0_i32 = arith.constant 0 : i32
    %c0_i32_0 = arith.constant 0 : i32
    %c0_i32_1 = arith.constant 0 : i32
    return %c0_i32, %c0_i32_0 : i32, i32
  }
  func.func @transform_10(%arg0: i32) -> (i32, i32) {
    %c0_i32 = arith.constant 0 : i32
    %c0_i32_0 = arith.constant 0 : i32
    %c0_i32_1 = arith.constant 0 : i32
    return %c0_i32, %c0_i32_0 : i32, i32
  }
  func.func @transform_11(%arg0: i32) -> (i32, i32) {
    %c0_i32 = arith.constant 0 : i32
    %c0_i32_0 = arith.constant 0 : i32
    %c0_i32_1 = arith.constant 0 : i32
    return %c0_i32, %c0_i32_0 : i32, i32
  }
  func.func @transform_12(%arg0: i32) -> (i32, i32) {
    %c0_i32 = arith.constant 0 : i32
    %c0_i32_0 = arith.constant 0 : i32
    %c0_i32_1 = arith.constant 0 : i32
    return %c0_i32, %c0_i32_0 : i32, i32
  }
  func.func @transform_13(%arg0: i32) -> (i32, i32, i32) {
    %c0_i32 = arith.constant 0 : i32
    %c0_i32_0 = arith.constant 0 : i32
    %c0_i32_1 = arith.constant 0 : i32
    return %arg0, %c0_i32, %c0_i32_0 : i32, i32, i32
  }
}

</mosaic_0001>

<sc_bundles>
// kernel: kernel.20.cloned.1.call-start
scs
__scs_entry_jumppad:
0x0: {  	(pc) =	sbr.rel $0x88, $3  }
0x1: {  	(tag) =	ssettag $0x0;
	lr =	simm.s32 $0x1  }
0x2: {  	[smem:$0x3F86] =	sst lr;
	_ =	strace $0xD0000000  }
0x3: {  	_ = 	snop  }
0x4: {  	_ = 	snop  }
0x5: {  	_ = 	snop  }
0x6: {  	_ = 	snop  }
0x7: {  	_ = 	snop  }
__scs_overlays_trampoline_lowered:
0x8: {  	[smem:$0x3F95] =	sst s0  }
0x9: {  	[smem:$0x3F96] =	sst s1  }
0xa: {  	[smem:$0x3F97] =	sst s2  }
0xb: {  	[smem:$0x3F98] =	sst s3  }
0xc: {  	[smem:$0x3F99] =	sst s4  }
0xd: {  	[smem:$0x3F9A] =	sst s5  }
0xe: {  	[smem:$0x3F9B] =	sst s6  }
0xf: {  	[smem:$0x3F9C] =	sst s7  }
0x10: {  	[smem:$0x3F9D] =	sst s8  }
0x11: {  	[smem:$0x3F9E] =	sst s9;
	s0 =	simm.s32 @!p0 $0x0  }
0x12: {  	s1 =	sld [smem:$0x3F84];
	s0 =	simm.s32 @p0 $0x1  }
0x13: {  	[smem:$0x3F9F] =	sst s0;
	s0 =	simm.s32 @!p1 $0x0  }
0x14: {  	s2 =	sld [smem:$0x3F83];
	s0 =	simm.s32 @p1 $0x1  }
0x15: {  	[smem:$0x3FA0] =	sst s0;
	s0 =	simm.s32 @!p2 $0x0  }
0x16: {  	s3 =	sld [smem:$0x3FDB];
	s0 =	simm.s32 @p2 $0x1  }
0x17: {  	s4 =	simm.s32 $0x1BF5;
	[smem:$0x3FA2] =	sst s0  }
0x18: {  	s0 =	sld [smem:$0x3F85];
	_ =	swait.ge [sflag:s4], $0x0  }
0x19: {  	s7 =	sld [smem:$0x3F86]  }
0x1a: {  	s8 =	sadd.s32 $0xFFFFE003, lr  }
0x1b: {  	s9 =	sadd.s32 $0xFFFFFEF7, lr;
	s5 =	simm.s32 $0xFFFFFFFF;
	p2 =	slt.u32 s8, $0xFFFFF086  }
0x1c: {  	p1 =	slt.u32 s9, $0xF7A;
	s5 =	simm.s32 @!p2 $0x0  }
0x1d: {  	s5 =	simm.s32 @p1 $0x1;
	p0 =	seq.s32 s7, s2  }
0x1e: {  	s7 =	smul.u32 @!p0 $0xF7A, s2;
	p2 =	seq.s32 @!p0 s5, $0x0  }
0x1f: {  	s9 =	smul.u32 $0xF7A, s1;
	s8 =	simm.s32 @!p0 $0x1BF5;
	p2 =	por !p2, p0  }
0x20: {  	[sflag:s8] =	ssyncset.s32 @!p0 $0xFFFFF086;
	s6 =	sadd.s32 @!p0 s3, s7;
	s7 =	simm.s32 @!p0 $0x108  }
0x21: {  	s3 =	sadd.s32 s3, s9;
	s6 =	sadd.s32 @!p0 $0x88, s6;
	s7 =	simm.s32 @p2 $0x1082  }
0x22: {  	[simem:s7], [sflag:s8] =	dma.local @!p0 [hbm:s6], $0xF7A  }
0x23: {  	s9 =	sor.u32 $0xD0000000, s2;
	s6 =	simm.s32 $0x108;
	_ =	swait.ge @!p0 [sflag:s8], $0x0  }
0x24: {  	s3 =	sadd.s32 $0x88, s3;
	s6 =	simm.s32 @!p1 $0x1082;
	[sflag:s4] =	ssyncset.s32 $0xFFFFF086  }
0x25: {  	[simem:s6], [sflag:s4] =	dma.local [hbm:s3], $0xF7A  }
0x26: {  	[smem:$0x3F86] =	sst s1;
	(tag) =	ssettag s2;
	_ =	strace s9  }
0x27: {  	s1 =	sld [smem:$0x3F96]  }
0x28: {  	s2 =	sld [smem:$0x3F97]  }
0x29: {  	s4 =	sld [smem:$0x3F99]  }
0x2a: {  	p0 =	seq.s32 s5, $0x0;
	s5 =	sld [smem:$0x3F9A]  }
0x2b: {  	s6 =	sld [smem:$0x3F9B]  }
0x2c: {  	s7 =	sld [smem:$0x3F9C]  }
0x2d: {  	s3 =	simm.s32 $0x108;
	s8 =	sld [smem:$0x3F9D]  }
0x2e: {  	s3 =	simm.s32 @!p0 $0x1082;
	s9 =	sld [smem:$0x3F9E]  }
0x2f: {  	lr =	sadd.s32 s0, s3;
	s0 =	sld [smem:$0x3F95]  }
0x30: {  	s3 =	sld [smem:$0x3F98]  }
0x31: {  	[smem:$0x3FA1] =	sst s10  }
0x32: {  	s10 =	sld [smem:$0x3F9F];
	_ =	sdelay $0x3  }
0x33: {  	p0 =	seq.s32 s10, $0x1;
	s10 =	sld [smem:$0x3FA1];
	_ =	sdelay $0x3  }
0x34: {  	[smem:$0x3FA1] =	sst s10  }
0x35: {  	s10 =	sld [smem:$0x3FA0];
	_ =	sdelay $0x3  }
0x36: {  	p1 =	seq.s32 s10, $0x1;
	s10 =	sld [smem:$0x3FA1];
	_ =	sdelay $0x3  }
0x37: {  	[smem:$0x3FA1] =	sst s10  }
0x38: {  	s10 =	sld [smem:$0x3FA2]  }
0x39: {  	_ = 	snop;
	(pc) =	sbr.ind lr, $3  }
0x3a: {  	_ = 	snop  }
0x3b: {  	_ = 	snop  }
0x3c: {  	p2 =	seq.s32 s10, $0x1;
	s10 =	sld [smem:$0x3FA1]  }
0x3d: {  	_ =	shalt  }
0x3e: {  	_ =	shalt  }
0x3f: {  	_ =	shalt  }
0x40: {  	_ =	shalt  }
0x41: {  	_ =	shalt  }
0x42: {  	_ =	shalt  }
0x43: {  	_ =	shalt  }
0x44: {  	_ =	shalt  }
0x45: {  	_ =	shalt  }
0x46: {  	_ =	shalt  }
0x47: {  	_ =	shalt  }
0x48: {  	_ =	shalt  }
0x49: {  	_ =	shalt  }
0x4a: {  	_ =	shalt  }
0x4b: {  	_ =	shalt  }
0x4c: {  	_ =	shalt  }
0x4d: {  	_ =	shalt  }
0x4e: {  	_ =	shalt  }
0x4f: {  	_ =	shalt  }
0x50: {  	_ =	shalt  }
0x51: {  	_ =	shalt  }
0x52: {  	_ =	shalt  }
0x53: {  	_ =	shalt  }
0x54: {  	_ =	shalt  }
0x55: {  	_ =	shalt  }
0x56: {  	_ =	shalt  }
0x57: {  	_ =	shalt  }
0x58: {  	_ =	shalt  }
0x59: {  	_ =	shalt  }
0x5a: {  	_ =	shalt  }
0x5b: {  	_ =	shalt  }
0x5c: {  	_ =	shalt  }
0x5d: {  	_ =	shalt  }
0x5e: {  	_ =	shalt  }
0x5f: {  	_ =	shalt  }
0x60: {  	_ =	shalt  }
0x61: {  	_ =	shalt  }
0x62: {  	_ =	shalt  }
0x63: {  	_ =	shalt  }
0x64: {  	_ =	shalt  }
0x65: {  	_ =	shalt  }
0x66: {  	_ =	shalt  }
0x67: {  	_ =	shalt  }
0x68: {  	_ =	shalt  }
0x69: {  	_ =	shalt  }
0x6a: {  	_ =	shalt  }
0x6b: {  	_ =	shalt  }
0x6c: {  	_ =	shalt  }
0x6d: {  	_ =	shalt  }
0x6e: {  	_ =	shalt  }
0x6f: {  	_ =	shalt  }
0x70: {  	_ =	shalt  }
0x71: {  	_ =	shalt  }
0x72: {  	_ =	shalt  }
0x73: {  	_ =	shalt  }
0x74: {  	_ =	shalt  }
0x75: {  	_ =	shalt  }
0x76: {  	_ =	shalt  }
0x77: {  	_ =	shalt  }
0x78: {  	_ =	shalt  }
0x79: {  	_ =	shalt  }
0x7a: {  	_ =	shalt  }
0x7b: {  	_ =	shalt  }
0x7c: {  	_ =	shalt  }
0x7d: {  	_ =	shalt  }
0x7e: {  	_ =	shalt  }
0x7f: {  	_ =	shalt  }
0x80: {  	_ =	shalt  }
0x81: {  	_ =	shalt  }
0x82: {  	_ =	shalt  }
0x83: {  	_ =	shalt  }
0x84: {  	_ =	shalt  }
0x85: {  	_ =	shalt  }
0x86: {  	_ =	shalt  }
0x87: {  	_ =	shalt  }
.Lfunc_end0:
.L_simem_size_0:
called_computation_lowered:
.L_overlay_start_0:
0x88: {  	s2 =	sld [smem:$0x3FD9]  }
0x89: {  	s3 =	sld [smem:$0x3FFE];
	_ =	sdelay $0x1  }
0x8a: {  	s1 =	srdreg.scid  }
0x8b: {  	s0 =	sand.u32 $0x1, s1  }
0x8c: {  	s16 =	sshll.u32 s0, $0xA;
	s2 =	sadd.s32 s3, s2  }
0x8d: {  	s2 =	sadd.s32 s2, s16  }
0x8e: {  	[smem:$0x3FAD] =	sst s2  }
0x8f: {  	_ = 	snop  }
0x90: {  	(tm) =	ssettm $0x1  }
0x91: {  	s17 =	sld [smem:$0x3FFB];
	_ =	sdelay $0x3  }
0x92: {  	_ =	strace s17  }
0x93: {  	s2 =	sld [smem:$0x3FFC];
	_ =	sdelay $0x3  }
0x94: {  	_ =	strace s2  }
0x95: {  	s2 =	sld [smem:$0x3FFD];
	_ =	sdelay $0x3  }
0x96: {  	_ =	strace s2  }
0x97: {  	_ =	strace $0x8FFFFFFF  }
0x98: {  	s18 =	sld [smem:$0x3FDB];
	_ =	sdelay $0x1  }
0x99: {  	s19 =	simm.s32 $_scs_section_size  }
0x9a: {  	s4 =	simm.s32 $_size__tile_overlayer_lowered;
	s5 =	simm.s32 $_tile_overlayer_lowered  }
0x9b: {  	s22 =	simm.s32 $0x1BFF;
	s21 =	sshll.u32 s5, $0x1;
	s2 =	sadd.s32 s19, s18  }
0x9c: {  	s6 =	simm.s32 $0x0;
	s20 =	sshll.u32 s4, $0x1;
	s4 =	sadd.s32 s21, s2  }
0x9d: {  	[timem:s6], [sflag:s22] =	dma.local [hbm:s4], s20  }
0x9e: {  	_ =	swait.ge [sflag:s22], s20  }
0x9f: {  	s3 =	ssub.s32 $0x0, s20;
	[sflag:s22] =	ssyncset.done $0x0  }
0xa0: {  	[sflag:s22] =	ssyncadd.s32 s3;
	_ =	sdelay $0x1  }
0xa1: {  	s23 =	simm.s32 $0x1B8B  }
0xa2: {  	_ =	swait.ge [sflag:s23], $0x1  }
0xa3: {  	[sflag:s23] =	ssyncset.done $0x0  }
0xa4: {  	s25 =	simm.s32 $0x1B8E;
	s24 =	sld [smem:$0x3FFE];
	[sflag:s23] =	ssyncadd.s32 $0xFFFFFFFF  }
0xa5: {  	s26 =	simm.s32 $execute0_lowered;
	[smem:$0x3FD2] =	sst s25  }
0xa6: {  	s4 =	sshll.u32 s26, $0x1;
	_ =	strace $0x80000046;
	[dreg:$0x1] =	wrdreg $0xFFFFFFFF  }
0xa7: {  	s28 =	simm.s32 $_size_execute0_lowered;
	s2 =	sadd.s32 s2, s4;
	[dreg:$0x0] =	wrdreg $0x0  }
0xa8: {  	s4 =	sshll.u32 s28, $0x1;
	[dreg:$0x2] =	wrdreg s2  }
0xa9: {  	[dreg:$0x3] =	wrdreg s4  }
0xaa: {  	[dreg:$0x4] =	wrdreg $0xC0  }
0xab: {  	_ =	task [dreg:s6], $0x5FFFF  }
0xac: {  	[dreg:$0x1] =	wrdreg $0xFFFFFFFF  }
0xad: {  	[dreg:$0x0] =	wrdreg $0x60  }
0xae: {  	[dreg:$0x2] =	wrdreg s24  }
0xaf: {  	[dreg:$0x3] =	wrdreg $0x9  }
0xb0: {  	_ =	task.clear_ibuf [dreg:s6], $0x4FFFF;
	_ =	strace $0x90000046  }
0xb1: {  	s29 =	simm.s32 $0x9;
	_ =	strace $0x80000048  }
0xb2: {  	_ =	swait.ge [sflag:s29], $0x1  }
0xb3: {  	[sflag:s29] =	ssyncadd.s32 $0xFFFFFFFF  }
0xb4: {  	_ =	strace $0x90000048  }
0xb5: {  	_ =	sfence  }
0xb6: {  	s30 =	sld [smem:$0x0];
	_ =	sdelay $0x2  }
0xb7: {  	s31 =	sshll.u32 s1, $0xD;
	s1 =	sshrl.u32 s1, $0x2  }
0xb8: {  	s3 =	sand.u32 $0x4000, s31;
	s1 =	sadd.s32 s1, s30  }
0xb9: {  	s0 =	sor.u32 s3, s0;
	s1 =	sshll.u32 s1, $0x11  }
0xba: {  	s0 =	sor.u32 s1, s0  }
0xbb: {  	s0 =	sadd.s32 $0x8F2B, s0  }
0xbc: {  	[sflag:s0] =	ssyncadd.remote.s32 $0x1  }
0xbd: {  	_ =	sfence.sel $0xFFFF  }
0xbe: {  	[dreg:$0x0] =	wrdreg $0xFFFFFFFF;
	(pc) =	sbr.abs _section_cstart, $3  }
0xbf: {  	[dreg:$0x1] =	wrdreg $0xFFFFFFFF  }
0xc0: {  	_ =	task.clear_ibuf [dreg:s6], $0x2FFFF;
	_ =	strace $0x9FFFFFFF  }
0xc1: {  	(tm) =	ssettm $0x7FFFFFFF  }
tec
execute0_lowered:
.L_overlay_start_1:
0x0: {  	(tag) =	ssettag $0x1  }
0x1: {  	s4 =	rddreg [dreg:$0x0]  }
0x2: {  	s0 =	rddreg [dreg:$0x1]  }
0x3: {  	s3 =	srdreg.scid;
	s1 =	stileid.u32;
	s2 =	simm.s32 $0x0  }
0x4: {  	s10 =	simm.s32 $0x1;
	s11 =	simm.s32 $0x0;
	s6 =	smul.u32 $0x2710, s1  }
0x5: {  	s5 =	sand.u32 $0x1, s3;
	[smem:$0x7FF] =	sst s2;
	s8 =	smul.u32 $0x27100, s1  }
0x6: {  	s3 =	sadd.s32 $0xE000, s4;
	s7 =	smul.u32 $0x1388, s5;
	s9 =	ssub.s32 $0x2, s5  }
0x7: {  	_ =	strace $0x80000047;
	s5 =	smul.u32 $0x13880, s5;
	s31 =	sshrl.u32 s9, $0x1  }
0x8: {  	s30 =	sadd.s32 s8, s4;
	s6 =	sadd.s32 s7, s6;
	s8 =	ssub.s32 s9, s31  }
0x9: {  	s5 =	sadd.s32 s5, s30;
	s7 =	simm.s32 $0x2;
	s6 =	sshrl.u32 s6, $0x3  }
0xa: {  	s9 =	simm.s32 $0x100;
	s5 =	sadd.s32 $0x21A00, s5;
	s6 =	sadd.s32 s6, s4  }
0xb: {  	s4 =	smax.u32 s8, $0x1;
	s8 =	simm.s32 $0xC8;
	s6 =	sadd.s32 $0x9000, s6  }
.LBB2_1:
0xc: {  	s12 =	sadd.s32 $0x0, s6  }
0xd: {  	[tilespmem:s2], [sflag:$0x2] =	stream.linear.gather [hbm4b:s12+s2], $0xC8, $0x38;
	[tilespmem:$0x6500] =	vst v63  }
0xe: {  	_ =	swait.ge [sflag:s7], $0xC8  }
0xf: {  	[sflag:s7] =	ssyncset.done $0x0  }
0x10: {  	[sflag:s7] =	ssyncadd.s32 $0xFFFFFF38  }
0x11: {  	[tilespmem:s9], [sflag:$0x1] =	stream.indirect.gather [hbm4b:s3+s8], $0x80, s2, s8, $0xb8;
	[tilespmem:$0x6500] =	vst v63  }
0x12: {  	_ =	swait.ge [sflag:s10], $0x6400  }
0x13: {  	[sflag:s10] =	ssyncset.done $0x0  }
0x14: {  	[sflag:s10] =	ssyncadd.s32 $0xFFFF9C00  }
0x15: {  	[hbm4b:s5+s2] =	stream.linear.scatter [tilespmem:s9], [sflag:$0x2], $0x6400, $0x38;
	[tilespmem:$0x6500] =	vst v63  }
0x16: {  	s13 =	simm.s32 $0x19;
	_ =	swait.ge [sflag:s7], $0x6400  }
0x17: {  	s14 =	simm.s32 $0x32;
	s12 =	sadd.s32 $0xC80, s5;
	[sflag:s7] =	ssyncset.done $0x0  }
.LBB2_2:
0x18: {  	s15 =	sadd.s32 s13, s6  }
0x19: {  	[sflag:s7] =	ssyncadd.s32 $0xFFFF9C00;
	s13 =	smov.u32 s14;
	s16 =	sadd.s32 $0x19, s14  }
0x1a: {  	[tilespmem:s2], [sflag:$0x2] =	stream.linear.gather [hbm4b:s15+s2], $0xC8, $0x38;
	[tilespmem:$0x6500] =	vst v63  }
0x1b: {  	p0 =	sne.s32 s14, $0x258;
	_ =	swait.ge [sflag:s7], $0xC8  }
0x1c: {  	[sflag:s7] =	ssyncset.done $0x0  }
0x1d: {  	[sflag:s7] =	ssyncadd.s32 $0xFFFFFF38  }
0x1e: {  	[tilespmem:s9], [sflag:$0x1] =	stream.indirect.gather [hbm4b:s3+s8], $0x80, s2, s8, $0xb8;
	[tilespmem:$0x6500] =	vst v63  }
0x1f: {  	_ =	swait.ge [sflag:s10], $0x6400  }
.Ltmp0:
0x20: {  	[sflag:s10] =	ssyncset.done $0x0;
	(pc) =	sbr.rel @p0 .LBB2_2-.Ltmp0, $4  }
0x21: {  	[sflag:s10] =	ssyncadd.s32 $0xFFFF9C00  }
0x22: {  	[hbm4b:s12+s2] =	stream.linear.scatter [tilespmem:s9], [sflag:$0x2], $0x6400, $0x38;
	[tilespmem:$0x6500] =	vst v63  }
0x23: {  	_ =	swait.ge [sflag:s7], $0x6400  }
0x24: {  	s14 =	smov.u32 s16;
	s12 =	sadd.s32 $0xC80, s12;
	[sflag:s7] =	ssyncset.done $0x0  }
0x25: {  	s13 =	sadd.s32 s13, s6;
	[sflag:s7] =	ssyncadd.s32 $0xFFFF9C00  }
0x26: {  	[tilespmem:s2], [sflag:$0x2] =	stream.linear.gather [hbm4b:s13+s2], $0xC8, $0x38;
	[tilespmem:$0x6500] =	vst v63  }
0x27: {  	_ =	swait.ge [sflag:s7], $0xC8  }
0x28: {  	[sflag:s7] =	ssyncset.done $0x0  }
0x29: {  	[sflag:s7] =	ssyncadd.s32 $0xFFFFFF38  }
0x2a: {  	[tilespmem:s9], [sflag:$0x1] =	stream.indirect.gather [hbm4b:s3+s8], $0x80, s2, s8, $0xb8;
	[tilespmem:$0x6500] =	vst v63  }
0x2b: {  	s11 =	sadd.s32 $0x1, s11;
	_ =	swait.ge [sflag:s10], $0x6400  }
0x2c: {  	p0 =	sne.s32 s11, s4;
	[sflag:s10] =	ssyncset.done $0x0  }
.Ltmp1:
0x2d: {  	[sflag:s10] =	ssyncadd.s32 $0xFFFF9C00;
	(pc) =	sbr.rel @p0 .LBB2_1-.Ltmp1, $4  }
0x2e: {  	[hbm4b:s12+s2] =	stream.linear.scatter [tilespmem:s9], [sflag:$0x2], $0x6400, $0x38;
	[tilespmem:$0x6500] =	vst v63  }
0x2f: {  	_ =	swait.ge [sflag:s7], $0x6400  }
0x30: {  	[sflag:s7] =	ssyncset.done $0x0  }
0x31: {  	[sflag:s7] =	ssyncadd.s32 $0xFFFF9C00  }
0x32: {  	_ =	sfence.sel $0x180000  }
0x33: {  	[bflag:$0x0] =	sbarrier.arrive $0xFFFF  }
0x34: {  	p0 =	sne.s32 s1, $0x0;
	_ =	strace $0x90000047  }
0x35: {  	s0 =	sadd.s32 @!p0 $0x100000, s0;
	[bflag:$0x2] =	sbarrier.arrive $0xFFFF  }
0x36: {  	[sflag:s0] =	ssyncadd.tile.s32 @!p0 $0x1;
	_ =	shalt  }
.Lfunc_end2:
_tile_overlayer_lowered:
.L_overlay_start_2:
0x37: {  	(tag) =	ssettag $0x2  }
0x38: {  	s0 =	rddreg [dreg:$0x0];
	s2 =	stileid.u32  }
0x39: {  	s1 =	rddreg [dreg:$0x1];
	p0 =	sne.s32 s2, $0x0  }
0x3a: {  	s3 =	rddreg [dreg:$0x2];
	[bflag:$0x3] =	sbarrier.arrive $0xFFFF;
	s2 =	simm.s32 @!p0 $0x1C02  }
0x3b: {  	[timem:s3], [sflag:s2] =	dma.local @!p0 [hbm:s0], s1  }
0x3c: {  	s0 =	simm.s32 @!p0 $0x2  }
0x3d: {  	_ =	swait.ge @!p0 [sflag:s0], s1  }
0x3e: {  	s1 =	ssub.s32 @!p0 $0x0, s1;
	[sflag:s0] =	ssyncset.done @!p0 $0x0  }
0x3f: {  	[sflag:s0] =	ssyncadd.s32 @!p0 s1  }
0x40: {  	[bflag:$0x3] =	sbarrier.arrive $0xFFFF  }
0x41: {  	_ =	shalt  }

// kernel: kernel.23.cloned.1.call-start
scs
__scs_entry_jumppad:
0x0: {  	(pc) =	sbr.rel $0x88, $3  }
0x1: {  	(tag) =	ssettag $0x0;
	lr =	simm.s32 $0x1  }
0x2: {  	[smem:$0x3F86] =	sst lr;
	_ =	strace $0xD0000000  }
0x3: {  	_ = 	snop  }
0x4: {  	_ = 	snop  }
0x5: {  	_ = 	snop  }
0x6: {  	_ = 	snop  }
0x7: {  	_ = 	snop  }
__scs_overlays_trampoline_lowered:
0x8: {  	[smem:$0x3F95] =	sst s0  }
0x9: {  	[smem:$0x3F96] =	sst s1  }
0xa: {  	[smem:$0x3F97] =	sst s2  }
0xb: {  	[smem:$0x3F98] =	sst s3  }
0xc: {  	[smem:$0x3F99] =	sst s4  }
0xd: {  	[smem:$0x3F9A] =	sst s5  }
0xe: {  	[smem:$0x3F9B] =	sst s6  }
0xf: {  	[smem:$0x3F9C] =	sst s7  }
0x10: {  	[smem:$0x3F9D] =	sst s8  }
0x11: {  	[smem:$0x3F9E] =	sst s9;
	s0 =	simm.s32 @!p0 $0x0  }
0x12: {  	s1 =	sld [smem:$0x3F84];
	s0 =	simm.s32 @p0 $0x1  }
0x13: {  	[smem:$0x3F9F] =	sst s0;
	s0 =	simm.s32 @!p1 $0x0  }
0x14: {  	s2 =	sld [smem:$0x3F83];
	s0 =	simm.s32 @p1 $0x1  }
0x15: {  	[smem:$0x3FA0] =	sst s0;
	s0 =	simm.s32 @!p2 $0x0  }
0x16: {  	s3 =	sld [smem:$0x3FDB];
	s0 =	simm.s32 @p2 $0x1  }
0x17: {  	s4 =	simm.s32 $0x1BF5;
	[smem:$0x3FA2] =	sst s0  }
0x18: {  	s0 =	sld [smem:$0x3F85];
	_ =	swait.ge [sflag:s4], $0x0  }
0x19: {  	s7 =	sld [smem:$0x3F86]  }
0x1a: {  	s8 =	sadd.s32 $0xFFFFE003, lr  }
0x1b: {  	s9 =	sadd.s32 $0xFFFFFEF7, lr;
	s5 =	simm.s32 $0xFFFFFFFF;
	p2 =	slt.u32 s8, $0xFFFFF086  }
0x1c: {  	p1 =	slt.u32 s9, $0xF7A;
	s5 =	simm.s32 @!p2 $0x0  }
0x1d: {  	s5 =	simm.s32 @p1 $0x1;
	p0 =	seq.s32 s7, s2  }
0x1e: {  	s7 =	smul.u32 @!p0 $0xF7A, s2;
	p2 =	seq.s32 @!p0 s5, $0x0  }
0x1f: {  	s9 =	smul.u32 $0xF7A, s1;
	s8 =	simm.s32 @!p0 $0x1BF5;
	p2 =	por !p2, p0  }
0x20: {  	[sflag:s8] =	ssyncset.s32 @!p0 $0xFFFFF086;
	s6 =	sadd.s32 @!p0 s3, s7;
	s7 =	simm.s32 @!p0 $0x108  }
0x21: {  	s3 =	sadd.s32 s3, s9;
	s6 =	sadd.s32 @!p0 $0x88, s6;
	s7 =	simm.s32 @p2 $0x1082  }
0x22: {  	[simem:s7], [sflag:s8] =	dma.local @!p0 [hbm:s6], $0xF7A  }
0x23: {  	s9 =	sor.u32 $0xD0000000, s2;
	s6 =	simm.s32 $0x108;
	_ =	swait.ge @!p0 [sflag:s8], $0x0  }
0x24: {  	s3 =	sadd.s32 $0x88, s3;
	s6 =	simm.s32 @!p1 $0x1082;
	[sflag:s4] =	ssyncset.s32 $0xFFFFF086  }
0x25: {  	[simem:s6], [sflag:s4] =	dma.local [hbm:s3], $0xF7A  }
0x26: {  	[smem:$0x3F86] =	sst s1;
	(tag) =	ssettag s2;
	_ =	strace s9  }
0x27: {  	s1 =	sld [smem:$0x3F96]  }
0x28: {  	s2 =	sld [smem:$0x3F97]  }
0x29: {  	s4 =	sld [smem:$0x3F99]  }
0x2a: {  	p0 =	seq.s32 s5, $0x0;
	s5 =	sld [smem:$0x3F9A]  }
0x2b: {  	s6 =	sld [smem:$0x3F9B]  }
0x2c: {  	s7 =	sld [smem:$0x3F9C]  }
0x2d: {  	s3 =	simm.s32 $0x108;
	s8 =	sld [smem:$0x3F9D]  }
0x2e: {  	s3 =	simm.s32 @!p0 $0x1082;
	s9 =	sld [smem:$0x3F9E]  }
0x2f: {  	lr =	sadd.s32 s0, s3;
	s0 =	sld [smem:$0x3F95]  }
0x30: {  	s3 =	sld [smem:$0x3F98]  }
0x31: {  	[smem:$0x3FA1] =	sst s10  }
0x32: {  	s10 =	sld [smem:$0x3F9F];
	_ =	sdelay $0x3  }
0x33: {  	p0 =	seq.s32 s10, $0x1;
	s10 =	sld [smem:$0x3FA1];
	_ =	sdelay $0x3  }
0x34: {  	[smem:$0x3FA1] =	sst s10  }
0x35: {  	s10 =	sld [smem:$0x3FA0];
	_ =	sdelay $0x3  }
0x36: {  	p1 =	seq.s32 s10, $0x1;
	s10 =	sld [smem:$0x3FA1];
	_ =	sdelay $0x3  }
0x37: {  	[smem:$0x3FA1] =	sst s10  }
0x38: {  	s10 =	sld [smem:$0x3FA2]  }
0x39: {  	_ = 	snop;
	(pc) =	sbr.ind lr, $3  }
0x3a: {  	_ = 	snop  }
0x3b: {  	_ = 	snop  }
0x3c: {  	p2 =	seq.s32 s10, $0x1;
	s10 =	sld [smem:$0x3FA1]  }
0x3d: {  	_ =	shalt  }
0x3e: {  	_ =	shalt  }
0x3f: {  	_ =	shalt  }
0x40: {  	_ =	shalt  }
0x41: {  	_ =	shalt  }
0x42: {  	_ =	shalt  }
0x43: {  	_ =	shalt  }
0x44: {  	_ =	shalt  }
0x45: {  	_ =	shalt  }
0x46: {  	_ =	shalt  }
0x47: {  	_ =	shalt  }
0x48: {  	_ =	shalt  }
0x49: {  	_ =	shalt  }
0x4a: {  	_ =	shalt  }
0x4b: {  	_ =	shalt  }
0x4c: {  	_ =	shalt  }
0x4d: {  	_ =	shalt  }
0x4e: {  	_ =	shalt  }
0x4f: {  	_ =	shalt  }
0x50: {  	_ =	shalt  }
0x51: {  	_ =	shalt  }
0x52: {  	_ =	shalt  }
0x53: {  	_ =	shalt  }
0x54: {  	_ =	shalt  }
0x55: {  	_ =	shalt  }
0x56: {  	_ =	shalt  }
0x57: {  	_ =	shalt  }
0x58: {  	_ =	shalt  }
0x59: {  	_ =	shalt  }
0x5a: {  	_ =	shalt  }
0x5b: {  	_ =	shalt  }
0x5c: {  	_ =	shalt  }
0x5d: {  	_ =	shalt  }
0x5e: {  	_ =	shalt  }
0x5f: {  	_ =	shalt  }
0x60: {  	_ =	shalt  }
0x61: {  	_ =	shalt  }
0x62: {  	_ =	shalt  }
0x63: {  	_ =	shalt  }
0x64: {  	_ =	shalt  }
0x65: {  	_ =	shalt  }
0x66: {  	_ =	shalt  }
0x67: {  	_ =	shalt  }
0x68: {  	_ =	shalt  }
0x69: {  	_ =	shalt  }
0x6a: {  	_ =	shalt  }
0x6b: {  	_ =	shalt  }
0x6c: {  	_ =	shalt  }
0x6d: {  	_ =	shalt  }
0x6e: {  	_ =	shalt  }
0x6f: {  	_ =	shalt  }
0x70: {  	_ =	shalt  }
0x71: {  	_ =	shalt  }
0x72: {  	_ =	shalt  }
0x73: {  	_ =	shalt  }
0x74: {  	_ =	shalt  }
0x75: {  	_ =	shalt  }
0x76: {  	_ =	shalt  }
0x77: {  	_ =	shalt  }
0x78: {  	_ =	shalt  }
0x79: {  	_ =	shalt  }
0x7a: {  	_ =	shalt  }
0x7b: {  	_ =	shalt  }
0x7c: {  	_ =	shalt  }
0x7d: {  	_ =	shalt  }
0x7e: {  	_ =	shalt  }
0x7f: {  	_ =	shalt  }
0x80: {  	_ =	shalt  }
0x81: {  	_ =	shalt  }
0x82: {  	_ =	shalt  }
0x83: {  	_ =	shalt  }
0x84: {  	_ =	shalt  }
0x85: {  	_ =	shalt  }
0x86: {  	_ =	shalt  }
0x87: {  	_ =	shalt  }
.Lfunc_end0:
.L_simem_size_0:
called_computation.1_lowered:
.L_overlay_start_0:
0x88: {  	s2 =	sld [smem:$0x3FD9]  }
0x89: {  	s3 =	sld [smem:$0x3FFE];
	_ =	sdelay $0x1  }
0x8a: {  	s1 =	srdreg.scid  }
0x8b: {  	s0 =	sand.u32 $0x1, s1  }
0x8c: {  	s17 =	sshll.u32 s0, $0xA;
	s2 =	sadd.s32 s3, s2  }
0x8d: {  	s2 =	sadd.s32 s2, s17  }
0x8e: {  	[smem:$0x3FAD] =	sst s2  }
0x8f: {  	_ = 	snop  }
0x90: {  	(tm) =	ssettm $0x1  }
0x91: {  	s18 =	sld [smem:$0x3FFB];
	_ =	sdelay $0x3  }
0x92: {  	_ =	strace s18  }
0x93: {  	s2 =	sld [smem:$0x3FFC];
	_ =	sdelay $0x3  }
0x94: {  	_ =	strace s2  }
0x95: {  	s2 =	sld [smem:$0x3FFD];
	_ =	sdelay $0x3  }
0x96: {  	_ =	strace s2  }
0x97: {  	_ =	strace $0x8FFFFFFF  }
0x98: {  	s19 =	sld [smem:$0x3FDB];
	_ =	sdelay $0x1  }
0x99: {  	s20 =	simm.s32 $_scs_section_size  }
0x9a: {  	s4 =	simm.s32 $_size__tile_overlayer_lowered;
	s5 =	simm.s32 $_tile_overlayer_lowered  }
0x9b: {  	s6 =	simm.s32 $0x1BFF;
	s21 =	sshll.u32 s5, $0x1;
	s3 =	sadd.s32 s20, s19  }
0x9c: {  	s22 =	simm.s32 $0x0;
	s4 =	sshll.u32 s4, $0x1;
	s5 =	sadd.s32 s21, s3  }
0x9d: {  	[timem:s22], [sflag:s6] =	dma.local [hbm:s5], s4  }
0x9e: {  	_ =	swait.ge [sflag:s6], s4  }
0x9f: {  	s4 =	ssub.s32 $0x0, s4;
	[sflag:s6] =	ssyncset.done $0x0  }
0xa0: {  	[sflag:s6] =	ssyncadd.s32 s4;
	_ =	sdelay $0x1  }
0xa1: {  	s23 =	simm.s32 $0x1B8B  }
0xa2: {  	_ =	swait.ge [sflag:s23], $0x1  }
0xa3: {  	[sflag:s23] =	ssyncset.done $0x0  }
0xa4: {  	[sflag:s23] =	ssyncadd.s32 $0xFFFFFFFF  }
0xa5: {  	s4 =	sld [smem:$0x0]  }
0xa6: {  	s5 =	sand.u32 $0xFFFFFFFE, s1  }
0xa7: {  	p0 =	sne.s32 s1, s5  }
0xa8: {  	s5 =	sshll.u32 @p0 s5, $0xE  }
0xa9: {  	s5 =	sadd.s32 @p0 $0x11B8D, s5;
	s6 =	sshll.u32 @p0 s4, $0x11  }
0xaa: {  	s5 =	sor.u32 @p0 s6, s5  }
0xab: {  	[sflag:s5] =	ssyncadd.remote.s32 @p0 $0x1;
	_ =	sdelay $0x1  }
0xac: {  	s5 =	simm.s32 @p0 $0x1B8D  }
0xad: {  	_ =	swait.eq @p0 [sflag:s5], $0x1  }
0xae: {  	[sflag:s5] =	ssyncadd.s32 @p0 $0xFFFFFFFF  }
0xaf: {  	s6 =	sshll.u32 @!p0 s1, $0xE  }
0xb0: {  	s6 =	sor.u32 @!p0 $0x4000, s6;
	s5 =	simm.s32 @!p0 $0x1B8D  }
0xb1: {  	s4 =	sshll.u32 @!p0 s4, $0x11;
	s6 =	sadd.s32 @!p0 $0x11B8D, s6;
	_ =	swait.eq @!p0 [sflag:s5], $0x1  }
0xb2: {  	s4 =	sor.u32 @!p0 s4, s6;
	[sflag:s5] =	ssyncadd.s32 @!p0 $0xFFFFFFFF  }
0xb3: {  	s25 =	simm.s32 $0x1B8E;
	s24 =	sld [smem:$0x3FFE];
	[sflag:s4] =	ssyncadd.remote.s32 @!p0 $0x1  }
0xb4: {  	s26 =	simm.s32 $execute0_lowered;
	[smem:$0x3FD2] =	sst s25  }
0xb5: {  	s5 =	sshll.u32 s26, $0x1;
	_ =	strace $0x8000004C;
	[dreg:$0x1] =	wrdreg $0xFFFFFFFF  }
0xb6: {  	s28 =	simm.s32 $_size_execute0_lowered;
	s3 =	sadd.s32 s3, s5;
	[dreg:$0x0] =	wrdreg $0x0  }
0xb7: {  	s5 =	sshll.u32 s28, $0x1;
	[dreg:$0x2] =	wrdreg s3  }
0xb8: {  	[dreg:$0x3] =	wrdreg s5  }
0xb9: {  	[dreg:$0x4] =	wrdreg $0xC0  }
0xba: {  	_ =	task [dreg:s22], $0x5FFFF  }
0xbb: {  	[dreg:$0x1] =	wrdreg $0xFFFFFFFF  }
0xbc: {  	[dreg:$0x0] =	wrdreg $0x60  }
0xbd: {  	[dreg:$0x2] =	wrdreg s24  }
0xbe: {  	[dreg:$0x3] =	wrdreg $0x9  }
0xbf: {  	_ =	task.clear_ibuf [dreg:s22], $0x4FFFF;
	_ =	strace $0x9000004C  }
0xc0: {  	s29 =	simm.s32 $0x9;
	_ =	strace $0x8000004E  }
0xc1: {  	_ =	swait.ge [sflag:s29], $0x1  }
0xc2: {  	[sflag:s29] =	ssyncadd.s32 $0xFFFFFFFF  }
0xc3: {  	_ =	strace $0x9000004E  }
0xc4: {  	_ =	sfence  }
0xc5: {  	s30 =	sld [smem:$0x0];
	_ =	sdelay $0x2  }
0xc6: {  	s31 =	sshll.u32 s1, $0xD;
	s1 =	sshrl.u32 s1, $0x2  }
0xc7: {  	s4 =	sand.u32 $0x4000, s31;
	s1 =	sadd.s32 s1, s30  }
0xc8: {  	s0 =	sor.u32 s4, s0;
	s1 =	sshll.u32 s1, $0x11  }
0xc9: {  	s0 =	sor.u32 s1, s0  }
0xca: {  	s0 =	sadd.s32 $0x8F2B, s0  }
0xcb: {  	[sflag:s0] =	ssyncadd.remote.s32 $0x1  }
0xcc: {  	_ =	sfence.sel $0xFFFF  }
0xcd: {  	[dreg:$0x0] =	wrdreg $0xFFFFFFFF;
	(pc) =	sbr.abs _section_cstart, $3  }
0xce: {  	[dreg:$0x1] =	wrdreg $0xFFFFFFFF  }
0xcf: {  	_ =	task.clear_ibuf [dreg:s22], $0x2FFFF;
	_ =	strace $0x9FFFFFFF  }
0xd0: {  	(tm) =	ssettm $0x7FFFFFFF  }
0xd1: {  	_ =	shalt  }
tec
execute0_lowered:
.L_overlay_start_1:
0x0: {  	(tag) =	ssettag $0x1  }
0x1: {  	s4 =	rddreg [dreg:$0x0]  }
0x2: {  	s0 =	rddreg [dreg:$0x1]  }
0x3: {  	s3 =	srdreg.scid;
	s1 =	stileid.u32;
	s2 =	simm.s32 $0x0  }
0x4: {  	s10 =	simm.s32 $0x1;
	s11 =	simm.s32 $0x0;
	s6 =	smul.u32 $0x2710, s1  }
0x5: {  	s5 =	sand.u32 $0x1, s3;
	[smem:$0x7FF] =	sst s2;
	s8 =	smul.u32 $0x27100, s1  }
0x6: {  	s3 =	sadd.s32 $0xE000, s4;
	s7 =	smul.u32 $0x1388, s5;
	s9 =	ssub.s32 $0x2, s5  }
0x7: {  	_ =	strace $0x8000004D;
	s5 =	smul.u32 $0x13880, s5;
	s31 =	sshrl.u32 s9, $0x1  }
0x8: {  	s30 =	sadd.s32 s8, s4;
	s6 =	sadd.s32 s7, s6;
	s8 =	ssub.s32 s9, s31  }
0x9: {  	s5 =	sadd.s32 s5, s30;
	s7 =	simm.s32 $0x2;
	s6 =	sshrl.u32 s6, $0x3  }
0xa: {  	s9 =	simm.s32 $0x100;
	s5 =	sadd.s32 $0x21A00, s5;
	s6 =	sadd.s32 s6, s4  }
0xb: {  	s4 =	smax.u32 s8, $0x1;
	s8 =	simm.s32 $0xC8;
	s6 =	sadd.s32 $0x9000, s6  }
.LBB2_1:
0xc: {  	s12 =	sadd.s32 $0x0, s6  }
0xd: {  	[tilespmem:s2], [sflag:$0x2] =	stream.linear.gather [hbm4b:s12+s2], $0xC8, $0x38;
	[tilespmem:$0x6500] =	vst v63  }
0xe: {  	_ =	swait.ge [sflag:s7], $0xC8  }
0xf: {  	[sflag:s7] =	ssyncset.done $0x0  }
0x10: {  	[sflag:s7] =	ssyncadd.s32 $0xFFFFFF38  }
0x11: {  	[tilespmem:s9], [sflag:$0x1] =	stream.indirect.gather [hbm4b:s3+s8], $0x80, s2, s8, $0xb8;
	[tilespmem:$0x6500] =	vst v63  }
0x12: {  	_ =	swait.ge [sflag:s10], $0x6400  }
0x13: {  	[sflag:s10] =	ssyncset.done $0x0  }
0x14: {  	[sflag:s10] =	ssyncadd.s32 $0xFFFF9C00  }
0x15: {  	[hbm4b:s5+s2] =	stream.linear.scatter [tilespmem:s9], [sflag:$0x2], $0x6400, $0x38;
	[tilespmem:$0x6500] =	vst v63  }
0x16: {  	s13 =	simm.s32 $0x19;
	_ =	swait.ge [sflag:s7], $0x6400  }
0x17: {  	s14 =	simm.s32 $0x32;
	s12 =	sadd.s32 $0xC80, s5;
	[sflag:s7] =	ssyncset.done $0x0  }
.LBB2_2:
0x18: {  	s15 =	sadd.s32 s13, s6  }
0x19: {  	[sflag:s7] =	ssyncadd.s32 $0xFFFF9C00;
	s13 =	smov.u32 s14;
	s16 =	sadd.s32 $0x19, s14  }
0x1a: {  	[tilespmem:s2], [sflag:$0x2] =	stream.linear.gather [hbm4b:s15+s2], $0xC8, $0x38;
	[tilespmem:$0x6500] =	vst v63  }
0x1b: {  	p0 =	sne.s32 s14, $0x258;
	_ =	swait.ge [sflag:s7], $0xC8  }
0x1c: {  	[sflag:s7] =	ssyncset.done $0x0  }
0x1d: {  	[sflag:s7] =	ssyncadd.s32 $0xFFFFFF38  }
0x1e: {  	[tilespmem:s9], [sflag:$0x1] =	stream.indirect.gather [hbm4b:s3+s8], $0x80, s2, s8, $0xb8;
	[tilespmem:$0x6500] =	vst v63  }
0x1f: {  	_ =	swait.ge [sflag:s10], $0x6400  }
.Ltmp0:
0x20: {  	[sflag:s10] =	ssyncset.done $0x0;
	(pc) =	sbr.rel @p0 .LBB2_2-.Ltmp0, $4  }
0x21: {  	[sflag:s10] =	ssyncadd.s32 $0xFFFF9C00  }
0x22: {  	[hbm4b:s12+s2] =	stream.linear.scatter [tilespmem:s9], [sflag:$0x2], $0x6400, $0x38;
	[tilespmem:$0x6500] =	vst v63  }
0x23: {  	_ =	swait.ge [sflag:s7], $0x6400  }
0x24: {  	s14 =	smov.u32 s16;
	s12 =	sadd.s32 $0xC80, s12;
	[sflag:s7] =	ssyncset.done $0x0  }
0x25: {  	s13 =	sadd.s32 s13, s6;
	[sflag:s7] =	ssyncadd.s32 $0xFFFF9C00  }
0x26: {  	[tilespmem:s2], [sflag:$0x2] =	stream.linear.gather [hbm4b:s13+s2], $0xC8, $0x38;
	[tilespmem:$0x6500] =	vst v63  }
0x27: {  	_ =	swait.ge [sflag:s7], $0xC8  }
0x28: {  	[sflag:s7] =	ssyncset.done $0x0  }
0x29: {  	[sflag:s7] =	ssyncadd.s32 $0xFFFFFF38  }
0x2a: {  	[tilespmem:s9], [sflag:$0x1] =	stream.indirect.gather [hbm4b:s3+s8], $0x80, s2, s8, $0xb8;
	[tilespmem:$0x6500] =	vst v63  }
0x2b: {  	s11 =	sadd.s32 $0x1, s11;
	_ =	swait.ge [sflag:s10], $0x6400  }
0x2c: {  	p0 =	sne.s32 s11, s4;
	[sflag:s10] =	ssyncset.done $0x0  }
.Ltmp1:
0x2d: {  	[sflag:s10] =	ssyncadd.s32 $0xFFFF9C00;
	(pc) =	sbr.rel @p0 .LBB2_1-.Ltmp1, $4  }
0x2e: {  	[hbm4b:s12+s2] =	stream.linear.scatter [tilespmem:s9], [sflag:$0x2], $0x6400, $0x38;
	[tilespmem:$0x6500] =	vst v63  }
0x2f: {  	_ =	swait.ge [sflag:s7], $0x6400  }
0x30: {  	[sflag:s7] =	ssyncset.done $0x0  }
0x31: {  	[sflag:s7] =	ssyncadd.s32 $0xFFFF9C00  }
0x32: {  	_ =	sfence.sel $0x180000  }
0x33: {  	[bflag:$0x0] =	sbarrier.arrive $0xFFFF  }
0x34: {  	p0 =	sne.s32 s1, $0x0;
	_ =	strace $0x9000004D  }
0x35: {  	s0 =	sadd.s32 @!p0 $0x100000, s0;
	[bflag:$0x2] =	sbarrier.arrive $0xFFFF  }
0x36: {  	[sflag:s0] =	ssyncadd.tile.s32 @!p0 $0x1;
	_ =	shalt  }
.Lfunc_end2:
_tile_overlayer_lowered:
.L_overlay_start_2:
0x37: {  	(tag) =	ssettag $0x2  }
0x38: {  	s0 =	rddreg [dreg:$0x0];
	s2 =	stileid.u32  }
0x39: {  	s1 =	rddreg [dreg:$0x1];
	p0 =	sne.s32 s2, $0x0  }
0x3a: {  	s3 =	rddreg [dreg:$0x2];
	[bflag:$0x3] =	sbarrier.arrive $0xFFFF;
	s2 =	simm.s32 @!p0 $0x1C02  }
0x3b: {  	[timem:s3], [sflag:s2] =	dma.local @!p0 [hbm:s0], s1  }
0x3c: {  	s0 =	simm.s32 @!p0 $0x2  }
0x3d: {  	_ =	swait.ge @!p0 [sflag:s0], s1  }
0x3e: {  	s1 =	ssub.s32 @!p0 $0x0, s1;
	[sflag:s0] =	ssyncset.done @!p0 $0x0  }
0x3f: {  	[sflag:s0] =	ssyncadd.s32 @!p0 s1  }
0x40: {  	[bflag:$0x3] =	sbarrier.arrive $0xFFFF  }
0x41: {  	_ =	shalt  }

// kernel: kernel.26.cloned.1.call-start
scs
__scs_entry_jumppad:
0x0: {  	(pc) =	sbr.rel $0x88, $3  }
0x1: {  	(tag) =	ssettag $0x0;
	lr =	simm.s32 $0x1  }
0x2: {  	[smem:$0x3F86] =	sst lr;
	_ =	strace $0xD0000000  }
0x3: {  	_ = 	snop  }
0x4: {  	_ = 	snop  }
0x5: {  	_ = 	snop  }
0x6: {  	_ = 	snop  }
0x7: {  	_ = 	snop  }
__scs_overlays_trampoline_lowered:
0x8: {  	[smem:$0x3F95] =	sst s0  }
0x9: {  	[smem:$0x3F96] =	sst s1  }
0xa: {  	[smem:$0x3F97] =	sst s2  }
0xb: {  	[smem:$0x3F98] =	sst s3  }
0xc: {  	[smem:$0x3F99] =	sst s4  }
0xd: {  	[smem:$0x3F9A] =	sst s5  }
0xe: {  	[smem:$0x3F9B] =	sst s6  }
0xf: {  	[smem:$0x3F9C] =	sst s7  }
0x10: {  	[smem:$0x3F9D] =	sst s8  }
0x11: {  	[smem:$0x3F9E] =	sst s9;
	s0 =	simm.s32 @!p0 $0x0  }
0x12: {  	s1 =	sld [smem:$0x3F84];
	s0 =	simm.s32 @p0 $0x1  }
0x13: {  	[smem:$0x3F9F] =	sst s0;
	s0 =	simm.s32 @!p1 $0x0  }
0x14: {  	s2 =	sld [smem:$0x3F83];
	s0 =	simm.s32 @p1 $0x1  }
0x15: {  	[smem:$0x3FA0] =	sst s0;
	s0 =	simm.s32 @!p2 $0x0  }
0x16: {  	s3 =	sld [smem:$0x3FDB];
	s0 =	simm.s32 @p2 $0x1  }
0x17: {  	s4 =	simm.s32 $0x1BF5;
	[smem:$0x3FA2] =	sst s0  }
0x18: {  	s0 =	sld [smem:$0x3F85];
	_ =	swait.ge [sflag:s4], $0x0  }
0x19: {  	s7 =	sld [smem:$0x3F86]  }
0x1a: {  	s8 =	sadd.s32 $0xFFFFE003, lr  }
0x1b: {  	s9 =	sadd.s32 $0xFFFFFEF7, lr;
	s5 =	simm.s32 $0xFFFFFFFF;
	p2 =	slt.u32 s8, $0xFFFFF086  }
0x1c: {  	p1 =	slt.u32 s9, $0xF7A;
	s5 =	simm.s32 @!p2 $0x0  }
0x1d: {  	s5 =	simm.s32 @p1 $0x1;
	p0 =	seq.s32 s7, s2  }
0x1e: {  	s7 =	smul.u32 @!p0 $0xF7A, s2;
	p2 =	seq.s32 @!p0 s5, $0x0  }
0x1f: {  	s9 =	smul.u32 $0xF7A, s1;
	s8 =	simm.s32 @!p0 $0x1BF5;
	p2 =	por !p2, p0  }
0x20: {  	[sflag:s8] =	ssyncset.s32 @!p0 $0xFFFFF086;
	s6 =	sadd.s32 @!p0 s3, s7;
	s7 =	simm.s32 @!p0 $0x108  }
0x21: {  	s3 =	sadd.s32 s3, s9;
	s6 =	sadd.s32 @!p0 $0x88, s6;
	s7 =	simm.s32 @p2 $0x1082  }
0x22: {  	[simem:s7], [sflag:s8] =	dma.local @!p0 [hbm:s6], $0xF7A  }
0x23: {  	s9 =	sor.u32 $0xD0000000, s2;
	s6 =	simm.s32 $0x108;
	_ =	swait.ge @!p0 [sflag:s8], $0x0  }
0x24: {  	s3 =	sadd.s32 $0x88, s3;
	s6 =	simm.s32 @!p1 $0x1082;
	[sflag:s4] =	ssyncset.s32 $0xFFFFF086  }
0x25: {  	[simem:s6], [sflag:s4] =	dma.local [hbm:s3], $0xF7A  }
0x26: {  	[smem:$0x3F86] =	sst s1;
	(tag) =	ssettag s2;
	_ =	strace s9  }
0x27: {  	s1 =	sld [smem:$0x3F96]  }
0x28: {  	s2 =	sld [smem:$0x3F97]  }
0x29: {  	s4 =	sld [smem:$0x3F99]  }
0x2a: {  	p0 =	seq.s32 s5, $0x0;
	s5 =	sld [smem:$0x3F9A]  }
0x2b: {  	s6 =	sld [smem:$0x3F9B]  }
0x2c: {  	s7 =	sld [smem:$0x3F9C]  }
0x2d: {  	s3 =	simm.s32 $0x108;
	s8 =	sld [smem:$0x3F9D]  }
0x2e: {  	s3 =	simm.s32 @!p0 $0x1082;
	s9 =	sld [smem:$0x3F9E]  }
0x2f: {  	lr =	sadd.s32 s0, s3;
	s0 =	sld [smem:$0x3F95]  }
0x30: {  	s3 =	sld [smem:$0x3F98]  }
0x31: {  	[smem:$0x3FA1] =	sst s10  }
0x32: {  	s10 =	sld [smem:$0x3F9F];
	_ =	sdelay $0x3  }
0x33: {  	p0 =	seq.s32 s10, $0x1;
	s10 =	sld [smem:$0x3FA1];
	_ =	sdelay $0x3  }
0x34: {  	[smem:$0x3FA1] =	sst s10  }
0x35: {  	s10 =	sld [smem:$0x3FA0];
	_ =	sdelay $0x3  }
0x36: {  	p1 =	seq.s32 s10, $0x1;
	s10 =	sld [smem:$0x3FA1];
	_ =	sdelay $0x3  }
0x37: {  	[smem:$0x3FA1] =	sst s10  }
0x38: {  	s10 =	sld [smem:$0x3FA2]  }
0x39: {  	_ = 	snop;
	(pc) =	sbr.ind lr, $3  }
0x3a: {  	_ = 	snop  }
0x3b: {  	_ = 	snop  }
0x3c: {  	p2 =	seq.s32 s10, $0x1;
	s10 =	sld [smem:$0x3FA1]  }
0x3d: {  	_ =	shalt  }
0x3e: {  	_ =	shalt  }
0x3f: {  	_ =	shalt  }
0x40: {  	_ =	shalt  }
0x41: {  	_ =	shalt  }
0x42: {  	_ =	shalt  }
0x43: {  	_ =	shalt  }
0x44: {  	_ =	shalt  }
0x45: {  	_ =	shalt  }
0x46: {  	_ =	shalt  }
0x47: {  	_ =	shalt  }
0x48: {  	_ =	shalt  }
0x49: {  	_ =	shalt  }
0x4a: {  	_ =	shalt  }
0x4b: {  	_ =	shalt  }
0x4c: {  	_ =	shalt  }
0x4d: {  	_ =	shalt  }
0x4e: {  	_ =	shalt  }
0x4f: {  	_ =	shalt  }
0x50: {  	_ =	shalt  }
0x51: {  	_ =	shalt  }
0x52: {  	_ =	shalt  }
0x53: {  	_ =	shalt  }
0x54: {  	_ =	shalt  }
0x55: {  	_ =	shalt  }
0x56: {  	_ =	shalt  }
0x57: {  	_ =	shalt  }
0x58: {  	_ =	shalt  }
0x59: {  	_ =	shalt  }
0x5a: {  	_ =	shalt  }
0x5b: {  	_ =	shalt  }
0x5c: {  	_ =	shalt  }
0x5d: {  	_ =	shalt  }
0x5e: {  	_ =	shalt  }
0x5f: {  	_ =	shalt  }
0x60: {  	_ =	shalt  }
0x61: {  	_ =	shalt  }
0x62: {  	_ =	shalt  }
0x63: {  	_ =	shalt  }
0x64: {  	_ =	shalt  }
0x65: {  	_ =	shalt  }
0x66: {  	_ =	shalt  }
0x67: {  	_ =	shalt  }
0x68: {  	_ =	shalt  }
0x69: {  	_ =	shalt  }
0x6a: {  	_ =	shalt  }
0x6b: {  	_ =	shalt  }
0x6c: {  	_ =	shalt  }
0x6d: {  	_ =	shalt  }
0x6e: {  	_ =	shalt  }
0x6f: {  	_ =	shalt  }
0x70: {  	_ =	shalt  }
0x71: {  	_ =	shalt  }
0x72: {  	_ =	shalt  }
0x73: {  	_ =	shalt  }
0x74: {  	_ =	shalt  }
0x75: {  	_ =	shalt  }
0x76: {  	_ =	shalt  }
0x77: {  	_ =	shalt  }
0x78: {  	_ =	shalt  }
0x79: {  	_ =	shalt  }
0x7a: {  	_ =	shalt  }
0x7b: {  	_ =	shalt  }
0x7c: {  	_ =	shalt  }
0x7d: {  	_ =	shalt  }
0x7e: {  	_ =	shalt  }
0x7f: {  	_ =	shalt  }
0x80: {  	_ =	shalt  }
0x81: {  	_ =	shalt  }
0x82: {  	_ =	shalt  }
0x83: {  	_ =	shalt  }
0x84: {  	_ =	shalt  }
0x85: {  	_ =	shalt  }
0x86: {  	_ =	shalt  }
0x87: {  	_ =	shalt  }
.Lfunc_end0:
.L_simem_size_0:
called_computation.2_lowered:
.L_overlay_start_0:
0x88: {  	s2 =	sld [smem:$0x3FD9]  }
0x89: {  	s3 =	sld [smem:$0x3FFE];
	_ =	sdelay $0x1  }
0x8a: {  	s1 =	srdreg.scid  }
0x8b: {  	s0 =	sand.u32 $0x1, s1  }
0x8c: {  	s17 =	sshll.u32 s0, $0xA;
	s2 =	sadd.s32 s3, s2  }
0x8d: {  	s2 =	sadd.s32 s2, s17  }
0x8e: {  	[smem:$0x3FAD] =	sst s2  }
0x8f: {  	_ = 	snop  }
0x90: {  	(tm) =	ssettm $0x1  }
0x91: {  	s18 =	sld [smem:$0x3FFB];
	_ =	sdelay $0x3  }
0x92: {  	_ =	strace s18  }
0x93: {  	s2 =	sld [smem:$0x3FFC];
	_ =	sdelay $0x3  }
0x94: {  	_ =	strace s2  }
0x95: {  	s2 =	sld [smem:$0x3FFD];
	_ =	sdelay $0x3  }
0x96: {  	_ =	strace s2  }
0x97: {  	_ =	strace $0x8FFFFFFF  }
0x98: {  	s19 =	sld [smem:$0x3FDB];
	_ =	sdelay $0x1  }
0x99: {  	s20 =	simm.s32 $_scs_section_size  }
0x9a: {  	s4 =	simm.s32 $_size__tile_overlayer_lowered;
	s5 =	simm.s32 $_tile_overlayer_lowered  }
0x9b: {  	s6 =	simm.s32 $0x1BFF;
	s21 =	sshll.u32 s5, $0x1;
	s3 =	sadd.s32 s20, s19  }
0x9c: {  	s22 =	simm.s32 $0x0;
	s4 =	sshll.u32 s4, $0x1;
	s5 =	sadd.s32 s21, s3  }
0x9d: {  	[timem:s22], [sflag:s6] =	dma.local [hbm:s5], s4  }
0x9e: {  	_ =	swait.ge [sflag:s6], s4  }
0x9f: {  	s4 =	ssub.s32 $0x0, s4;
	[sflag:s6] =	ssyncset.done $0x0  }
0xa0: {  	[sflag:s6] =	ssyncadd.s32 s4;
	_ =	sdelay $0x1  }
0xa1: {  	s23 =	simm.s32 $0x1B8B  }
0xa2: {  	_ =	swait.ge [sflag:s23], $0x1  }
0xa3: {  	[sflag:s23] =	ssyncset.done $0x0  }
0xa4: {  	[sflag:s23] =	ssyncadd.s32 $0xFFFFFFFF  }
0xa5: {  	s4 =	sld [smem:$0x0]  }
0xa6: {  	s5 =	sand.u32 $0xFFFFFFFE, s1  }
0xa7: {  	p0 =	sne.s32 s1, s5  }
0xa8: {  	s5 =	sshll.u32 @p0 s5, $0xE  }
0xa9: {  	s5 =	sadd.s32 @p0 $0x11B8D, s5;
	s6 =	sshll.u32 @p0 s4, $0x11  }
0xaa: {  	s5 =	sor.u32 @p0 s6, s5  }
0xab: {  	[sflag:s5] =	ssyncadd.remote.s32 @p0 $0x1;
	_ =	sdelay $0x1  }
0xac: {  	s5 =	simm.s32 @p0 $0x1B8D  }
0xad: {  	_ =	swait.eq @p0 [sflag:s5], $0x1  }
0xae: {  	[sflag:s5] =	ssyncadd.s32 @p0 $0xFFFFFFFF  }
0xaf: {  	s6 =	sshll.u32 @!p0 s1, $0xE  }
0xb0: {  	s6 =	sor.u32 @!p0 $0x4000, s6;
	s5 =	simm.s32 @!p0 $0x1B8D  }
0xb1: {  	s4 =	sshll.u32 @!p0 s4, $0x11;
	s6 =	sadd.s32 @!p0 $0x11B8D, s6;
	_ =	swait.eq @!p0 [sflag:s5], $0x1  }
0xb2: {  	s4 =	sor.u32 @!p0 s4, s6;
	[sflag:s5] =	ssyncadd.s32 @!p0 $0xFFFFFFFF  }
0xb3: {  	s25 =	simm.s32 $0x1B8E;
	s24 =	sld [smem:$0x3FFE];
	[sflag:s4] =	ssyncadd.remote.s32 @!p0 $0x1  }
0xb4: {  	s26 =	simm.s32 $execute0_lowered;
	[smem:$0x3FD2] =	sst s25  }
0xb5: {  	s5 =	sshll.u32 s26, $0x1;
	_ =	strace $0x80000052;
	[dreg:$0x1] =	wrdreg $0xFFFFFFFF  }
0xb6: {  	s28 =	simm.s32 $_size_execute0_lowered;
	s3 =	sadd.s32 s3, s5;
	[dreg:$0x0] =	wrdreg $0x0  }
0xb7: {  	s5 =	sshll.u32 s28, $0x1;
	[dreg:$0x2] =	wrdreg s3  }
0xb8: {  	[dreg:$0x3] =	wrdreg s5  }
0xb9: {  	[dreg:$0x4] =	wrdreg $0xC0  }
0xba: {  	_ =	task [dreg:s22], $0x5FFFF  }
0xbb: {  	[dreg:$0x1] =	wrdreg $0xFFFFFFFF  }
0xbc: {  	[dreg:$0x0] =	wrdreg $0x60  }
0xbd: {  	[dreg:$0x2] =	wrdreg s24  }
0xbe: {  	[dreg:$0x3] =	wrdreg $0x9  }
0xbf: {  	_ =	task.clear_ibuf [dreg:s22], $0x4FFFF;
	_ =	strace $0x90000052  }
0xc0: {  	s29 =	simm.s32 $0x9;
	_ =	strace $0x80000054  }
0xc1: {  	_ =	swait.ge [sflag:s29], $0x1  }
0xc2: {  	[sflag:s29] =	ssyncadd.s32 $0xFFFFFFFF  }
0xc3: {  	_ =	strace $0x90000054  }
0xc4: {  	_ =	sfence  }
0xc5: {  	s30 =	sld [smem:$0x0];
	_ =	sdelay $0x2  }
0xc6: {  	s31 =	sshll.u32 s1, $0xD;
	s1 =	sshrl.u32 s1, $0x2  }
0xc7: {  	s4 =	sand.u32 $0x4000, s31;
	s1 =	sadd.s32 s1, s30  }
0xc8: {  	s0 =	sor.u32 s4, s0;
	s1 =	sshll.u32 s1, $0x11  }
0xc9: {  	s0 =	sor.u32 s1, s0  }
0xca: {  	s0 =	sadd.s32 $0x8F2B, s0  }
0xcb: {  	[sflag:s0] =	ssyncadd.remote.s32 $0x1  }
0xcc: {  	_ =	sfence.sel $0xFFFF  }
0xcd: {  	[dreg:$0x0] =	wrdreg $0xFFFFFFFF;
	(pc) =	sbr.abs _section_cstart, $3  }
0xce: {  	[dreg:$0x1] =	wrdreg $0xFFFFFFFF  }
0xcf: {  	_ =	task.clear_ibuf [dreg:s22], $0x2FFFF;
	_ =	strace $0x9FFFFFFF  }
0xd0: {  	(tm) =	ssettm $0x7FFFFFFF  }
0xd1: {  	_ =	shalt  }
tec
execute0_lowered:
.L_overlay_start_1:
0x0: {  	(tag) =	ssettag $0x1  }
0x1: {  	s4 =	rddreg [dreg:$0x0]  }
0x2: {  	s0 =	rddreg [dreg:$0x1]  }
0x3: {  	s3 =	srdreg.scid;
	s1 =	stileid.u32;
	s2 =	simm.s32 $0x0  }
0x4: {  	s10 =	simm.s32 $0x1;
	s11 =	simm.s32 $0x0;
	s6 =	smul.u32 $0x2710, s1  }
0x5: {  	s5 =	sand.u32 $0x1, s3;
	[smem:$0x7FF] =	sst s2;
	s8 =	smul.u32 $0x27100, s1  }
0x6: {  	s3 =	sadd.s32 $0x51C400, s4;
	s7 =	smul.u32 $0x1388, s5;
	s9 =	ssub.s32 $0x2, s5  }
0x7: {  	_ =	strace $0x80000053;
	s5 =	smul.u32 $0x13880, s5;
	s31 =	sshrl.u32 s9, $0x1  }
0x8: {  	s30 =	sadd.s32 s8, s4;
	s6 =	sadd.s32 s7, s6;
	s8 =	ssub.s32 s9, s31  }
0x9: {  	s5 =	sadd.s32 s5, s30;
	s7 =	simm.s32 $0x2;
	s6 =	sshrl.u32 s6, $0x3  }
0xa: {  	s9 =	simm.s32 $0x100;
	s5 =	sadd.s32 $0xE000, s5;
	s6 =	sadd.s32 s6, s4  }
0xb: {  	s4 =	smax.u32 s8, $0x1;
	s8 =	simm.s32 $0xC8;
	s6 =	sadd.s32 $0x9000, s6  }
.LBB2_1:
0xc: {  	s12 =	sadd.s32 $0x0, s6  }
0xd: {  	[tilespmem:s2], [sflag:$0x2] =	stream.linear.gather [hbm4b:s12+s2], $0xC8, $0x38;
	[tilespmem:$0x6500] =	vst v63  }
0xe: {  	_ =	swait.ge [sflag:s7], $0xC8  }
0xf: {  	[sflag:s7] =	ssyncset.done $0x0  }
0x10: {  	[sflag:s7] =	ssyncadd.s32 $0xFFFFFF38  }
0x11: {  	[tilespmem:s9], [sflag:$0x1] =	stream.indirect.gather [hbm4b:s3+s8], $0x80, s2, s8, $0xb8;
	[tilespmem:$0x6500] =	vst v63  }
0x12: {  	_ =	swait.ge [sflag:s10], $0x6400  }
0x13: {  	[sflag:s10] =	ssyncset.done $0x0  }
0x14: {  	[sflag:s10] =	ssyncadd.s32 $0xFFFF9C00  }
0x15: {  	[hbm4b:s5+s2] =	stream.linear.scatter [tilespmem:s9], [sflag:$0x2], $0x6400, $0x38;
	[tilespmem:$0x6500] =	vst v63  }
0x16: {  	s13 =	simm.s32 $0x19;
	_ =	swait.ge [sflag:s7], $0x6400  }
0x17: {  	s14 =	simm.s32 $0x32;
	s12 =	sadd.s32 $0xC80, s5;
	[sflag:s7] =	ssyncset.done $0x0  }
.LBB2_2:
0x18: {  	s15 =	sadd.s32 s13, s6  }
0x19: {  	[sflag:s7] =	ssyncadd.s32 $0xFFFF9C00;
	s13 =	smov.u32 s14;
	s16 =	sadd.s32 $0x19, s14  }
0x1a: {  	[tilespmem:s2], [sflag:$0x2] =	stream.linear.gather [hbm4b:s15+s2], $0xC8, $0x38;
	[tilespmem:$0x6500] =	vst v63  }
0x1b: {  	p0 =	sne.s32 s14, $0x258;
	_ =	swait.ge [sflag:s7], $0xC8  }
0x1c: {  	[sflag:s7] =	ssyncset.done $0x0  }
0x1d: {  	[sflag:s7] =	ssyncadd.s32 $0xFFFFFF38  }
0x1e: {  	[tilespmem:s9], [sflag:$0x1] =	stream.indirect.gather [hbm4b:s3+s8], $0x80, s2, s8, $0xb8;
	[tilespmem:$0x6500] =	vst v63  }
0x1f: {  	_ =	swait.ge [sflag:s10], $0x6400  }
.Ltmp0:
0x20: {  	[sflag:s10] =	ssyncset.done $0x0;
	(pc) =	sbr.rel @p0 .LBB2_2-.Ltmp0, $4  }
0x21: {  	[sflag:s10] =	ssyncadd.s32 $0xFFFF9C00  }
0x22: {  	[hbm4b:s12+s2] =	stream.linear.scatter [tilespmem:s9], [sflag:$0x2], $0x6400, $0x38;
	[tilespmem:$0x6500] =	vst v63  }
0x23: {  	_ =	swait.ge [sflag:s7], $0x6400  }
0x24: {  	s14 =	smov.u32 s16;
	s12 =	sadd.s32 $0xC80, s12;
	[sflag:s7] =	ssyncset.done $0x0  }
0x25: {  	s13 =	sadd.s32 s13, s6;
	[sflag:s7] =	ssyncadd.s32 $0xFFFF9C00  }
0x26: {  	[tilespmem:s2], [sflag:$0x2] =	stream.linear.gather [hbm4b:s13+s2], $0xC8, $0x38;
	[tilespmem:$0x6500] =	vst v63  }
0x27: {  	_ =	swait.ge [sflag:s7], $0xC8  }
0x28: {  	[sflag:s7] =	ssyncset.done $0x0  }
0x29: {  	[sflag:s7] =	ssyncadd.s32 $0xFFFFFF38  }
0x2a: {  	[tilespmem:s9], [sflag:$0x1] =	stream.indirect.gather [hbm4b:s3+s8], $0x80, s2, s8, $0xb8;
	[tilespmem:$0x6500] =	vst v63  }
0x2b: {  	s11 =	sadd.s32 $0x1, s11;
	_ =	swait.ge [sflag:s10], $0x6400  }
0x2c: {  	p0 =	sne.s32 s11, s4;
	[sflag:s10] =	ssyncset.done $0x0  }
.Ltmp1:
0x2d: {  	[sflag:s10] =	ssyncadd.s32 $0xFFFF9C00;
	(pc) =	sbr.rel @p0 .LBB2_1-.Ltmp1, $4  }
0x2e: {  	[hbm4b:s12+s2] =	stream.linear.scatter [tilespmem:s9], [sflag:$0x2], $0x6400, $0x38;
	[tilespmem:$0x6500] =	vst v63  }
0x2f: {  	_ =	swait.ge [sflag:s7], $0x6400  }
0x30: {  	[sflag:s7] =	ssyncset.done $0x0  }
0x31: {  	[sflag:s7] =	ssyncadd.s32 $0xFFFF9C00  }
0x32: {  	_ =	sfence.sel $0x180000  }
0x33: {  	[bflag:$0x0] =	sbarrier.arrive $0xFFFF  }
0x34: {  	p0 =	sne.s32 s1, $0x0;
	_ =	strace $0x90000053  }
0x35: {  	s0 =	sadd.s32 @!p0 $0x100000, s0;
	[bflag:$0x2] =	sbarrier.arrive $0xFFFF  }
0x36: {  	[sflag:s0] =	ssyncadd.tile.s32 @!p0 $0x1;
	_ =	shalt  }
.Lfunc_end2:
_tile_overlayer_lowered:
.L_overlay_start_2:
0x37: {  	(tag) =	ssettag $0x2  }
0x38: {  	s0 =	rddreg [dreg:$0x0];
	s2 =	stileid.u32  }
0x39: {  	s1 =	rddreg [dreg:$0x1];
	p0 =	sne.s32 s2, $0x0  }
0x3a: {  	s3 =	rddreg [dreg:$0x2];
	[bflag:$0x3] =	sbarrier.arrive $0xFFFF;
	s2 =	simm.s32 @!p0 $0x1C02  }
0x3b: {  	[timem:s3], [sflag:s2] =	dma.local @!p0 [hbm:s0], s1  }
0x3c: {  	s0 =	simm.s32 @!p0 $0x2  }
0x3d: {  	_ =	swait.ge @!p0 [sflag:s0], s1  }
0x3e: {  	s1 =	ssub.s32 @!p0 $0x0, s1;
	[sflag:s0] =	ssyncset.done @!p0 $0x0  }
0x3f: {  	[sflag:s0] =	ssyncadd.s32 @!p0 s1  }
0x40: {  	[bflag:$0x3] =	sbarrier.arrive $0xFFFF  }
0x41: {  	_ =	shalt  }

// kernel: kernel.29.cloned.1.call-start
scs
__scs_entry_jumppad:
0x0: {  	(pc) =	sbr.rel $0x88, $3  }
0x1: {  	(tag) =	ssettag $0x0;
	lr =	simm.s32 $0x1  }
0x2: {  	[smem:$0x3F86] =	sst lr;
	_ =	strace $0xD0000000  }
0x3: {  	_ = 	snop  }
0x4: {  	_ = 	snop  }
0x5: {  	_ = 	snop  }
0x6: {  	_ = 	snop  }
0x7: {  	_ = 	snop  }
__scs_overlays_trampoline_lowered:
0x8: {  	[smem:$0x3F95] =	sst s0  }
0x9: {  	[smem:$0x3F96] =	sst s1  }
0xa: {  	[smem:$0x3F97] =	sst s2  }
0xb: {  	[smem:$0x3F98] =	sst s3  }
0xc: {  	[smem:$0x3F99] =	sst s4  }
0xd: {  	[smem:$0x3F9A] =	sst s5  }
0xe: {  	[smem:$0x3F9B] =	sst s6  }
0xf: {  	[smem:$0x3F9C] =	sst s7  }
0x10: {  	[smem:$0x3F9D] =	sst s8  }
0x11: {  	[smem:$0x3F9E] =	sst s9;
	s0 =	simm.s32 @!p0 $0x0  }
0x12: {  	s1 =	sld [smem:$0x3F84];
	s0 =	simm.s32 @p0 $0x1  }
0x13: {  	[smem:$0x3F9F] =	sst s0;
	s0 =	simm.s32 @!p1 $0x0  }
0x14: {  	s2 =	sld [smem:$0x3F83];
	s0 =	simm.s32 @p1 $0x1  }
0x15: {  	[smem:$0x3FA0] =	sst s0;
	s0 =	simm.s32 @!p2 $0x0  }
0x16: {  	s3 =	sld [smem:$0x3FDB];
	s0 =	simm.s32 @p2 $0x1  }
0x17: {  	s4 =	simm.s32 $0x1BF5;
	[smem:$0x3FA2] =	sst s0  }
0x18: {  	s0 =	sld [smem:$0x3F85];
	_ =	swait.ge [sflag:s4], $0x0  }
0x19: {  	s7 =	sld [smem:$0x3F86]  }
0x1a: {  	s8 =	sadd.s32 $0xFFFFE003, lr  }
0x1b: {  	s9 =	sadd.s32 $0xFFFFFEF7, lr;
	s5 =	simm.s32 $0xFFFFFFFF;
	p2 =	slt.u32 s8, $0xFFFFF086  }
0x1c: {  	p1 =	slt.u32 s9, $0xF7A;
	s5 =	simm.s32 @!p2 $0x0  }
0x1d: {  	s5 =	simm.s32 @p1 $0x1;
	p0 =	seq.s32 s7, s2  }
0x1e: {  	s7 =	smul.u32 @!p0 $0xF7A, s2;
	p2 =	seq.s32 @!p0 s5, $0x0  }
0x1f: {  	s9 =	smul.u32 $0xF7A, s1;
	s8 =	simm.s32 @!p0 $0x1BF5;
	p2 =	por !p2, p0  }
0x20: {  	[sflag:s8] =	ssyncset.s32 @!p0 $0xFFFFF086;
	s6 =	sadd.s32 @!p0 s3, s7;
	s7 =	simm.s32 @!p0 $0x108  }
0x21: {  	s3 =	sadd.s32 s3, s9;
	s6 =	sadd.s32 @!p0 $0x88, s6;
	s7 =	simm.s32 @p2 $0x1082  }
0x22: {  	[simem:s7], [sflag:s8] =	dma.local @!p0 [hbm:s6], $0xF7A  }
0x23: {  	s9 =	sor.u32 $0xD0000000, s2;
	s6 =	simm.s32 $0x108;
	_ =	swait.ge @!p0 [sflag:s8], $0x0  }
0x24: {  	s3 =	sadd.s32 $0x88, s3;
	s6 =	simm.s32 @!p1 $0x1082;
	[sflag:s4] =	ssyncset.s32 $0xFFFFF086  }
0x25: {  	[simem:s6], [sflag:s4] =	dma.local [hbm:s3], $0xF7A  }
0x26: {  	[smem:$0x3F86] =	sst s1;
	(tag) =	ssettag s2;
	_ =	strace s9  }
0x27: {  	s1 =	sld [smem:$0x3F96]  }
0x28: {  	s2 =	sld [smem:$0x3F97]  }
0x29: {  	s4 =	sld [smem:$0x3F99]  }
0x2a: {  	p0 =	seq.s32 s5, $0x0;
	s5 =	sld [smem:$0x3F9A]  }
0x2b: {  	s6 =	sld [smem:$0x3F9B]  }
0x2c: {  	s7 =	sld [smem:$0x3F9C]  }
0x2d: {  	s3 =	simm.s32 $0x108;
	s8 =	sld [smem:$0x3F9D]  }
0x2e: {  	s3 =	simm.s32 @!p0 $0x1082;
	s9 =	sld [smem:$0x3F9E]  }
0x2f: {  	lr =	sadd.s32 s0, s3;
	s0 =	sld [smem:$0x3F95]  }
0x30: {  	s3 =	sld [smem:$0x3F98]  }
0x31: {  	[smem:$0x3FA1] =	sst s10  }
0x32: {  	s10 =	sld [smem:$0x3F9F];
	_ =	sdelay $0x3  }
0x33: {  	p0 =	seq.s32 s10, $0x1;
	s10 =	sld [smem:$0x3FA1];
	_ =	sdelay $0x3  }
0x34: {  	[smem:$0x3FA1] =	sst s10  }
0x35: {  	s10 =	sld [smem:$0x3FA0];
	_ =	sdelay $0x3  }
0x36: {  	p1 =	seq.s32 s10, $0x1;
	s10 =	sld [smem:$0x3FA1];
	_ =	sdelay $0x3  }
0x37: {  	[smem:$0x3FA1] =	sst s10  }
0x38: {  	s10 =	sld [smem:$0x3FA2]  }
0x39: {  	_ = 	snop;
	(pc) =	sbr.ind lr, $3  }
0x3a: {  	_ = 	snop  }
0x3b: {  	_ = 	snop  }
0x3c: {  	p2 =	seq.s32 s10, $0x1;
	s10 =	sld [smem:$0x3FA1]  }
0x3d: {  	_ =	shalt  }
0x3e: {  	_ =	shalt  }
0x3f: {  	_ =	shalt  }
0x40: {  	_ =	shalt  }
0x41: {  	_ =	shalt  }
0x42: {  	_ =	shalt  }
0x43: {  	_ =	shalt  }
0x44: {  	_ =	shalt  }
0x45: {  	_ =	shalt  }
0x46: {  	_ =	shalt  }
0x47: {  	_ =	shalt  }
0x48: {  	_ =	shalt  }
0x49: {  	_ =	shalt  }
0x4a: {  	_ =	shalt  }
0x4b: {  	_ =	shalt  }
0x4c: {  	_ =	shalt  }
0x4d: {  	_ =	shalt  }
0x4e: {  	_ =	shalt  }
0x4f: {  	_ =	shalt  }
0x50: {  	_ =	shalt  }
0x51: {  	_ =	shalt  }
0x52: {  	_ =	shalt  }
0x53: {  	_ =	shalt  }
0x54: {  	_ =	shalt  }
0x55: {  	_ =	shalt  }
0x56: {  	_ =	shalt  }
0x57: {  	_ =	shalt  }
0x58: {  	_ =	shalt  }
0x59: {  	_ =	shalt  }
0x5a: {  	_ =	shalt  }
0x5b: {  	_ =	shalt  }
0x5c: {  	_ =	shalt  }
0x5d: {  	_ =	shalt  }
0x5e: {  	_ =	shalt  }
0x5f: {  	_ =	shalt  }
0x60: {  	_ =	shalt  }
0x61: {  	_ =	shalt  }
0x62: {  	_ =	shalt  }
0x63: {  	_ =	shalt  }
0x64: {  	_ =	shalt  }
0x65: {  	_ =	shalt  }
0x66: {  	_ =	shalt  }
0x67: {  	_ =	shalt  }
0x68: {  	_ =	shalt  }
0x69: {  	_ =	shalt  }
0x6a: {  	_ =	shalt  }
0x6b: {  	_ =	shalt  }
0x6c: {  	_ =	shalt  }
0x6d: {  	_ =	shalt  }
0x6e: {  	_ =	shalt  }
0x6f: {  	_ =	shalt  }
0x70: {  	_ =	shalt  }
0x71: {  	_ =	shalt  }
0x72: {  	_ =	shalt  }
0x73: {  	_ =	shalt  }
0x74: {  	_ =	shalt  }
0x75: {  	_ =	shalt  }
0x76: {  	_ =	shalt  }
0x77: {  	_ =	shalt  }
0x78: {  	_ =	shalt  }
0x79: {  	_ =	shalt  }
0x7a: {  	_ =	shalt  }
0x7b: {  	_ =	shalt  }
0x7c: {  	_ =	shalt  }
0x7d: {  	_ =	shalt  }
0x7e: {  	_ =	shalt  }
0x7f: {  	_ =	shalt  }
0x80: {  	_ =	shalt  }
0x81: {  	_ =	shalt  }
0x82: {  	_ =	shalt  }
0x83: {  	_ =	shalt  }
0x84: {  	_ =	shalt  }
0x85: {  	_ =	shalt  }
0x86: {  	_ =	shalt  }
0x87: {  	_ =	shalt  }
.Lfunc_end0:
.L_simem_size_0:
called_computation.3_lowered:
.L_overlay_start_0:
0x88: {  	s2 =	sld [smem:$0x3FD9]  }
0x89: {  	s3 =	sld [smem:$0x3FFE];
	_ =	sdelay $0x1  }
0x8a: {  	s1 =	srdreg.scid  }
0x8b: {  	s0 =	sand.u32 $0x1, s1  }
0x8c: {  	s17 =	sshll.u32 s0, $0xA;
	s2 =	sadd.s32 s3, s2  }
0x8d: {  	s2 =	sadd.s32 s2, s17  }
0x8e: {  	[smem:$0x3FAD] =	sst s2  }
0x8f: {  	_ = 	snop  }
0x90: {  	(tm) =	ssettm $0x1  }
0x91: {  	s18 =	sld [smem:$0x3FFB];
	_ =	sdelay $0x3  }
0x92: {  	_ =	strace s18  }
0x93: {  	s2 =	sld [smem:$0x3FFC];
	_ =	sdelay $0x3  }
0x94: {  	_ =	strace s2  }
0x95: {  	s2 =	sld [smem:$0x3FFD];
	_ =	sdelay $0x3  }
0x96: {  	_ =	strace s2  }
0x97: {  	_ =	strace $0x8FFFFFFF  }
0x98: {  	s19 =	sld [smem:$0x3FDB];
	_ =	sdelay $0x1  }
0x99: {  	s20 =	simm.s32 $_scs_section_size  }
0x9a: {  	s4 =	simm.s32 $_size__tile_overlayer_lowered;
	s5 =	simm.s32 $_tile_overlayer_lowered  }
0x9b: {  	s6 =	simm.s32 $0x1BFF;
	s21 =	sshll.u32 s5, $0x1;
	s3 =	sadd.s32 s20, s19  }
0x9c: {  	s22 =	simm.s32 $0x0;
	s4 =	sshll.u32 s4, $0x1;
	s5 =	sadd.s32 s21, s3  }
0x9d: {  	[timem:s22], [sflag:s6] =	dma.local [hbm:s5], s4  }
0x9e: {  	_ =	swait.ge [sflag:s6], s4  }
0x9f: {  	s4 =	ssub.s32 $0x0, s4;
	[sflag:s6] =	ssyncset.done $0x0  }
0xa0: {  	[sflag:s6] =	ssyncadd.s32 s4;
	_ =	sdelay $0x1  }
0xa1: {  	s23 =	simm.s32 $0x1B8B  }
0xa2: {  	_ =	swait.ge [sflag:s23], $0x1  }
0xa3: {  	[sflag:s23] =	ssyncset.done $0x0  }
0xa4: {  	[sflag:s23] =	ssyncadd.s32 $0xFFFFFFFF  }
0xa5: {  	s4 =	sld [smem:$0x0]  }
0xa6: {  	s5 =	sand.u32 $0xFFFFFFFE, s1  }
0xa7: {  	p0 =	sne.s32 s1, s5  }
0xa8: {  	s5 =	sshll.u32 @p0 s5, $0xE  }
0xa9: {  	s5 =	sadd.s32 @p0 $0x11B8D, s5;
	s6 =	sshll.u32 @p0 s4, $0x11  }
0xaa: {  	s5 =	sor.u32 @p0 s6, s5  }
0xab: {  	[sflag:s5] =	ssyncadd.remote.s32 @p0 $0x1;
	_ =	sdelay $0x1  }
0xac: {  	s5 =	simm.s32 @p0 $0x1B8D  }
0xad: {  	_ =	swait.eq @p0 [sflag:s5], $0x1  }
0xae: {  	[sflag:s5] =	ssyncadd.s32 @p0 $0xFFFFFFFF  }
0xaf: {  	s6 =	sshll.u32 @!p0 s1, $0xE  }
0xb0: {  	s6 =	sor.u32 @!p0 $0x4000, s6;
	s5 =	simm.s32 @!p0 $0x1B8D  }
0xb1: {  	s4 =	sshll.u32 @!p0 s4, $0x11;
	s6 =	sadd.s32 @!p0 $0x11B8D, s6;
	_ =	swait.eq @!p0 [sflag:s5], $0x1  }
0xb2: {  	s4 =	sor.u32 @!p0 s4, s6;
	[sflag:s5] =	ssyncadd.s32 @!p0 $0xFFFFFFFF  }
0xb3: {  	s25 =	simm.s32 $0x1B8E;
	s24 =	sld [smem:$0x3FFE];
	[sflag:s4] =	ssyncadd.remote.s32 @!p0 $0x1  }
0xb4: {  	s26 =	simm.s32 $execute0_lowered;
	[smem:$0x3FD2] =	sst s25  }
0xb5: {  	s5 =	sshll.u32 s26, $0x1;
	_ =	strace $0x80000058;
	[dreg:$0x1] =	wrdreg $0xFFFFFFFF  }
0xb6: {  	s28 =	simm.s32 $_size_execute0_lowered;
	s3 =	sadd.s32 s3, s5;
	[dreg:$0x0] =	wrdreg $0x0  }
0xb7: {  	s5 =	sshll.u32 s28, $0x1;
	[dreg:$0x2] =	wrdreg s3  }
0xb8: {  	[dreg:$0x3] =	wrdreg s5  }
0xb9: {  	[dreg:$0x4] =	wrdreg $0xC0  }
0xba: {  	_ =	task [dreg:s22], $0x5FFFF  }
0xbb: {  	[dreg:$0x1] =	wrdreg $0xFFFFFFFF  }
0xbc: {  	[dreg:$0x0] =	wrdreg $0x60  }
0xbd: {  	[dreg:$0x2] =	wrdreg s24  }
0xbe: {  	[dreg:$0x3] =	wrdreg $0x9  }
0xbf: {  	_ =	task.clear_ibuf [dreg:s22], $0x4FFFF;
	_ =	strace $0x90000058  }
0xc0: {  	s29 =	simm.s32 $0x9;
	_ =	strace $0x8000005A  }
0xc1: {  	_ =	swait.ge [sflag:s29], $0x1  }
0xc2: {  	[sflag:s29] =	ssyncadd.s32 $0xFFFFFFFF  }
0xc3: {  	_ =	strace $0x9000005A  }
0xc4: {  	_ =	sfence  }
0xc5: {  	s30 =	sld [smem:$0x0];
	_ =	sdelay $0x2  }
0xc6: {  	s31 =	sshll.u32 s1, $0xD;
	s1 =	sshrl.u32 s1, $0x2  }
0xc7: {  	s4 =	sand.u32 $0x4000, s31;
	s1 =	sadd.s32 s1, s30  }
0xc8: {  	s0 =	sor.u32 s4, s0;
	s1 =	sshll.u32 s1, $0x11  }
0xc9: {  	s0 =	sor.u32 s1, s0  }
0xca: {  	s0 =	sadd.s32 $0x8F2B, s0  }
0xcb: {  	[sflag:s0] =	ssyncadd.remote.s32 $0x1  }
0xcc: {  	_ =	sfence.sel $0xFFFF  }
0xcd: {  	[dreg:$0x0] =	wrdreg $0xFFFFFFFF;
	(pc) =	sbr.abs _section_cstart, $3  }
0xce: {  	[dreg:$0x1] =	wrdreg $0xFFFFFFFF  }
0xcf: {  	_ =	task.clear_ibuf [dreg:s22], $0x2FFFF;
	_ =	strace $0x9FFFFFFF  }
0xd0: {  	(tm) =	ssettm $0x7FFFFFFF  }
0xd1: {  	_ =	shalt  }
tec
execute0_lowered:
.L_overlay_start_1:
0x0: {  	(tag) =	ssettag $0x1  }
0x1: {  	s4 =	rddreg [dreg:$0x0]  }
0x2: {  	s0 =	rddreg [dreg:$0x1]  }
0x3: {  	s3 =	srdreg.scid;
	s1 =	stileid.u32;
	s2 =	simm.s32 $0x0  }
0x4: {  	s10 =	simm.s32 $0x1;
	s11 =	simm.s32 $0x0;
	s6 =	smul.u32 $0x2710, s1  }
0x5: {  	s5 =	sand.u32 $0x1, s3;
	[smem:$0x7FF] =	sst s2;
	s8 =	smul.u32 $0x27100, s1  }
0x6: {  	s3 =	sadd.s32 $0x51C400, s4;
	s7 =	smul.u32 $0x1388, s5;
	s9 =	ssub.s32 $0x2, s5  }
0x7: {  	_ =	strace $0x80000059;
	s5 =	smul.u32 $0x13880, s5;
	s31 =	sshrl.u32 s9, $0x1  }
0x8: {  	s30 =	sadd.s32 s8, s4;
	s6 =	sadd.s32 s7, s6;
	s8 =	ssub.s32 s9, s31  }
0x9: {  	s5 =	sadd.s32 s5, s30;
	s7 =	simm.s32 $0x2;
	s6 =	sshrl.u32 s6, $0x3  }
0xa: {  	s9 =	simm.s32 $0x100;
	s5 =	sadd.s32 $0x543800, s5;
	s6 =	sadd.s32 s6, s4  }
0xb: {  	s4 =	smax.u32 s8, $0x1;
	s8 =	simm.s32 $0xC8;
	s6 =	sadd.s32 $0x9000, s6  }
.LBB2_1:
0xc: {  	s12 =	sadd.s32 $0x0, s6  }
0xd: {  	[tilespmem:s2], [sflag:$0x2] =	stream.linear.gather [hbm4b:s12+s2], $0xC8, $0x38;
	[tilespmem:$0x6500] =	vst v63  }
0xe: {  	_ =	swait.ge [sflag:s7], $0xC8  }
0xf: {  	[sflag:s7] =	ssyncset.done $0x0  }
0x10: {  	[sflag:s7] =	ssyncadd.s32 $0xFFFFFF38  }
0x11: {  	[tilespmem:s9], [sflag:$0x1] =	stream.indirect.gather [hbm4b:s3+s8], $0x80, s2, s8, $0xb8;
	[tilespmem:$0x6500] =	vst v63  }
0x12: {  	_ =	swait.ge [sflag:s10], $0x6400  }
0x13: {  	[sflag:s10] =	ssyncset.done $0x0  }
0x14: {  	[sflag:s10] =	ssyncadd.s32 $0xFFFF9C00  }
0x15: {  	[hbm4b:s5+s2] =	stream.linear.scatter [tilespmem:s9], [sflag:$0x2], $0x6400, $0x38;
	[tilespmem:$0x6500] =	vst v63  }
0x16: {  	s13 =	simm.s32 $0x19;
	_ =	swait.ge [sflag:s7], $0x6400  }
0x17: {  	s14 =	simm.s32 $0x32;
	s12 =	sadd.s32 $0xC80, s5;
	[sflag:s7] =	ssyncset.done $0x0  }
.LBB2_2:
0x18: {  	s15 =	sadd.s32 s13, s6  }
0x19: {  	[sflag:s7] =	ssyncadd.s32 $0xFFFF9C00;
	s13 =	smov.u32 s14;
	s16 =	sadd.s32 $0x19, s14  }
0x1a: {  	[tilespmem:s2], [sflag:$0x2] =	stream.linear.gather [hbm4b:s15+s2], $0xC8, $0x38;
	[tilespmem:$0x6500] =	vst v63  }
0x1b: {  	p0 =	sne.s32 s14, $0x258;
	_ =	swait.ge [sflag:s7], $0xC8  }
0x1c: {  	[sflag:s7] =	ssyncset.done $0x0  }
0x1d: {  	[sflag:s7] =	ssyncadd.s32 $0xFFFFFF38  }
0x1e: {  	[tilespmem:s9], [sflag:$0x1] =	stream.indirect.gather [hbm4b:s3+s8], $0x80, s2, s8, $0xb8;
	[tilespmem:$0x6500] =	vst v63  }
0x1f: {  	_ =	swait.ge [sflag:s10], $0x6400  }
.Ltmp0:
0x20: {  	[sflag:s10] =	ssyncset.done $0x0;
	(pc) =	sbr.rel @p0 .LBB2_2-.Ltmp0, $4  }
0x21: {  	[sflag:s10] =	ssyncadd.s32 $0xFFFF9C00  }
0x22: {  	[hbm4b:s12+s2] =	stream.linear.scatter [tilespmem:s9], [sflag:$0x2], $0x6400, $0x38;
	[tilespmem:$0x6500] =	vst v63  }
0x23: {  	_ =	swait.ge [sflag:s7], $0x6400  }
0x24: {  	s14 =	smov.u32 s16;
	s12 =	sadd.s32 $0xC80, s12;
	[sflag:s7] =	ssyncset.done $0x0  }
0x25: {  	s13 =	sadd.s32 s13, s6;
	[sflag:s7] =	ssyncadd.s32 $0xFFFF9C00  }
0x26: {  	[tilespmem:s2], [sflag:$0x2] =	stream.linear.gather [hbm4b:s13+s2], $0xC8, $0x38;
	[tilespmem:$0x6500] =	vst v63  }
0x27: {  	_ =	swait.ge [sflag:s7], $0xC8  }
0x28: {  	[sflag:s7] =	ssyncset.done $0x0  }
0x29: {  	[sflag:s7] =	ssyncadd.s32 $0xFFFFFF38  }
0x2a: {  	[tilespmem:s9], [sflag:$0x1] =	stream.indirect.gather [hbm4b:s3+s8], $0x80, s2, s8, $0xb8;
	[tilespmem:$0x6500] =	vst v63  }
0x2b: {  	s11 =	sadd.s32 $0x1, s11;
	_ =	swait.ge [sflag:s10], $0x6400  }
0x2c: {  	p0 =	sne.s32 s11, s4;
	[sflag:s10] =	ssyncset.done $0x0  }
.Ltmp1:
0x2d: {  	[sflag:s10] =	ssyncadd.s32 $0xFFFF9C00;
	(pc) =	sbr.rel @p0 .LBB2_1-.Ltmp1, $4  }
0x2e: {  	[hbm4b:s12+s2] =	stream.linear.scatter [tilespmem:s9], [sflag:$0x2], $0x6400, $0x38;
	[tilespmem:$0x6500] =	vst v63  }
0x2f: {  	_ =	swait.ge [sflag:s7], $0x6400  }
0x30: {  	[sflag:s7] =	ssyncset.done $0x0  }
0x31: {  	[sflag:s7] =	ssyncadd.s32 $0xFFFF9C00  }
0x32: {  	_ =	sfence.sel $0x180000  }
0x33: {  	[bflag:$0x0] =	sbarrier.arrive $0xFFFF  }
0x34: {  	p0 =	sne.s32 s1, $0x0;
	_ =	strace $0x90000059  }
0x35: {  	s0 =	sadd.s32 @!p0 $0x100000, s0;
	[bflag:$0x2] =	sbarrier.arrive $0xFFFF  }
0x36: {  	[sflag:s0] =	ssyncadd.tile.s32 @!p0 $0x1;
	_ =	shalt  }
.Lfunc_end2:
_tile_overlayer_lowered:
.L_overlay_start_2:
0x37: {  	(tag) =	ssettag $0x2  }
0x38: {  	s0 =	rddreg [dreg:$0x0];
	s2 =	stileid.u32  }
0x39: {  	s1 =	rddreg [dreg:$0x1];
	p0 =	sne.s32 s2, $0x0  }
0x3a: {  	s3 =	rddreg [dreg:$0x2];
	[bflag:$0x3] =	sbarrier.arrive $0xFFFF;
	s2 =	simm.s32 @!p0 $0x1C02  }
0x3b: {  	[timem:s3], [sflag:s2] =	dma.local @!p0 [hbm:s0], s1  }
0x3c: {  	s0 =	simm.s32 @!p0 $0x2  }
0x3d: {  	_ =	swait.ge @!p0 [sflag:s0], s1  }
0x3e: {  	s1 =	ssub.s32 @!p0 $0x0, s1;
	[sflag:s0] =	ssyncset.done @!p0 $0x0  }
0x3f: {  	[sflag:s0] =	ssyncadd.s32 @!p0 s1  }
0x40: {  	[bflag:$0x3] =	sbarrier.arrive $0xFFFF  }
0x41: {  	_ =	shalt  }

// kernel: kernel.32.cloned.1.call-start
scs
__scs_entry_jumppad:
0x0: {  	(pc) =	sbr.rel $0x88, $3  }
0x1: {  	(tag) =	ssettag $0x0;
	lr =	simm.s32 $0x1  }
0x2: {  	[smem:$0x3F86] =	sst lr;
	_ =	strace $0xD0000000  }
0x3: {  	_ = 	snop  }
0x4: {  	_ = 	snop  }
0x5: {  	_ = 	snop  }
0x6: {  	_ = 	snop  }
0x7: {  	_ = 	snop  }
__scs_overlays_trampoline_lowered:
0x8: {  	[smem:$0x3F95] =	sst s0  }
0x9: {  	[smem:$0x3F96] =	sst s1  }
0xa: {  	[smem:$0x3F97] =	sst s2  }
0xb: {  	[smem:$0x3F98] =	sst s3  }
0xc: {  	[smem:$0x3F99] =	sst s4  }
0xd: {  	[smem:$0x3F9A] =	sst s5  }
0xe: {  	[smem:$0x3F9B] =	sst s6  }
0xf: {  	[smem:$0x3F9C] =	sst s7  }
0x10: {  	[smem:$0x3F9D] =	sst s8  }
0x11: {  	[smem:$0x3F9E] =	sst s9;
	s0 =	simm.s32 @!p0 $0x0  }
0x12: {  	s1 =	sld [smem:$0x3F84];
	s0 =	simm.s32 @p0 $0x1  }
0x13: {  	[smem:$0x3F9F] =	sst s0;
	s0 =	simm.s32 @!p1 $0x0  }
0x14: {  	s2 =	sld [smem:$0x3F83];
	s0 =	simm.s32 @p1 $0x1  }
0x15: {  	[smem:$0x3FA0] =	sst s0;
	s0 =	simm.s32 @!p2 $0x0  }
0x16: {  	s3 =	sld [smem:$0x3FDB];
	s0 =	simm.s32 @p2 $0x1  }
0x17: {  	s4 =	simm.s32 $0x1BF5;
	[smem:$0x3FA2] =	sst s0  }
0x18: {  	s0 =	sld [smem:$0x3F85];
	_ =	swait.ge [sflag:s4], $0x0  }
0x19: {  	s7 =	sld [smem:$0x3F86]  }
0x1a: {  	s8 =	sadd.s32 $0xFFFFE003, lr  }
0x1b: {  	s9 =	sadd.s32 $0xFFFFFEF7, lr;
	s5 =	simm.s32 $0xFFFFFFFF;
	p2 =	slt.u32 s8, $0xFFFFF086  }
0x1c: {  	p1 =	slt.u32 s9, $0xF7A;
	s5 =	simm.s32 @!p2 $0x0  }
0x1d: {  	s5 =	simm.s32 @p1 $0x1;
	p0 =	seq.s32 s7, s2  }
0x1e: {  	s7 =	smul.u32 @!p0 $0xF7A, s2;
	p2 =	seq.s32 @!p0 s5, $0x0  }
0x1f: {  	s9 =	smul.u32 $0xF7A, s1;
	s8 =	simm.s32 @!p0 $0x1BF5;
	p2 =	por !p2, p0  }
0x20: {  	[sflag:s8] =	ssyncset.s32 @!p0 $0xFFFFF086;
	s6 =	sadd.s32 @!p0 s3, s7;
	s7 =	simm.s32 @!p0 $0x108  }
0x21: {  	s3 =	sadd.s32 s3, s9;
	s6 =	sadd.s32 @!p0 $0x88, s6;
	s7 =	simm.s32 @p2 $0x1082  }
0x22: {  	[simem:s7], [sflag:s8] =	dma.local @!p0 [hbm:s6], $0xF7A  }
0x23: {  	s9 =	sor.u32 $0xD0000000, s2;
	s6 =	simm.s32 $0x108;
	_ =	swait.ge @!p0 [sflag:s8], $0x0  }
0x24: {  	s3 =	sadd.s32 $0x88, s3;
	s6 =	simm.s32 @!p1 $0x1082;
	[sflag:s4] =	ssyncset.s32 $0xFFFFF086  }
0x25: {  	[simem:s6], [sflag:s4] =	dma.local [hbm:s3], $0xF7A  }
0x26: {  	[smem:$0x3F86] =	sst s1;
	(tag) =	ssettag s2;
	_ =	strace s9  }
0x27: {  	s1 =	sld [smem:$0x3F96]  }
0x28: {  	s2 =	sld [smem:$0x3F97]  }
0x29: {  	s4 =	sld [smem:$0x3F99]  }
0x2a: {  	p0 =	seq.s32 s5, $0x0;
	s5 =	sld [smem:$0x3F9A]  }
0x2b: {  	s6 =	sld [smem:$0x3F9B]  }
0x2c: {  	s7 =	sld [smem:$0x3F9C]  }
0x2d: {  	s3 =	simm.s32 $0x108;
	s8 =	sld [smem:$0x3F9D]  }
0x2e: {  	s3 =	simm.s32 @!p0 $0x1082;
	s9 =	sld [smem:$0x3F9E]  }
0x2f: {  	lr =	sadd.s32 s0, s3;
	s0 =	sld [smem:$0x3F95]  }
0x30: {  	s3 =	sld [smem:$0x3F98]  }
0x31: {  	[smem:$0x3FA1] =	sst s10  }
0x32: {  	s10 =	sld [smem:$0x3F9F];
	_ =	sdelay $0x3  }
0x33: {  	p0 =	seq.s32 s10, $0x1;
	s10 =	sld [smem:$0x3FA1];
	_ =	sdelay $0x3  }
0x34: {  	[smem:$0x3FA1] =	sst s10  }
0x35: {  	s10 =	sld [smem:$0x3FA0];
	_ =	sdelay $0x3  }
0x36: {  	p1 =	seq.s32 s10, $0x1;
	s10 =	sld [smem:$0x3FA1];
	_ =	sdelay $0x3  }
0x37: {  	[smem:$0x3FA1] =	sst s10  }
0x38: {  	s10 =	sld [smem:$0x3FA2]  }
0x39: {  	_ = 	snop;
	(pc) =	sbr.ind lr, $3  }
0x3a: {  	_ = 	snop  }
0x3b: {  	_ = 	snop  }
0x3c: {  	p2 =	seq.s32 s10, $0x1;
	s10 =	sld [smem:$0x3FA1]  }
0x3d: {  	_ =	shalt  }
0x3e: {  	_ =	shalt  }
0x3f: {  	_ =	shalt  }
0x40: {  	_ =	shalt  }
0x41: {  	_ =	shalt  }
0x42: {  	_ =	shalt  }
0x43: {  	_ =	shalt  }
0x44: {  	_ =	shalt  }
0x45: {  	_ =	shalt  }
0x46: {  	_ =	shalt  }
0x47: {  	_ =	shalt  }
0x48: {  	_ =	shalt  }
0x49: {  	_ =	shalt  }
0x4a: {  	_ =	shalt  }
0x4b: {  	_ =	shalt  }
0x4c: {  	_ =	shalt  }
0x4d: {  	_ =	shalt  }
0x4e: {  	_ =	shalt  }
0x4f: {  	_ =	shalt  }
0x50: {  	_ =	shalt  }
0x51: {  	_ =	shalt  }
0x52: {  	_ =	shalt  }
0x53: {  	_ =	shalt  }
0x54: {  	_ =	shalt  }
0x55: {  	_ =	shalt  }
0x56: {  	_ =	shalt  }
0x57: {  	_ =	shalt  }
0x58: {  	_ =	shalt  }
0x59: {  	_ =	shalt  }
0x5a: {  	_ =	shalt  }
0x5b: {  	_ =	shalt  }
0x5c: {  	_ =	shalt  }
0x5d: {  	_ =	shalt  }
0x5e: {  	_ =	shalt  }
0x5f: {  	_ =	shalt  }
0x60: {  	_ =	shalt  }
0x61: {  	_ =	shalt  }
0x62: {  	_ =	shalt  }
0x63: {  	_ =	shalt  }
0x64: {  	_ =	shalt  }
0x65: {  	_ =	shalt  }
0x66: {  	_ =	shalt  }
0x67: {  	_ =	shalt  }
0x68: {  	_ =	shalt  }
0x69: {  	_ =	shalt  }
0x6a: {  	_ =	shalt  }
0x6b: {  	_ =	shalt  }
0x6c: {  	_ =	shalt  }
0x6d: {  	_ =	shalt  }
0x6e: {  	_ =	shalt  }
0x6f: {  	_ =	shalt  }
0x70: {  	_ =	shalt  }
0x71: {  	_ =	shalt  }
0x72: {  	_ =	shalt  }
0x73: {  	_ =	shalt  }
0x74: {  	_ =	shalt  }
0x75: {  	_ =	shalt  }
0x76: {  	_ =	shalt  }
0x77: {  	_ =	shalt  }
0x78: {  	_ =	shalt  }
0x79: {  	_ =	shalt  }
0x7a: {  	_ =	shalt  }
0x7b: {  	_ =	shalt  }
0x7c: {  	_ =	shalt  }
0x7d: {  	_ =	shalt  }
0x7e: {  	_ =	shalt  }
0x7f: {  	_ =	shalt  }
0x80: {  	_ =	shalt  }
0x81: {  	_ =	shalt  }
0x82: {  	_ =	shalt  }
0x83: {  	_ =	shalt  }
0x84: {  	_ =	shalt  }
0x85: {  	_ =	shalt  }
0x86: {  	_ =	shalt  }
0x87: {  	_ =	shalt  }
.Lfunc_end0:
.L_simem_size_0:
called_computation.4_lowered:
.L_overlay_start_0:
0x88: {  	s2 =	sld [smem:$0x3FD9]  }
0x89: {  	s3 =	sld [smem:$0x3FFE];
	_ =	sdelay $0x1  }
0x8a: {  	s1 =	srdreg.scid  }
0x8b: {  	s0 =	sand.u32 $0x1, s1  }
0x8c: {  	s17 =	sshll.u32 s0, $0xA;
	s2 =	sadd.s32 s3, s2  }
0x8d: {  	s2 =	sadd.s32 s2, s17  }
0x8e: {  	[smem:$0x3FAD] =	sst s2  }
0x8f: {  	_ = 	snop  }
0x90: {  	(tm) =	ssettm $0x1  }
0x91: {  	s18 =	sld [smem:$0x3FFB];
	_ =	sdelay $0x3  }
0x92: {  	_ =	strace s18  }
0x93: {  	s2 =	sld [smem:$0x3FFC];
	_ =	sdelay $0x3  }
0x94: {  	_ =	strace s2  }
0x95: {  	s2 =	sld [smem:$0x3FFD];
	_ =	sdelay $0x3  }
0x96: {  	_ =	strace s2  }
0x97: {  	_ =	strace $0x8FFFFFFF  }
0x98: {  	s19 =	sld [smem:$0x3FDB];
	_ =	sdelay $0x1  }
0x99: {  	s20 =	simm.s32 $_scs_section_size  }
0x9a: {  	s4 =	simm.s32 $_size__tile_overlayer_lowered;
	s5 =	simm.s32 $_tile_overlayer_lowered  }
0x9b: {  	s6 =	simm.s32 $0x1BFF;
	s21 =	sshll.u32 s5, $0x1;
	s3 =	sadd.s32 s20, s19  }
0x9c: {  	s22 =	simm.s32 $0x0;
	s4 =	sshll.u32 s4, $0x1;
	s5 =	sadd.s32 s21, s3  }
0x9d: {  	[timem:s22], [sflag:s6] =	dma.local [hbm:s5], s4  }
0x9e: {  	_ =	swait.ge [sflag:s6], s4  }
0x9f: {  	s4 =	ssub.s32 $0x0, s4;
	[sflag:s6] =	ssyncset.done $0x0  }
0xa0: {  	[sflag:s6] =	ssyncadd.s32 s4;
	_ =	sdelay $0x1  }
0xa1: {  	s23 =	simm.s32 $0x1B8B  }
0xa2: {  	_ =	swait.ge [sflag:s23], $0x1  }
0xa3: {  	[sflag:s23] =	ssyncset.done $0x0  }
0xa4: {  	[sflag:s23] =	ssyncadd.s32 $0xFFFFFFFF  }
0xa5: {  	s4 =	sld [smem:$0x0]  }
0xa6: {  	s5 =	sand.u32 $0xFFFFFFFE, s1  }
0xa7: {  	p0 =	sne.s32 s1, s5  }
0xa8: {  	s5 =	sshll.u32 @p0 s5, $0xE  }
0xa9: {  	s5 =	sadd.s32 @p0 $0x11B8D, s5;
	s6 =	sshll.u32 @p0 s4, $0x11  }
0xaa: {  	s5 =	sor.u32 @p0 s6, s5  }
0xab: {  	[sflag:s5] =	ssyncadd.remote.s32 @p0 $0x1;
	_ =	sdelay $0x1  }
0xac: {  	s5 =	simm.s32 @p0 $0x1B8D  }
0xad: {  	_ =	swait.eq @p0 [sflag:s5], $0x1  }
0xae: {  	[sflag:s5] =	ssyncadd.s32 @p0 $0xFFFFFFFF  }
0xaf: {  	s6 =	sshll.u32 @!p0 s1, $0xE  }
0xb0: {  	s6 =	sor.u32 @!p0 $0x4000, s6;
	s5 =	simm.s32 @!p0 $0x1B8D  }
0xb1: {  	s4 =	sshll.u32 @!p0 s4, $0x11;
	s6 =	sadd.s32 @!p0 $0x11B8D, s6;
	_ =	swait.eq @!p0 [sflag:s5], $0x1  }
0xb2: {  	s4 =	sor.u32 @!p0 s4, s6;
	[sflag:s5] =	ssyncadd.s32 @!p0 $0xFFFFFFFF  }
0xb3: {  	s25 =	simm.s32 $0x1B8E;
	s24 =	sld [smem:$0x3FFE];
	[sflag:s4] =	ssyncadd.remote.s32 @!p0 $0x1  }
0xb4: {  	s26 =	simm.s32 $execute0_lowered;
	[smem:$0x3FD2] =	sst s25  }
0xb5: {  	s5 =	sshll.u32 s26, $0x1;
	_ =	strace $0x80000049;
	[dreg:$0x1] =	wrdreg $0xFFFFFFFF  }
0xb6: {  	s28 =	simm.s32 $_size_execute0_lowered;
	s3 =	sadd.s32 s3, s5;
	[dreg:$0x0] =	wrdreg $0x0  }
0xb7: {  	s5 =	sshll.u32 s28, $0x1;
	[dreg:$0x2] =	wrdreg s3  }
0xb8: {  	[dreg:$0x3] =	wrdreg s5  }
0xb9: {  	[dreg:$0x4] =	wrdreg $0xC0  }
0xba: {  	_ =	task [dreg:s22], $0x5FFFF  }
0xbb: {  	[dreg:$0x1] =	wrdreg $0xFFFFFFFF  }
0xbc: {  	[dreg:$0x0] =	wrdreg $0x60  }
0xbd: {  	[dreg:$0x2] =	wrdreg s24  }
0xbe: {  	[dreg:$0x3] =	wrdreg $0xA  }
0xbf: {  	_ =	task.clear_ibuf [dreg:s22], $0x4FFFF;
	_ =	strace $0x90000049  }
0xc0: {  	s29 =	simm.s32 $0xA;
	_ =	strace $0x8000004B  }
0xc1: {  	_ =	swait.ge [sflag:s29], $0x1  }
0xc2: {  	[sflag:s29] =	ssyncadd.s32 $0xFFFFFFFF  }
0xc3: {  	_ =	strace $0x9000004B  }
0xc4: {  	_ =	sfence  }
0xc5: {  	s30 =	sld [smem:$0x0];
	_ =	sdelay $0x2  }
0xc6: {  	s31 =	sshll.u32 s1, $0xD;
	s1 =	sshrl.u32 s1, $0x2  }
0xc7: {  	s4 =	sand.u32 $0x4000, s31;
	s1 =	sadd.s32 s1, s30  }
0xc8: {  	s0 =	sor.u32 s4, s0;
	s1 =	sshll.u32 s1, $0x11  }
0xc9: {  	s0 =	sor.u32 s1, s0  }
0xca: {  	s0 =	sadd.s32 $0x8F2B, s0  }
0xcb: {  	[sflag:s0] =	ssyncadd.remote.s32 $0x1  }
0xcc: {  	_ =	sfence.sel $0xFFFF  }
0xcd: {  	[dreg:$0x0] =	wrdreg $0xFFFFFFFF;
	(pc) =	sbr.abs _section_cstart, $3  }
0xce: {  	[dreg:$0x1] =	wrdreg $0xFFFFFFFF  }
0xcf: {  	_ =	task.clear_ibuf [dreg:s22], $0x2FFFF;
	_ =	strace $0x9FFFFFFF  }
0xd0: {  	(tm) =	ssettm $0x7FFFFFFF  }
0xd1: {  	_ =	shalt  }
tec
execute0_lowered:
.L_overlay_start_1:
0x0: {  	(tag) =	ssettag $0x1  }
0x1: {  	s4 =	rddreg [dreg:$0x0]  }
0x2: {  	s0 =	rddreg [dreg:$0x1]  }
0x3: {  	s3 =	srdreg.scid;
	s1 =	stileid.u32;
	s2 =	simm.s32 $0x0  }
0x4: {  	s10 =	simm.s32 $0x1;
	s11 =	simm.s32 $0x0;
	s6 =	smul.u32 $0x2710, s1  }
0x5: {  	s5 =	sand.u32 $0x1, s3;
	[smem:$0x7FF] =	sst s2;
	s8 =	smul.u32 $0x27100, s1  }
0x6: {  	s3 =	sadd.s32 $0x292A00, s4;
	s7 =	smul.u32 $0x1388, s5;
	s9 =	ssub.s32 $0x2, s5  }
0x7: {  	_ =	strace $0x8000004A;
	s5 =	smul.u32 $0x13880, s5;
	s31 =	sshrl.u32 s9, $0x1  }
0x8: {  	s30 =	sadd.s32 s8, s4;
	s6 =	sadd.s32 s7, s6;
	s8 =	ssub.s32 s9, s31  }
0x9: {  	s5 =	sadd.s32 s5, s30;
	s7 =	simm.s32 $0x2;
	s6 =	sshrl.u32 s6, $0x3  }
0xa: {  	s9 =	simm.s32 $0x100;
	s5 =	sadd.s32 $0x2AB400, s5;
	s6 =	sadd.s32 s6, s4  }
0xb: {  	s4 =	smax.u32 s8, $0x1;
	s8 =	simm.s32 $0xC8;
	s6 =	sadd.s32 $0x2A6400, s6  }
.LBB2_1:
0xc: {  	s12 =	sadd.s32 $0x0, s6  }
0xd: {  	[tilespmem:s2], [sflag:$0x2] =	stream.linear.gather [hbm4b:s12+s2], $0xC8, $0x38;
	[tilespmem:$0x6500] =	vst v63  }
0xe: {  	_ =	swait.ge [sflag:s7], $0xC8  }
0xf: {  	[sflag:s7] =	ssyncset.done $0x0  }
0x10: {  	[sflag:s7] =	ssyncadd.s32 $0xFFFFFF38  }
0x11: {  	[tilespmem:s9], [sflag:$0x1] =	stream.indirect.gather [hbm4b:s3+s8], $0x80, s2, s8, $0xb8;
	[tilespmem:$0x6500] =	vst v63  }
0x12: {  	_ =	swait.ge [sflag:s10], $0x6400  }
0x13: {  	[sflag:s10] =	ssyncset.done $0x0  }
0x14: {  	[sflag:s10] =	ssyncadd.s32 $0xFFFF9C00  }
0x15: {  	[hbm4b:s5+s2] =	stream.linear.scatter [tilespmem:s9], [sflag:$0x2], $0x6400, $0x38;
	[tilespmem:$0x6500] =	vst v63  }
0x16: {  	s13 =	simm.s32 $0x19;
	_ =	swait.ge [sflag:s7], $0x6400  }
0x17: {  	s14 =	simm.s32 $0x32;
	s12 =	sadd.s32 $0xC80, s5;
	[sflag:s7] =	ssyncset.done $0x0  }
.LBB2_2:
0x18: {  	s15 =	sadd.s32 s13, s6  }
0x19: {  	[sflag:s7] =	ssyncadd.s32 $0xFFFF9C00;
	s13 =	smov.u32 s14;
	s16 =	sadd.s32 $0x19, s14  }
0x1a: {  	[tilespmem:s2], [sflag:$0x2] =	stream.linear.gather [hbm4b:s15+s2], $0xC8, $0x38;
	[tilespmem:$0x6500] =	vst v63  }
0x1b: {  	p0 =	sne.s32 s14, $0x258;
	_ =	swait.ge [sflag:s7], $0xC8  }
0x1c: {  	[sflag:s7] =	ssyncset.done $0x0  }
0x1d: {  	[sflag:s7] =	ssyncadd.s32 $0xFFFFFF38  }
0x1e: {  	[tilespmem:s9], [sflag:$0x1] =	stream.indirect.gather [hbm4b:s3+s8], $0x80, s2, s8, $0xb8;
	[tilespmem:$0x6500] =	vst v63  }
0x1f: {  	_ =	swait.ge [sflag:s10], $0x6400  }
.Ltmp0:
0x20: {  	[sflag:s10] =	ssyncset.done $0x0;
	(pc) =	sbr.rel @p0 .LBB2_2-.Ltmp0, $4  }
0x21: {  	[sflag:s10] =	ssyncadd.s32 $0xFFFF9C00  }
0x22: {  	[hbm4b:s12+s2] =	stream.linear.scatter [tilespmem:s9], [sflag:$0x2], $0x6400, $0x38;
	[tilespmem:$0x6500] =	vst v63  }
0x23: {  	_ =	swait.ge [sflag:s7], $0x6400  }
0x24: {  	s14 =	smov.u32 s16;
	s12 =	sadd.s32 $0xC80, s12;
	[sflag:s7] =	ssyncset.done $0x0  }
0x25: {  	s13 =	sadd.s32 s13, s6;
	[sflag:s7] =	ssyncadd.s32 $0xFFFF9C00  }
0x26: {  	[tilespmem:s2], [sflag:$0x2] =	stream.linear.gather [hbm4b:s13+s2], $0xC8, $0x38;
	[tilespmem:$0x6500] =	vst v63  }
0x27: {  	_ =	swait.ge [sflag:s7], $0xC8  }
0x28: {  	[sflag:s7] =	ssyncset.done $0x0  }
0x29: {  	[sflag:s7] =	ssyncadd.s32 $0xFFFFFF38  }
0x2a: {  	[tilespmem:s9], [sflag:$0x1] =	stream.indirect.gather [hbm4b:s3+s8], $0x80, s2, s8, $0xb8;
	[tilespmem:$0x6500] =	vst v63  }
0x2b: {  	s11 =	sadd.s32 $0x1, s11;
	_ =	swait.ge [sflag:s10], $0x6400  }
0x2c: {  	p0 =	sne.s32 s11, s4;
	[sflag:s10] =	ssyncset.done $0x0  }
.Ltmp1:
0x2d: {  	[sflag:s10] =	ssyncadd.s32 $0xFFFF9C00;
	(pc) =	sbr.rel @p0 .LBB2_1-.Ltmp1, $4  }
0x2e: {  	[hbm4b:s12+s2] =	stream.linear.scatter [tilespmem:s9], [sflag:$0x2], $0x6400, $0x38;
	[tilespmem:$0x6500] =	vst v63  }
0x2f: {  	_ =	swait.ge [sflag:s7], $0x6400  }
0x30: {  	[sflag:s7] =	ssyncset.done $0x0  }
0x31: {  	[sflag:s7] =	ssyncadd.s32 $0xFFFF9C00  }
0x32: {  	_ =	sfence.sel $0x180000  }
0x33: {  	[bflag:$0x0] =	sbarrier.arrive $0xFFFF  }
0x34: {  	p0 =	sne.s32 s1, $0x0;
	_ =	strace $0x9000004A  }
0x35: {  	s0 =	sadd.s32 @!p0 $0x100000, s0;
	[bflag:$0x2] =	sbarrier.arrive $0xFFFF  }
0x36: {  	[sflag:s0] =	ssyncadd.tile.s32 @!p0 $0x1;
	_ =	shalt  }
.Lfunc_end2:
_tile_overlayer_lowered:
.L_overlay_start_2:
0x37: {  	(tag) =	ssettag $0x2  }
0x38: {  	s0 =	rddreg [dreg:$0x0];
	s2 =	stileid.u32  }
0x39: {  	s1 =	rddreg [dreg:$0x1];
	p0 =	sne.s32 s2, $0x0  }
0x3a: {  	s3 =	rddreg [dreg:$0x2];
	[bflag:$0x3] =	sbarrier.arrive $0xFFFF;
	s2 =	simm.s32 @!p0 $0x1C02  }
0x3b: {  	[timem:s3], [sflag:s2] =	dma.local @!p0 [hbm:s0], s1  }
0x3c: {  	s0 =	simm.s32 @!p0 $0x2  }
0x3d: {  	_ =	swait.ge @!p0 [sflag:s0], s1  }
0x3e: {  	s1 =	ssub.s32 @!p0 $0x0, s1;
	[sflag:s0] =	ssyncset.done @!p0 $0x0  }
0x3f: {  	[sflag:s0] =	ssyncadd.s32 @!p0 s1  }
0x40: {  	[bflag:$0x3] =	sbarrier.arrive $0xFFFF  }
0x41: {  	_ =	shalt  }

// kernel: kernel.35.cloned.1.call-start
scs
__scs_entry_jumppad:
0x0: {  	(pc) =	sbr.rel $0x88, $3  }
0x1: {  	(tag) =	ssettag $0x0;
	lr =	simm.s32 $0x1  }
0x2: {  	[smem:$0x3F86] =	sst lr;
	_ =	strace $0xD0000000  }
0x3: {  	_ = 	snop  }
0x4: {  	_ = 	snop  }
0x5: {  	_ = 	snop  }
0x6: {  	_ = 	snop  }
0x7: {  	_ = 	snop  }
__scs_overlays_trampoline_lowered:
0x8: {  	[smem:$0x3F95] =	sst s0  }
0x9: {  	[smem:$0x3F96] =	sst s1  }
0xa: {  	[smem:$0x3F97] =	sst s2  }
0xb: {  	[smem:$0x3F98] =	sst s3  }
0xc: {  	[smem:$0x3F99] =	sst s4  }
0xd: {  	[smem:$0x3F9A] =	sst s5  }
0xe: {  	[smem:$0x3F9B] =	sst s6  }
0xf: {  	[smem:$0x3F9C] =	sst s7  }
0x10: {  	[smem:$0x3F9D] =	sst s8  }
0x11: {  	[smem:$0x3F9E] =	sst s9;
	s0 =	simm.s32 @!p0 $0x0  }
0x12: {  	s1 =	sld [smem:$0x3F84];
	s0 =	simm.s32 @p0 $0x1  }
0x13: {  	[smem:$0x3F9F] =	sst s0;
	s0 =	simm.s32 @!p1 $0x0  }
0x14: {  	s2 =	sld [smem:$0x3F83];
	s0 =	simm.s32 @p1 $0x1  }
0x15: {  	[smem:$0x3FA0] =	sst s0;
	s0 =	simm.s32 @!p2 $0x0  }
0x16: {  	s3 =	sld [smem:$0x3FDB];
	s0 =	simm.s32 @p2 $0x1  }
0x17: {  	s4 =	simm.s32 $0x1BF5;
	[smem:$0x3FA2] =	sst s0  }
0x18: {  	s0 =	sld [smem:$0x3F85];
	_ =	swait.ge [sflag:s4], $0x0  }
0x19: {  	s7 =	sld [smem:$0x3F86]  }
0x1a: {  	s8 =	sadd.s32 $0xFFFFE003, lr  }
0x1b: {  	s9 =	sadd.s32 $0xFFFFFEF7, lr;
	s5 =	simm.s32 $0xFFFFFFFF;
	p2 =	slt.u32 s8, $0xFFFFF086  }
0x1c: {  	p1 =	slt.u32 s9, $0xF7A;
	s5 =	simm.s32 @!p2 $0x0  }
0x1d: {  	s5 =	simm.s32 @p1 $0x1;
	p0 =	seq.s32 s7, s2  }
0x1e: {  	s7 =	smul.u32 @!p0 $0xF7A, s2;
	p2 =	seq.s32 @!p0 s5, $0x0  }
0x1f: {  	s9 =	smul.u32 $0xF7A, s1;
	s8 =	simm.s32 @!p0 $0x1BF5;
	p2 =	por !p2, p0  }
0x20: {  	[sflag:s8] =	ssyncset.s32 @!p0 $0xFFFFF086;
	s6 =	sadd.s32 @!p0 s3, s7;
	s7 =	simm.s32 @!p0 $0x108  }
0x21: {  	s3 =	sadd.s32 s3, s9;
	s6 =	sadd.s32 @!p0 $0x88, s6;
	s7 =	simm.s32 @p2 $0x1082  }
0x22: {  	[simem:s7], [sflag:s8] =	dma.local @!p0 [hbm:s6], $0xF7A  }
0x23: {  	s9 =	sor.u32 $0xD0000000, s2;
	s6 =	simm.s32 $0x108;
	_ =	swait.ge @!p0 [sflag:s8], $0x0  }
0x24: {  	s3 =	sadd.s32 $0x88, s3;
	s6 =	simm.s32 @!p1 $0x1082;
	[sflag:s4] =	ssyncset.s32 $0xFFFFF086  }
0x25: {  	[simem:s6], [sflag:s4] =	dma.local [hbm:s3], $0xF7A  }
0x26: {  	[smem:$0x3F86] =	sst s1;
	(tag) =	ssettag s2;
	_ =	strace s9  }
0x27: {  	s1 =	sld [smem:$0x3F96]  }
0x28: {  	s2 =	sld [smem:$0x3F97]  }
0x29: {  	s4 =	sld [smem:$0x3F99]  }
0x2a: {  	p0 =	seq.s32 s5, $0x0;
	s5 =	sld [smem:$0x3F9A]  }
0x2b: {  	s6 =	sld [smem:$0x3F9B]  }
0x2c: {  	s7 =	sld [smem:$0x3F9C]  }
0x2d: {  	s3 =	simm.s32 $0x108;
	s8 =	sld [smem:$0x3F9D]  }
0x2e: {  	s3 =	simm.s32 @!p0 $0x1082;
	s9 =	sld [smem:$0x3F9E]  }
0x2f: {  	lr =	sadd.s32 s0, s3;
	s0 =	sld [smem:$0x3F95]  }
0x30: {  	s3 =	sld [smem:$0x3F98]  }
0x31: {  	[smem:$0x3FA1] =	sst s10  }
0x32: {  	s10 =	sld [smem:$0x3F9F];
	_ =	sdelay $0x3  }
0x33: {  	p0 =	seq.s32 s10, $0x1;
	s10 =	sld [smem:$0x3FA1];
	_ =	sdelay $0x3  }
0x34: {  	[smem:$0x3FA1] =	sst s10  }
0x35: {  	s10 =	sld [smem:$0x3FA0];
	_ =	sdelay $0x3  }
0x36: {  	p1 =	seq.s32 s10, $0x1;
	s10 =	sld [smem:$0x3FA1];
	_ =	sdelay $0x3  }
0x37: {  	[smem:$0x3FA1] =	sst s10  }
0x38: {  	s10 =	sld [smem:$0x3FA2]  }
0x39: {  	_ = 	snop;
	(pc) =	sbr.ind lr, $3  }
0x3a: {  	_ = 	snop  }
0x3b: {  	_ = 	snop  }
0x3c: {  	p2 =	seq.s32 s10, $0x1;
	s10 =	sld [smem:$0x3FA1]  }
0x3d: {  	_ =	shalt  }
0x3e: {  	_ =	shalt  }
0x3f: {  	_ =	shalt  }
0x40: {  	_ =	shalt  }
0x41: {  	_ =	shalt  }
0x42: {  	_ =	shalt  }
0x43: {  	_ =	shalt  }
0x44: {  	_ =	shalt  }
0x45: {  	_ =	shalt  }
0x46: {  	_ =	shalt  }
0x47: {  	_ =	shalt  }
0x48: {  	_ =	shalt  }
0x49: {  	_ =	shalt  }
0x4a: {  	_ =	shalt  }
0x4b: {  	_ =	shalt  }
0x4c: {  	_ =	shalt  }
0x4d: {  	_ =	shalt  }
0x4e: {  	_ =	shalt  }
0x4f: {  	_ =	shalt  }
0x50: {  	_ =	shalt  }
0x51: {  	_ =	shalt  }
0x52: {  	_ =	shalt  }
0x53: {  	_ =	shalt  }
0x54: {  	_ =	shalt  }
0x55: {  	_ =	shalt  }
0x56: {  	_ =	shalt  }
0x57: {  	_ =	shalt  }
0x58: {  	_ =	shalt  }
0x59: {  	_ =	shalt  }
0x5a: {  	_ =	shalt  }
0x5b: {  	_ =	shalt  }
0x5c: {  	_ =	shalt  }
0x5d: {  	_ =	shalt  }
0x5e: {  	_ =	shalt  }
0x5f: {  	_ =	shalt  }
0x60: {  	_ =	shalt  }
0x61: {  	_ =	shalt  }
0x62: {  	_ =	shalt  }
0x63: {  	_ =	shalt  }
0x64: {  	_ =	shalt  }
0x65: {  	_ =	shalt  }
0x66: {  	_ =	shalt  }
0x67: {  	_ =	shalt  }
0x68: {  	_ =	shalt  }
0x69: {  	_ =	shalt  }
0x6a: {  	_ =	shalt  }
0x6b: {  	_ =	shalt  }
0x6c: {  	_ =	shalt  }
0x6d: {  	_ =	shalt  }
0x6e: {  	_ =	shalt  }
0x6f: {  	_ =	shalt  }
0x70: {  	_ =	shalt  }
0x71: {  	_ =	shalt  }
0x72: {  	_ =	shalt  }
0x73: {  	_ =	shalt  }
0x74: {  	_ =	shalt  }
0x75: {  	_ =	shalt  }
0x76: {  	_ =	shalt  }
0x77: {  	_ =	shalt  }
0x78: {  	_ =	shalt  }
0x79: {  	_ =	shalt  }
0x7a: {  	_ =	shalt  }
0x7b: {  	_ =	shalt  }
0x7c: {  	_ =	shalt  }
0x7d: {  	_ =	shalt  }
0x7e: {  	_ =	shalt  }
0x7f: {  	_ =	shalt  }
0x80: {  	_ =	shalt  }
0x81: {  	_ =	shalt  }
0x82: {  	_ =	shalt  }
0x83: {  	_ =	shalt  }
0x84: {  	_ =	shalt  }
0x85: {  	_ =	shalt  }
0x86: {  	_ =	shalt  }
0x87: {  	_ =	shalt  }
.Lfunc_end0:
.L_simem_size_0:
called_computation.5_lowered:
.L_overlay_start_0:
0x88: {  	s2 =	sld [smem:$0x3FD9]  }
0x89: {  	s3 =	sld [smem:$0x3FFE];
	_ =	sdelay $0x1  }
0x8a: {  	s1 =	srdreg.scid  }
0x8b: {  	s0 =	sand.u32 $0x1, s1  }
0x8c: {  	s17 =	sshll.u32 s0, $0xA;
	s2 =	sadd.s32 s3, s2  }
0x8d: {  	s2 =	sadd.s32 s2, s17  }
0x8e: {  	[smem:$0x3FAD] =	sst s2  }
0x8f: {  	_ = 	snop  }
0x90: {  	(tm) =	ssettm $0x1  }
0x91: {  	s18 =	sld [smem:$0x3FFB];
	_ =	sdelay $0x3  }
0x92: {  	_ =	strace s18  }
0x93: {  	s2 =	sld [smem:$0x3FFC];
	_ =	sdelay $0x3  }
0x94: {  	_ =	strace s2  }
0x95: {  	s2 =	sld [smem:$0x3FFD];
	_ =	sdelay $0x3  }
0x96: {  	_ =	strace s2  }
0x97: {  	_ =	strace $0x8FFFFFFF  }
0x98: {  	s19 =	sld [smem:$0x3FDB];
	_ =	sdelay $0x1  }
0x99: {  	s20 =	simm.s32 $_scs_section_size  }
0x9a: {  	s4 =	simm.s32 $_size__tile_overlayer_lowered;
	s5 =	simm.s32 $_tile_overlayer_lowered  }
0x9b: {  	s6 =	simm.s32 $0x1BFF;
	s21 =	sshll.u32 s5, $0x1;
	s3 =	sadd.s32 s20, s19  }
0x9c: {  	s22 =	simm.s32 $0x0;
	s4 =	sshll.u32 s4, $0x1;
	s5 =	sadd.s32 s21, s3  }
0x9d: {  	[timem:s22], [sflag:s6] =	dma.local [hbm:s5], s4  }
0x9e: {  	_ =	swait.ge [sflag:s6], s4  }
0x9f: {  	s4 =	ssub.s32 $0x0, s4;
	[sflag:s6] =	ssyncset.done $0x0  }
0xa0: {  	[sflag:s6] =	ssyncadd.s32 s4;
	_ =	sdelay $0x1  }
0xa1: {  	s23 =	simm.s32 $0x1B8B  }
0xa2: {  	_ =	swait.ge [sflag:s23], $0x1  }
0xa3: {  	[sflag:s23] =	ssyncset.done $0x0  }
0xa4: {  	[sflag:s23] =	ssyncadd.s32 $0xFFFFFFFF  }
0xa5: {  	s4 =	sld [smem:$0x0]  }
0xa6: {  	s5 =	sand.u32 $0xFFFFFFFE, s1  }
0xa7: {  	p0 =	sne.s32 s1, s5  }
0xa8: {  	s5 =	sshll.u32 @p0 s5, $0xE  }
0xa9: {  	s5 =	sadd.s32 @p0 $0x11B8D, s5;
	s6 =	sshll.u32 @p0 s4, $0x11  }
0xaa: {  	s5 =	sor.u32 @p0 s6, s5  }
0xab: {  	[sflag:s5] =	ssyncadd.remote.s32 @p0 $0x1;
	_ =	sdelay $0x1  }
0xac: {  	s5 =	simm.s32 @p0 $0x1B8D  }
0xad: {  	_ =	swait.eq @p0 [sflag:s5], $0x1  }
0xae: {  	[sflag:s5] =	ssyncadd.s32 @p0 $0xFFFFFFFF  }
0xaf: {  	s6 =	sshll.u32 @!p0 s1, $0xE  }
0xb0: {  	s6 =	sor.u32 @!p0 $0x4000, s6;
	s5 =	simm.s32 @!p0 $0x1B8D  }
0xb1: {  	s4 =	sshll.u32 @!p0 s4, $0x11;
	s6 =	sadd.s32 @!p0 $0x11B8D, s6;
	_ =	swait.eq @!p0 [sflag:s5], $0x1  }
0xb2: {  	s4 =	sor.u32 @!p0 s4, s6;
	[sflag:s5] =	ssyncadd.s32 @!p0 $0xFFFFFFFF  }
0xb3: {  	s25 =	simm.s32 $0x1B8E;
	s24 =	sld [smem:$0x3FFE];
	[sflag:s4] =	ssyncadd.remote.s32 @!p0 $0x1  }
0xb4: {  	s26 =	simm.s32 $execute0_lowered;
	[smem:$0x3FD2] =	sst s25  }
0xb5: {  	s5 =	sshll.u32 s26, $0x1;
	_ =	strace $0x8000004F;
	[dreg:$0x1] =	wrdreg $0xFFFFFFFF  }
0xb6: {  	s28 =	simm.s32 $_size_execute0_lowered;
	s3 =	sadd.s32 s3, s5;
	[dreg:$0x0] =	wrdreg $0x0  }
0xb7: {  	s5 =	sshll.u32 s28, $0x1;
	[dreg:$0x2] =	wrdreg s3  }
0xb8: {  	[dreg:$0x3] =	wrdreg s5  }
0xb9: {  	[dreg:$0x4] =	wrdreg $0xC0  }
0xba: {  	_ =	task [dreg:s22], $0x5FFFF  }
0xbb: {  	[dreg:$0x1] =	wrdreg $0xFFFFFFFF  }
0xbc: {  	[dreg:$0x0] =	wrdreg $0x60  }
0xbd: {  	[dreg:$0x2] =	wrdreg s24  }
0xbe: {  	[dreg:$0x3] =	wrdreg $0xA  }
0xbf: {  	_ =	task.clear_ibuf [dreg:s22], $0x4FFFF;
	_ =	strace $0x9000004F  }
0xc0: {  	s29 =	simm.s32 $0xA;
	_ =	strace $0x80000051  }
0xc1: {  	_ =	swait.ge [sflag:s29], $0x1  }
0xc2: {  	[sflag:s29] =	ssyncadd.s32 $0xFFFFFFFF  }
0xc3: {  	_ =	strace $0x90000051  }
0xc4: {  	_ =	sfence  }
0xc5: {  	s30 =	sld [smem:$0x0];
	_ =	sdelay $0x2  }
0xc6: {  	s31 =	sshll.u32 s1, $0xD;
	s1 =	sshrl.u32 s1, $0x2  }
0xc7: {  	s4 =	sand.u32 $0x4000, s31;
	s1 =	sadd.s32 s1, s30  }
0xc8: {  	s0 =	sor.u32 s4, s0;
	s1 =	sshll.u32 s1, $0x11  }
0xc9: {  	s0 =	sor.u32 s1, s0  }
0xca: {  	s0 =	sadd.s32 $0x8F2B, s0  }
0xcb: {  	[sflag:s0] =	ssyncadd.remote.s32 $0x1  }
0xcc: {  	_ =	sfence.sel $0xFFFF  }
0xcd: {  	[dreg:$0x0] =	wrdreg $0xFFFFFFFF;
	(pc) =	sbr.abs _section_cstart, $3  }
0xce: {  	[dreg:$0x1] =	wrdreg $0xFFFFFFFF  }
0xcf: {  	_ =	task.clear_ibuf [dreg:s22], $0x2FFFF;
	_ =	strace $0x9FFFFFFF  }
0xd0: {  	(tm) =	ssettm $0x7FFFFFFF  }
0xd1: {  	_ =	shalt  }
tec
execute0_lowered:
.L_overlay_start_1:
0x0: {  	(tag) =	ssettag $0x1  }
0x1: {  	s4 =	rddreg [dreg:$0x0]  }
0x2: {  	s0 =	rddreg [dreg:$0x1]  }
0x3: {  	s3 =	srdreg.scid;
	s1 =	stileid.u32;
	s2 =	simm.s32 $0x0  }
0x4: {  	s10 =	simm.s32 $0x1;
	s11 =	simm.s32 $0x0;
	s6 =	smul.u32 $0x2710, s1  }
0x5: {  	s5 =	sand.u32 $0x1, s3;
	[smem:$0x7FF] =	sst s2;
	s8 =	smul.u32 $0x27100, s1  }
0x6: {  	s3 =	sadd.s32 $0x292A00, s4;
	s7 =	smul.u32 $0x1388, s5;
	s9 =	ssub.s32 $0x2, s5  }
0x7: {  	_ =	strace $0x80000050;
	s5 =	smul.u32 $0x13880, s5;
	s31 =	sshrl.u32 s9, $0x1  }
0x8: {  	s30 =	sadd.s32 s8, s4;
	s6 =	sadd.s32 s7, s6;
	s8 =	ssub.s32 s9, s31  }
0x9: {  	s5 =	sadd.s32 s5, s30;
	s7 =	simm.s32 $0x2;
	s6 =	sshrl.u32 s6, $0x3  }
0xa: {  	s9 =	simm.s32 $0x100;
	s5 =	sadd.s32 $0x2AB400, s5;
	s6 =	sadd.s32 s6, s4  }
0xb: {  	s4 =	smax.u32 s8, $0x1;
	s8 =	simm.s32 $0xC8;
	s6 =	sadd.s32 $0x2A6400, s6  }
.LBB2_1:
0xc: {  	s12 =	sadd.s32 $0x0, s6  }
0xd: {  	[tilespmem:s2], [sflag:$0x2] =	stream.linear.gather [hbm4b:s12+s2], $0xC8, $0x38;
	[tilespmem:$0x6500] =	vst v63  }
0xe: {  	_ =	swait.ge [sflag:s7], $0xC8  }
0xf: {  	[sflag:s7] =	ssyncset.done $0x0  }
0x10: {  	[sflag:s7] =	ssyncadd.s32 $0xFFFFFF38  }
0x11: {  	[tilespmem:s9], [sflag:$0x1] =	stream.indirect.gather [hbm4b:s3+s8], $0x80, s2, s8, $0xb8;
	[tilespmem:$0x6500] =	vst v63  }
0x12: {  	_ =	swait.ge [sflag:s10], $0x6400  }
0x13: {  	[sflag:s10] =	ssyncset.done $0x0  }
0x14: {  	[sflag:s10] =	ssyncadd.s32 $0xFFFF9C00  }
0x15: {  	[hbm4b:s5+s2] =	stream.linear.scatter [tilespmem:s9], [sflag:$0x2], $0x6400, $0x38;
	[tilespmem:$0x6500] =	vst v63  }
0x16: {  	s13 =	simm.s32 $0x19;
	_ =	swait.ge [sflag:s7], $0x6400  }
0x17: {  	s14 =	simm.s32 $0x32;
	s12 =	sadd.s32 $0xC80, s5;
	[sflag:s7] =	ssyncset.done $0x0  }
.LBB2_2:
0x18: {  	s15 =	sadd.s32 s13, s6  }
0x19: {  	[sflag:s7] =	ssyncadd.s32 $0xFFFF9C00;
	s13 =	smov.u32 s14;
	s16 =	sadd.s32 $0x19, s14  }
0x1a: {  	[tilespmem:s2], [sflag:$0x2] =	stream.linear.gather [hbm4b:s15+s2], $0xC8, $0x38;
	[tilespmem:$0x6500] =	vst v63  }
0x1b: {  	p0 =	sne.s32 s14, $0x258;
	_ =	swait.ge [sflag:s7], $0xC8  }
0x1c: {  	[sflag:s7] =	ssyncset.done $0x0  }
0x1d: {  	[sflag:s7] =	ssyncadd.s32 $0xFFFFFF38  }
0x1e: {  	[tilespmem:s9], [sflag:$0x1] =	stream.indirect.gather [hbm4b:s3+s8], $0x80, s2, s8, $0xb8;
	[tilespmem:$0x6500] =	vst v63  }
0x1f: {  	_ =	swait.ge [sflag:s10], $0x6400  }
.Ltmp0:
0x20: {  	[sflag:s10] =	ssyncset.done $0x0;
	(pc) =	sbr.rel @p0 .LBB2_2-.Ltmp0, $4  }
0x21: {  	[sflag:s10] =	ssyncadd.s32 $0xFFFF9C00  }
0x22: {  	[hbm4b:s12+s2] =	stream.linear.scatter [tilespmem:s9], [sflag:$0x2], $0x6400, $0x38;
	[tilespmem:$0x6500] =	vst v63  }
0x23: {  	_ =	swait.ge [sflag:s7], $0x6400  }
0x24: {  	s14 =	smov.u32 s16;
	s12 =	sadd.s32 $0xC80, s12;
	[sflag:s7] =	ssyncset.done $0x0  }
0x25: {  	s13 =	sadd.s32 s13, s6;
	[sflag:s7] =	ssyncadd.s32 $0xFFFF9C00  }
0x26: {  	[tilespmem:s2], [sflag:$0x2] =	stream.linear.gather [hbm4b:s13+s2], $0xC8, $0x38;
	[tilespmem:$0x6500] =	vst v63  }
0x27: {  	_ =	swait.ge [sflag:s7], $0xC8  }
0x28: {  	[sflag:s7] =	ssyncset.done $0x0  }
0x29: {  	[sflag:s7] =	ssyncadd.s32 $0xFFFFFF38  }
0x2a: {  	[tilespmem:s9], [sflag:$0x1] =	stream.indirect.gather [hbm4b:s3+s8], $0x80, s2, s8, $0xb8;
	[tilespmem:$0x6500] =	vst v63  }
0x2b: {  	s11 =	sadd.s32 $0x1, s11;
	_ =	swait.ge [sflag:s10], $0x6400  }
0x2c: {  	p0 =	sne.s32 s11, s4;
	[sflag:s10] =	ssyncset.done $0x0  }
.Ltmp1:
0x2d: {  	[sflag:s10] =	ssyncadd.s32 $0xFFFF9C00;
	(pc) =	sbr.rel @p0 .LBB2_1-.Ltmp1, $4  }
0x2e: {  	[hbm4b:s12+s2] =	stream.linear.scatter [tilespmem:s9], [sflag:$0x2], $0x6400, $0x38;
	[tilespmem:$0x6500] =	vst v63  }
0x2f: {  	_ =	swait.ge [sflag:s7], $0x6400  }
0x30: {  	[sflag:s7] =	ssyncset.done $0x0  }
0x31: {  	[sflag:s7] =	ssyncadd.s32 $0xFFFF9C00  }
0x32: {  	_ =	sfence.sel $0x180000  }
0x33: {  	[bflag:$0x0] =	sbarrier.arrive $0xFFFF  }
0x34: {  	p0 =	sne.s32 s1, $0x0;
	_ =	strace $0x90000050  }
0x35: {  	s0 =	sadd.s32 @!p0 $0x100000, s0;
	[bflag:$0x2] =	sbarrier.arrive $0xFFFF  }
0x36: {  	[sflag:s0] =	ssyncadd.tile.s32 @!p0 $0x1;
	_ =	shalt  }
.Lfunc_end2:
_tile_overlayer_lowered:
.L_overlay_start_2:
0x37: {  	(tag) =	ssettag $0x2  }
0x38: {  	s0 =	rddreg [dreg:$0x0];
	s2 =	stileid.u32  }
0x39: {  	s1 =	rddreg [dreg:$0x1];
	p0 =	sne.s32 s2, $0x0  }
0x3a: {  	s3 =	rddreg [dreg:$0x2];
	[bflag:$0x3] =	sbarrier.arrive $0xFFFF;
	s2 =	simm.s32 @!p0 $0x1C02  }
0x3b: {  	[timem:s3], [sflag:s2] =	dma.local @!p0 [hbm:s0], s1  }
0x3c: {  	s0 =	simm.s32 @!p0 $0x2  }
0x3d: {  	_ =	swait.ge @!p0 [sflag:s0], s1  }
0x3e: {  	s1 =	ssub.s32 @!p0 $0x0, s1;
	[sflag:s0] =	ssyncset.done @!p0 $0x0  }
0x3f: {  	[sflag:s0] =	ssyncadd.s32 @!p0 s1  }
0x40: {  	[bflag:$0x3] =	sbarrier.arrive $0xFFFF  }
0x41: {  	_ =	shalt  }

// kernel: kernel.38.cloned.1.call-start
scs
__scs_entry_jumppad:
0x0: {  	(pc) =	sbr.rel $0x88, $3  }
0x1: {  	(tag) =	ssettag $0x0;
	lr =	simm.s32 $0x1  }
0x2: {  	[smem:$0x3F86] =	sst lr;
	_ =	strace $0xD0000000  }
0x3: {  	_ = 	snop  }
0x4: {  	_ = 	snop  }
0x5: {  	_ = 	snop  }
0x6: {  	_ = 	snop  }
0x7: {  	_ = 	snop  }
__scs_overlays_trampoline_lowered:
0x8: {  	[smem:$0x3F95] =	sst s0  }
0x9: {  	[smem:$0x3F96] =	sst s1  }
0xa: {  	[smem:$0x3F97] =	sst s2  }
0xb: {  	[smem:$0x3F98] =	sst s3  }
0xc: {  	[smem:$0x3F99] =	sst s4  }
0xd: {  	[smem:$0x3F9A] =	sst s5  }
0xe: {  	[smem:$0x3F9B] =	sst s6  }
0xf: {  	[smem:$0x3F9C] =	sst s7  }
0x10: {  	[smem:$0x3F9D] =	sst s8  }
0x11: {  	[smem:$0x3F9E] =	sst s9;
	s0 =	simm.s32 @!p0 $0x0  }
0x12: {  	s1 =	sld [smem:$0x3F84];
	s0 =	simm.s32 @p0 $0x1  }
0x13: {  	[smem:$0x3F9F] =	sst s0;
	s0 =	simm.s32 @!p1 $0x0  }
0x14: {  	s2 =	sld [smem:$0x3F83];
	s0 =	simm.s32 @p1 $0x1  }
0x15: {  	[smem:$0x3FA0] =	sst s0;
	s0 =	simm.s32 @!p2 $0x0  }
0x16: {  	s3 =	sld [smem:$0x3FDB];
	s0 =	simm.s32 @p2 $0x1  }
0x17: {  	s4 =	simm.s32 $0x1BF5;
	[smem:$0x3FA2] =	sst s0  }
0x18: {  	s0 =	sld [smem:$0x3F85];
	_ =	swait.ge [sflag:s4], $0x0  }
0x19: {  	s7 =	sld [smem:$0x3F86]  }
0x1a: {  	s8 =	sadd.s32 $0xFFFFE003, lr  }
0x1b: {  	s9 =	sadd.s32 $0xFFFFFEF7, lr;
	s5 =	simm.s32 $0xFFFFFFFF;
	p2 =	slt.u32 s8, $0xFFFFF086  }
0x1c: {  	p1 =	slt.u32 s9, $0xF7A;
	s5 =	simm.s32 @!p2 $0x0  }
0x1d: {  	s5 =	simm.s32 @p1 $0x1;
	p0 =	seq.s32 s7, s2  }
0x1e: {  	s7 =	smul.u32 @!p0 $0xF7A, s2;
	p2 =	seq.s32 @!p0 s5, $0x0  }
0x1f: {  	s9 =	smul.u32 $0xF7A, s1;
	s8 =	simm.s32 @!p0 $0x1BF5;
	p2 =	por !p2, p0  }
0x20: {  	[sflag:s8] =	ssyncset.s32 @!p0 $0xFFFFF086;
	s6 =	sadd.s32 @!p0 s3, s7;
	s7 =	simm.s32 @!p0 $0x108  }
0x21: {  	s3 =	sadd.s32 s3, s9;
	s6 =	sadd.s32 @!p0 $0x88, s6;
	s7 =	simm.s32 @p2 $0x1082  }
0x22: {  	[simem:s7], [sflag:s8] =	dma.local @!p0 [hbm:s6], $0xF7A  }
0x23: {  	s9 =	sor.u32 $0xD0000000, s2;
	s6 =	simm.s32 $0x108;
	_ =	swait.ge @!p0 [sflag:s8], $0x0  }
0x24: {  	s3 =	sadd.s32 $0x88, s3;
	s6 =	simm.s32 @!p1 $0x1082;
	[sflag:s4] =	ssyncset.s32 $0xFFFFF086  }
0x25: {  	[simem:s6], [sflag:s4] =	dma.local [hbm:s3], $0xF7A  }
0x26: {  	[smem:$0x3F86] =	sst s1;
	(tag) =	ssettag s2;
	_ =	strace s9  }
0x27: {  	s1 =	sld [smem:$0x3F96]  }
0x28: {  	s2 =	sld [smem:$0x3F97]  }
0x29: {  	s4 =	sld [smem:$0x3F99]  }
0x2a: {  	p0 =	seq.s32 s5, $0x0;
	s5 =	sld [smem:$0x3F9A]  }
0x2b: {  	s6 =	sld [smem:$0x3F9B]  }
0x2c: {  	s7 =	sld [smem:$0x3F9C]  }
0x2d: {  	s3 =	simm.s32 $0x108;
	s8 =	sld [smem:$0x3F9D]  }
0x2e: {  	s3 =	simm.s32 @!p0 $0x1082;
	s9 =	sld [smem:$0x3F9E]  }
0x2f: {  	lr =	sadd.s32 s0, s3;
	s0 =	sld [smem:$0x3F95]  }
0x30: {  	s3 =	sld [smem:$0x3F98]  }
0x31: {  	[smem:$0x3FA1] =	sst s10  }
0x32: {  	s10 =	sld [smem:$0x3F9F];
	_ =	sdelay $0x3  }
0x33: {  	p0 =	seq.s32 s10, $0x1;
	s10 =	sld [smem:$0x3FA1];
	_ =	sdelay $0x3  }
0x34: {  	[smem:$0x3FA1] =	sst s10  }
0x35: {  	s10 =	sld [smem:$0x3FA0];
	_ =	sdelay $0x3  }
0x36: {  	p1 =	seq.s32 s10, $0x1;
	s10 =	sld [smem:$0x3FA1];
	_ =	sdelay $0x3  }
0x37: {  	[smem:$0x3FA1] =	sst s10  }
0x38: {  	s10 =	sld [smem:$0x3FA2]  }
0x39: {  	_ = 	snop;
	(pc) =	sbr.ind lr, $3  }
0x3a: {  	_ = 	snop  }
0x3b: {  	_ = 	snop  }
0x3c: {  	p2 =	seq.s32 s10, $0x1;
	s10 =	sld [smem:$0x3FA1]  }
0x3d: {  	_ =	shalt  }
0x3e: {  	_ =	shalt  }
0x3f: {  	_ =	shalt  }
0x40: {  	_ =	shalt  }
0x41: {  	_ =	shalt  }
0x42: {  	_ =	shalt  }
0x43: {  	_ =	shalt  }
0x44: {  	_ =	shalt  }
0x45: {  	_ =	shalt  }
0x46: {  	_ =	shalt  }
0x47: {  	_ =	shalt  }
0x48: {  	_ =	shalt  }
0x49: {  	_ =	shalt  }
0x4a: {  	_ =	shalt  }
0x4b: {  	_ =	shalt  }
0x4c: {  	_ =	shalt  }
0x4d: {  	_ =	shalt  }
0x4e: {  	_ =	shalt  }
0x4f: {  	_ =	shalt  }
0x50: {  	_ =	shalt  }
0x51: {  	_ =	shalt  }
0x52: {  	_ =	shalt  }
0x53: {  	_ =	shalt  }
0x54: {  	_ =	shalt  }
0x55: {  	_ =	shalt  }
0x56: {  	_ =	shalt  }
0x57: {  	_ =	shalt  }
0x58: {  	_ =	shalt  }
0x59: {  	_ =	shalt  }
0x5a: {  	_ =	shalt  }
0x5b: {  	_ =	shalt  }
0x5c: {  	_ =	shalt  }
0x5d: {  	_ =	shalt  }
0x5e: {  	_ =	shalt  }
0x5f: {  	_ =	shalt  }
0x60: {  	_ =	shalt  }
0x61: {  	_ =	shalt  }
0x62: {  	_ =	shalt  }
0x63: {  	_ =	shalt  }
0x64: {  	_ =	shalt  }
0x65: {  	_ =	shalt  }
0x66: {  	_ =	shalt  }
0x67: {  	_ =	shalt  }
0x68: {  	_ =	shalt  }
0x69: {  	_ =	shalt  }
0x6a: {  	_ =	shalt  }
0x6b: {  	_ =	shalt  }
0x6c: {  	_ =	shalt  }
0x6d: {  	_ =	shalt  }
0x6e: {  	_ =	shalt  }
0x6f: {  	_ =	shalt  }
0x70: {  	_ =	shalt  }
0x71: {  	_ =	shalt  }
0x72: {  	_ =	shalt  }
0x73: {  	_ =	shalt  }
0x74: {  	_ =	shalt  }
0x75: {  	_ =	shalt  }
0x76: {  	_ =	shalt  }
0x77: {  	_ =	shalt  }
0x78: {  	_ =	shalt  }
0x79: {  	_ =	shalt  }
0x7a: {  	_ =	shalt  }
0x7b: {  	_ =	shalt  }
0x7c: {  	_ =	shalt  }
0x7d: {  	_ =	shalt  }
0x7e: {  	_ =	shalt  }
0x7f: {  	_ =	shalt  }
0x80: {  	_ =	shalt  }
0x81: {  	_ =	shalt  }
0x82: {  	_ =	shalt  }
0x83: {  	_ =	shalt  }
0x84: {  	_ =	shalt  }
0x85: {  	_ =	shalt  }
0x86: {  	_ =	shalt  }
0x87: {  	_ =	shalt  }
.Lfunc_end0:
.L_simem_size_0:
called_computation.6_lowered:
.L_overlay_start_0:
0x88: {  	s2 =	sld [smem:$0x3FD9]  }
0x89: {  	s3 =	sld [smem:$0x3FFE];
	_ =	sdelay $0x1  }
0x8a: {  	s1 =	srdreg.scid  }
0x8b: {  	s0 =	sand.u32 $0x1, s1  }
0x8c: {  	s17 =	sshll.u32 s0, $0xA;
	s2 =	sadd.s32 s3, s2  }
0x8d: {  	s2 =	sadd.s32 s2, s17  }
0x8e: {  	[smem:$0x3FAD] =	sst s2  }
0x8f: {  	_ = 	snop  }
0x90: {  	(tm) =	ssettm $0x1  }
0x91: {  	s18 =	sld [smem:$0x3FFB];
	_ =	sdelay $0x3  }
0x92: {  	_ =	strace s18  }
0x93: {  	s2 =	sld [smem:$0x3FFC];
	_ =	sdelay $0x3  }
0x94: {  	_ =	strace s2  }
0x95: {  	s2 =	sld [smem:$0x3FFD];
	_ =	sdelay $0x3  }
0x96: {  	_ =	strace s2  }
0x97: {  	_ =	strace $0x8FFFFFFF  }
0x98: {  	s19 =	sld [smem:$0x3FDB];
	_ =	sdelay $0x1  }
0x99: {  	s20 =	simm.s32 $_scs_section_size  }
0x9a: {  	s4 =	simm.s32 $_size__tile_overlayer_lowered;
	s5 =	simm.s32 $_tile_overlayer_lowered  }
0x9b: {  	s6 =	simm.s32 $0x1BFF;
	s21 =	sshll.u32 s5, $0x1;
	s3 =	sadd.s32 s20, s19  }
0x9c: {  	s22 =	simm.s32 $0x0;
	s4 =	sshll.u32 s4, $0x1;
	s5 =	sadd.s32 s21, s3  }
0x9d: {  	[timem:s22], [sflag:s6] =	dma.local [hbm:s5], s4  }
0x9e: {  	_ =	swait.ge [sflag:s6], s4  }
0x9f: {  	s4 =	ssub.s32 $0x0, s4;
	[sflag:s6] =	ssyncset.done $0x0  }
0xa0: {  	[sflag:s6] =	ssyncadd.s32 s4;
	_ =	sdelay $0x1  }
0xa1: {  	s23 =	simm.s32 $0x1B8B  }
0xa2: {  	_ =	swait.ge [sflag:s23], $0x1  }
0xa3: {  	[sflag:s23] =	ssyncset.done $0x0  }
0xa4: {  	[sflag:s23] =	ssyncadd.s32 $0xFFFFFFFF  }
0xa5: {  	s4 =	sld [smem:$0x0]  }
0xa6: {  	s5 =	sand.u32 $0xFFFFFFFE, s1  }
0xa7: {  	p0 =	sne.s32 s1, s5  }
0xa8: {  	s5 =	sshll.u32 @p0 s5, $0xE  }
0xa9: {  	s5 =	sadd.s32 @p0 $0x11B8D, s5;
	s6 =	sshll.u32 @p0 s4, $0x11  }
0xaa: {  	s5 =	sor.u32 @p0 s6, s5  }
0xab: {  	[sflag:s5] =	ssyncadd.remote.s32 @p0 $0x1;
	_ =	sdelay $0x1  }
0xac: {  	s5 =	simm.s32 @p0 $0x1B8D  }
0xad: {  	_ =	swait.eq @p0 [sflag:s5], $0x1  }
0xae: {  	[sflag:s5] =	ssyncadd.s32 @p0 $0xFFFFFFFF  }
0xaf: {  	s6 =	sshll.u32 @!p0 s1, $0xE  }
0xb0: {  	s6 =	sor.u32 @!p0 $0x4000, s6;
	s5 =	simm.s32 @!p0 $0x1B8D  }
0xb1: {  	s4 =	sshll.u32 @!p0 s4, $0x11;
	s6 =	sadd.s32 @!p0 $0x11B8D, s6;
	_ =	swait.eq @!p0 [sflag:s5], $0x1  }
0xb2: {  	s4 =	sor.u32 @!p0 s4, s6;
	[sflag:s5] =	ssyncadd.s32 @!p0 $0xFFFFFFFF  }
0xb3: {  	s25 =	simm.s32 $0x1B8E;
	s24 =	sld [smem:$0x3FFE];
	[sflag:s4] =	ssyncadd.remote.s32 @!p0 $0x1  }
0xb4: {  	s26 =	simm.s32 $execute0_lowered;
	[smem:$0x3FD2] =	sst s25  }
0xb5: {  	s5 =	sshll.u32 s26, $0x1;
	_ =	strace $0x80000055;
	[dreg:$0x1] =	wrdreg $0xFFFFFFFF  }
0xb6: {  	s28 =	simm.s32 $_size_execute0_lowered;
	s3 =	sadd.s32 s3, s5;
	[dreg:$0x0] =	wrdreg $0x0  }
0xb7: {  	s5 =	sshll.u32 s28, $0x1;
	[dreg:$0x2] =	wrdreg s3  }
0xb8: {  	[dreg:$0x3] =	wrdreg s5  }
0xb9: {  	[dreg:$0x4] =	wrdreg $0xC0  }
0xba: {  	_ =	task [dreg:s22], $0x5FFFF  }
0xbb: {  	[dreg:$0x1] =	wrdreg $0xFFFFFFFF  }
0xbc: {  	[dreg:$0x0] =	wrdreg $0x60  }
0xbd: {  	[dreg:$0x2] =	wrdreg s24  }
0xbe: {  	[dreg:$0x3] =	wrdreg $0xA  }
0xbf: {  	_ =	task.clear_ibuf [dreg:s22], $0x4FFFF;
	_ =	strace $0x90000055  }
0xc0: {  	s29 =	simm.s32 $0xA;
	_ =	strace $0x80000057  }
0xc1: {  	_ =	swait.ge [sflag:s29], $0x1  }
0xc2: {  	[sflag:s29] =	ssyncadd.s32 $0xFFFFFFFF  }
0xc3: {  	_ =	strace $0x90000057  }
0xc4: {  	_ =	sfence  }
0xc5: {  	s30 =	sld [smem:$0x0];
	_ =	sdelay $0x2  }
0xc6: {  	s31 =	sshll.u32 s1, $0xD;
	s1 =	sshrl.u32 s1, $0x2  }
0xc7: {  	s4 =	sand.u32 $0x4000, s31;
	s1 =	sadd.s32 s1, s30  }
0xc8: {  	s0 =	sor.u32 s4, s0;
	s1 =	sshll.u32 s1, $0x11  }
0xc9: {  	s0 =	sor.u32 s1, s0  }
0xca: {  	s0 =	sadd.s32 $0x8F2B, s0  }
0xcb: {  	[sflag:s0] =	ssyncadd.remote.s32 $0x1  }
0xcc: {  	_ =	sfence.sel $0xFFFF  }
0xcd: {  	[dreg:$0x0] =	wrdreg $0xFFFFFFFF;
	(pc) =	sbr.abs _section_cstart, $3  }
0xce: {  	[dreg:$0x1] =	wrdreg $0xFFFFFFFF  }
0xcf: {  	_ =	task.clear_ibuf [dreg:s22], $0x2FFFF;
	_ =	strace $0x9FFFFFFF  }
0xd0: {  	(tm) =	ssettm $0x7FFFFFFF  }
0xd1: {  	_ =	shalt  }
tec
execute0_lowered:
.L_overlay_start_1:
0x0: {  	(tag) =	ssettag $0x1  }
0x1: {  	s4 =	rddreg [dreg:$0x0]  }
0x2: {  	s0 =	rddreg [dreg:$0x1]  }
0x3: {  	s3 =	srdreg.scid;
	s1 =	stileid.u32;
	s2 =	simm.s32 $0x0  }
0x4: {  	s10 =	simm.s32 $0x1;
	s11 =	simm.s32 $0x0;
	s6 =	smul.u32 $0x2710, s1  }
0x5: {  	s5 =	sand.u32 $0x1, s3;
	[smem:$0x7FF] =	sst s2;
	s8 =	smul.u32 $0x27100, s1  }
0x6: {  	s3 =	sadd.s32 $0x52FE00, s4;
	s7 =	smul.u32 $0x1388, s5;
	s9 =	ssub.s32 $0x2, s5  }
0x7: {  	_ =	strace $0x80000056;
	s5 =	smul.u32 $0x13880, s5;
	s31 =	sshrl.u32 s9, $0x1  }
0x8: {  	s30 =	sadd.s32 s8, s4;
	s6 =	sadd.s32 s7, s6;
	s8 =	ssub.s32 s9, s31  }
0x9: {  	s5 =	sadd.s32 s5, s30;
	s7 =	simm.s32 $0x2;
	s6 =	sshrl.u32 s6, $0x3  }
0xa: {  	s9 =	simm.s32 $0x100;
	s5 =	sadd.s32 $0x2AB400, s5;
	s6 =	sadd.s32 s6, s4  }
0xb: {  	s4 =	smax.u32 s8, $0x1;
	s8 =	simm.s32 $0xC8;
	s6 =	sadd.s32 $0x2A6400, s6  }
.LBB2_1:
0xc: {  	s12 =	sadd.s32 $0x0, s6  }
0xd: {  	[tilespmem:s2], [sflag:$0x2] =	stream.linear.gather [hbm4b:s12+s2], $0xC8, $0x38;
	[tilespmem:$0x6500] =	vst v63  }
0xe: {  	_ =	swait.ge [sflag:s7], $0xC8  }
0xf: {  	[sflag:s7] =	ssyncset.done $0x0  }
0x10: {  	[sflag:s7] =	ssyncadd.s32 $0xFFFFFF38  }
0x11: {  	[tilespmem:s9], [sflag:$0x1] =	stream.indirect.gather [hbm4b:s3+s8], $0x80, s2, s8, $0xb8;
	[tilespmem:$0x6500] =	vst v63  }
0x12: {  	_ =	swait.ge [sflag:s10], $0x6400  }
0x13: {  	[sflag:s10] =	ssyncset.done $0x0  }
0x14: {  	[sflag:s10] =	ssyncadd.s32 $0xFFFF9C00  }
0x15: {  	[hbm4b:s5+s2] =	stream.linear.scatter [tilespmem:s9], [sflag:$0x2], $0x6400, $0x38;
	[tilespmem:$0x6500] =	vst v63  }
0x16: {  	s13 =	simm.s32 $0x19;
	_ =	swait.ge [sflag:s7], $0x6400  }
0x17: {  	s14 =	simm.s32 $0x32;
	s12 =	sadd.s32 $0xC80, s5;
	[sflag:s7] =	ssyncset.done $0x0  }
.LBB2_2:
0x18: {  	s15 =	sadd.s32 s13, s6  }
0x19: {  	[sflag:s7] =	ssyncadd.s32 $0xFFFF9C00;
	s13 =	smov.u32 s14;
	s16 =	sadd.s32 $0x19, s14  }
0x1a: {  	[tilespmem:s2], [sflag:$0x2] =	stream.linear.gather [hbm4b:s15+s2], $0xC8, $0x38;
	[tilespmem:$0x6500] =	vst v63  }
0x1b: {  	p0 =	sne.s32 s14, $0x258;
	_ =	swait.ge [sflag:s7], $0xC8  }
0x1c: {  	[sflag:s7] =	ssyncset.done $0x0  }
0x1d: {  	[sflag:s7] =	ssyncadd.s32 $0xFFFFFF38  }
0x1e: {  	[tilespmem:s9], [sflag:$0x1] =	stream.indirect.gather [hbm4b:s3+s8], $0x80, s2, s8, $0xb8;
	[tilespmem:$0x6500] =	vst v63  }
0x1f: {  	_ =	swait.ge [sflag:s10], $0x6400  }
.Ltmp0:
0x20: {  	[sflag:s10] =	ssyncset.done $0x0;
	(pc) =	sbr.rel @p0 .LBB2_2-.Ltmp0, $4  }
0x21: {  	[sflag:s10] =	ssyncadd.s32 $0xFFFF9C00  }
0x22: {  	[hbm4b:s12+s2] =	stream.linear.scatter [tilespmem:s9], [sflag:$0x2], $0x6400, $0x38;
	[tilespmem:$0x6500] =	vst v63  }
0x23: {  	_ =	swait.ge [sflag:s7], $0x6400  }
0x24: {  	s14 =	smov.u32 s16;
	s12 =	sadd.s32 $0xC80, s12;
	[sflag:s7] =	ssyncset.done $0x0  }
0x25: {  	s13 =	sadd.s32 s13, s6;
	[sflag:s7] =	ssyncadd.s32 $0xFFFF9C00  }
0x26: {  	[tilespmem:s2], [sflag:$0x2] =	stream.linear.gather [hbm4b:s13+s2], $0xC8, $0x38;
	[tilespmem:$0x6500] =	vst v63  }
0x27: {  	_ =	swait.ge [sflag:s7], $0xC8  }
0x28: {  	[sflag:s7] =	ssyncset.done $0x0  }
0x29: {  	[sflag:s7] =	ssyncadd.s32 $0xFFFFFF38  }
0x2a: {  	[tilespmem:s9], [sflag:$0x1] =	stream.indirect.gather [hbm4b:s3+s8], $0x80, s2, s8, $0xb8;
	[tilespmem:$0x6500] =	vst v63  }
0x2b: {  	s11 =	sadd.s32 $0x1, s11;
	_ =	swait.ge [sflag:s10], $0x6400  }
0x2c: {  	p0 =	sne.s32 s11, s4;
	[sflag:s10] =	ssyncset.done $0x0  }
.Ltmp1:
0x2d: {  	[sflag:s10] =	ssyncadd.s32 $0xFFFF9C00;
	(pc) =	sbr.rel @p0 .LBB2_1-.Ltmp1, $4  }
0x2e: {  	[hbm4b:s12+s2] =	stream.linear.scatter [tilespmem:s9], [sflag:$0x2], $0x6400, $0x38;
	[tilespmem:$0x6500] =	vst v63  }
0x2f: {  	_ =	swait.ge [sflag:s7], $0x6400  }
0x30: {  	[sflag:s7] =	ssyncset.done $0x0  }
0x31: {  	[sflag:s7] =	ssyncadd.s32 $0xFFFF9C00  }
0x32: {  	_ =	sfence.sel $0x180000  }
0x33: {  	[bflag:$0x0] =	sbarrier.arrive $0xFFFF  }
0x34: {  	p0 =	sne.s32 s1, $0x0;
	_ =	strace $0x90000056  }
0x35: {  	s0 =	sadd.s32 @!p0 $0x100000, s0;
	[bflag:$0x2] =	sbarrier.arrive $0xFFFF  }
0x36: {  	[sflag:s0] =	ssyncadd.tile.s32 @!p0 $0x1;
	_ =	shalt  }
.Lfunc_end2:
_tile_overlayer_lowered:
.L_overlay_start_2:
0x37: {  	(tag) =	ssettag $0x2  }
0x38: {  	s0 =	rddreg [dreg:$0x0];
	s2 =	stileid.u32  }
0x39: {  	s1 =	rddreg [dreg:$0x1];
	p0 =	sne.s32 s2, $0x0  }
0x3a: {  	s3 =	rddreg [dreg:$0x2];
	[bflag:$0x3] =	sbarrier.arrive $0xFFFF;
	s2 =	simm.s32 @!p0 $0x1C02  }
0x3b: {  	[timem:s3], [sflag:s2] =	dma.local @!p0 [hbm:s0], s1  }
0x3c: {  	s0 =	simm.s32 @!p0 $0x2  }
0x3d: {  	_ =	swait.ge @!p0 [sflag:s0], s1  }
0x3e: {  	s1 =	ssub.s32 @!p0 $0x0, s1;
	[sflag:s0] =	ssyncset.done @!p0 $0x0  }
0x3f: {  	[sflag:s0] =	ssyncadd.s32 @!p0 s1  }
0x40: {  	[bflag:$0x3] =	sbarrier.arrive $0xFFFF  }
0x41: {  	_ =	shalt  }

// kernel: kernel.41.cloned.1.call-start
scs
__scs_entry_jumppad:
0x0: {  	(pc) =	sbr.rel $0x88, $3  }
0x1: {  	(tag) =	ssettag $0x0;
	lr =	simm.s32 $0x1  }
0x2: {  	[smem:$0x3F86] =	sst lr;
	_ =	strace $0xD0000000  }
0x3: {  	_ = 	snop  }
0x4: {  	_ = 	snop  }
0x5: {  	_ = 	snop  }
0x6: {  	_ = 	snop  }
0x7: {  	_ = 	snop  }
__scs_overlays_trampoline_lowered:
0x8: {  	[smem:$0x3F95] =	sst s0  }
0x9: {  	[smem:$0x3F96] =	sst s1  }
0xa: {  	[smem:$0x3F97] =	sst s2  }
0xb: {  	[smem:$0x3F98] =	sst s3  }
0xc: {  	[smem:$0x3F99] =	sst s4  }
0xd: {  	[smem:$0x3F9A] =	sst s5  }
0xe: {  	[smem:$0x3F9B] =	sst s6  }
0xf: {  	[smem:$0x3F9C] =	sst s7  }
0x10: {  	[smem:$0x3F9D] =	sst s8  }
0x11: {  	[smem:$0x3F9E] =	sst s9;
	s0 =	simm.s32 @!p0 $0x0  }
0x12: {  	s1 =	sld [smem:$0x3F84];
	s0 =	simm.s32 @p0 $0x1  }
0x13: {  	[smem:$0x3F9F] =	sst s0;
	s0 =	simm.s32 @!p1 $0x0  }
0x14: {  	s2 =	sld [smem:$0x3F83];
	s0 =	simm.s32 @p1 $0x1  }
0x15: {  	[smem:$0x3FA0] =	sst s0;
	s0 =	simm.s32 @!p2 $0x0  }
0x16: {  	s3 =	sld [smem:$0x3FDB];
	s0 =	simm.s32 @p2 $0x1  }
0x17: {  	s4 =	simm.s32 $0x1BF5;
	[smem:$0x3FA2] =	sst s0  }
0x18: {  	s0 =	sld [smem:$0x3F85];
	_ =	swait.ge [sflag:s4], $0x0  }
0x19: {  	s7 =	sld [smem:$0x3F86]  }
0x1a: {  	s8 =	sadd.s32 $0xFFFFE003, lr  }
0x1b: {  	s9 =	sadd.s32 $0xFFFFFEF7, lr;
	s5 =	simm.s32 $0xFFFFFFFF;
	p2 =	slt.u32 s8, $0xFFFFF086  }
0x1c: {  	p1 =	slt.u32 s9, $0xF7A;
	s5 =	simm.s32 @!p2 $0x0  }
0x1d: {  	s5 =	simm.s32 @p1 $0x1;
	p0 =	seq.s32 s7, s2  }
0x1e: {  	s7 =	smul.u32 @!p0 $0xF7A, s2;
	p2 =	seq.s32 @!p0 s5, $0x0  }
0x1f: {  	s9 =	smul.u32 $0xF7A, s1;
	s8 =	simm.s32 @!p0 $0x1BF5;
	p2 =	por !p2, p0  }
0x20: {  	[sflag:s8] =	ssyncset.s32 @!p0 $0xFFFFF086;
	s6 =	sadd.s32 @!p0 s3, s7;
	s7 =	simm.s32 @!p0 $0x108  }
0x21: {  	s3 =	sadd.s32 s3, s9;
	s6 =	sadd.s32 @!p0 $0x88, s6;
	s7 =	simm.s32 @p2 $0x1082  }
0x22: {  	[simem:s7], [sflag:s8] =	dma.local @!p0 [hbm:s6], $0xF7A  }
0x23: {  	s9 =	sor.u32 $0xD0000000, s2;
	s6 =	simm.s32 $0x108;
	_ =	swait.ge @!p0 [sflag:s8], $0x0  }
0x24: {  	s3 =	sadd.s32 $0x88, s3;
	s6 =	simm.s32 @!p1 $0x1082;
	[sflag:s4] =	ssyncset.s32 $0xFFFFF086  }
0x25: {  	[simem:s6], [sflag:s4] =	dma.local [hbm:s3], $0xF7A  }
0x26: {  	[smem:$0x3F86] =	sst s1;
	(tag) =	ssettag s2;
	_ =	strace s9  }
0x27: {  	s1 =	sld [smem:$0x3F96]  }
0x28: {  	s2 =	sld [smem:$0x3F97]  }
0x29: {  	s4 =	sld [smem:$0x3F99]  }
0x2a: {  	p0 =	seq.s32 s5, $0x0;
	s5 =	sld [smem:$0x3F9A]  }
0x2b: {  	s6 =	sld [smem:$0x3F9B]  }
0x2c: {  	s7 =	sld [smem:$0x3F9C]  }
0x2d: {  	s3 =	simm.s32 $0x108;
	s8 =	sld [smem:$0x3F9D]  }
0x2e: {  	s3 =	simm.s32 @!p0 $0x1082;
	s9 =	sld [smem:$0x3F9E]  }
0x2f: {  	lr =	sadd.s32 s0, s3;
	s0 =	sld [smem:$0x3F95]  }
0x30: {  	s3 =	sld [smem:$0x3F98]  }
0x31: {  	[smem:$0x3FA1] =	sst s10  }
0x32: {  	s10 =	sld [smem:$0x3F9F];
	_ =	sdelay $0x3  }
0x33: {  	p0 =	seq.s32 s10, $0x1;
	s10 =	sld [smem:$0x3FA1];
	_ =	sdelay $0x3  }
0x34: {  	[smem:$0x3FA1] =	sst s10  }
0x35: {  	s10 =	sld [smem:$0x3FA0];
	_ =	sdelay $0x3  }
0x36: {  	p1 =	seq.s32 s10, $0x1;
	s10 =	sld [smem:$0x3FA1];
	_ =	sdelay $0x3  }
0x37: {  	[smem:$0x3FA1] =	sst s10  }
0x38: {  	s10 =	sld [smem:$0x3FA2]  }
0x39: {  	_ = 	snop;
	(pc) =	sbr.ind lr, $3  }
0x3a: {  	_ = 	snop  }
0x3b: {  	_ = 	snop  }
0x3c: {  	p2 =	seq.s32 s10, $0x1;
	s10 =	sld [smem:$0x3FA1]  }
0x3d: {  	_ =	shalt  }
0x3e: {  	_ =	shalt  }
0x3f: {  	_ =	shalt  }
0x40: {  	_ =	shalt  }
0x41: {  	_ =	shalt  }
0x42: {  	_ =	shalt  }
0x43: {  	_ =	shalt  }
0x44: {  	_ =	shalt  }
0x45: {  	_ =	shalt  }
0x46: {  	_ =	shalt  }
0x47: {  	_ =	shalt  }
0x48: {  	_ =	shalt  }
0x49: {  	_ =	shalt  }
0x4a: {  	_ =	shalt  }
0x4b: {  	_ =	shalt  }
0x4c: {  	_ =	shalt  }
0x4d: {  	_ =	shalt  }
0x4e: {  	_ =	shalt  }
0x4f: {  	_ =	shalt  }
0x50: {  	_ =	shalt  }
0x51: {  	_ =	shalt  }
0x52: {  	_ =	shalt  }
0x53: {  	_ =	shalt  }
0x54: {  	_ =	shalt  }
0x55: {  	_ =	shalt  }
0x56: {  	_ =	shalt  }
0x57: {  	_ =	shalt  }
0x58: {  	_ =	shalt  }
0x59: {  	_ =	shalt  }
0x5a: {  	_ =	shalt  }
0x5b: {  	_ =	shalt  }
0x5c: {  	_ =	shalt  }
0x5d: {  	_ =	shalt  }
0x5e: {  	_ =	shalt  }
0x5f: {  	_ =	shalt  }
0x60: {  	_ =	shalt  }
0x61: {  	_ =	shalt  }
0x62: {  	_ =	shalt  }
0x63: {  	_ =	shalt  }
0x64: {  	_ =	shalt  }
0x65: {  	_ =	shalt  }
0x66: {  	_ =	shalt  }
0x67: {  	_ =	shalt  }
0x68: {  	_ =	shalt  }
0x69: {  	_ =	shalt  }
0x6a: {  	_ =	shalt  }
0x6b: {  	_ =	shalt  }
0x6c: {  	_ =	shalt  }
0x6d: {  	_ =	shalt  }
0x6e: {  	_ =	shalt  }
0x6f: {  	_ =	shalt  }
0x70: {  	_ =	shalt  }
0x71: {  	_ =	shalt  }
0x72: {  	_ =	shalt  }
0x73: {  	_ =	shalt  }
0x74: {  	_ =	shalt  }
0x75: {  	_ =	shalt  }
0x76: {  	_ =	shalt  }
0x77: {  	_ =	shalt  }
0x78: {  	_ =	shalt  }
0x79: {  	_ =	shalt  }
0x7a: {  	_ =	shalt  }
0x7b: {  	_ =	shalt  }
0x7c: {  	_ =	shalt  }
0x7d: {  	_ =	shalt  }
0x7e: {  	_ =	shalt  }
0x7f: {  	_ =	shalt  }
0x80: {  	_ =	shalt  }
0x81: {  	_ =	shalt  }
0x82: {  	_ =	shalt  }
0x83: {  	_ =	shalt  }
0x84: {  	_ =	shalt  }
0x85: {  	_ =	shalt  }
0x86: {  	_ =	shalt  }
0x87: {  	_ =	shalt  }
.Lfunc_end0:
.L_simem_size_0:
called_computation.7_lowered:
.L_overlay_start_0:
0x88: {  	s2 =	sld [smem:$0x3FD9]  }
0x89: {  	s3 =	sld [smem:$0x3FFE];
	_ =	sdelay $0x1  }
0x8a: {  	s1 =	srdreg.scid  }
0x8b: {  	s0 =	sand.u32 $0x1, s1  }
0x8c: {  	s17 =	sshll.u32 s0, $0xA;
	s2 =	sadd.s32 s3, s2  }
0x8d: {  	s2 =	sadd.s32 s2, s17  }
0x8e: {  	[smem:$0x3FAD] =	sst s2  }
0x8f: {  	_ = 	snop  }
0x90: {  	(tm) =	ssettm $0x1  }
0x91: {  	s18 =	sld [smem:$0x3FFB];
	_ =	sdelay $0x3  }
0x92: {  	_ =	strace s18  }
0x93: {  	s2 =	sld [smem:$0x3FFC];
	_ =	sdelay $0x3  }
0x94: {  	_ =	strace s2  }
0x95: {  	s2 =	sld [smem:$0x3FFD];
	_ =	sdelay $0x3  }
0x96: {  	_ =	strace s2  }
0x97: {  	_ =	strace $0x8FFFFFFF  }
0x98: {  	s19 =	sld [smem:$0x3FDB];
	_ =	sdelay $0x1  }
0x99: {  	s20 =	simm.s32 $_scs_section_size  }
0x9a: {  	s4 =	simm.s32 $_size__tile_overlayer_lowered;
	s5 =	simm.s32 $_tile_overlayer_lowered  }
0x9b: {  	s6 =	simm.s32 $0x1BFF;
	s21 =	sshll.u32 s5, $0x1;
	s3 =	sadd.s32 s20, s19  }
0x9c: {  	s22 =	simm.s32 $0x0;
	s4 =	sshll.u32 s4, $0x1;
	s5 =	sadd.s32 s21, s3  }
0x9d: {  	[timem:s22], [sflag:s6] =	dma.local [hbm:s5], s4  }
0x9e: {  	_ =	swait.ge [sflag:s6], s4  }
0x9f: {  	s4 =	ssub.s32 $0x0, s4;
	[sflag:s6] =	ssyncset.done $0x0  }
0xa0: {  	[sflag:s6] =	ssyncadd.s32 s4;
	_ =	sdelay $0x1  }
0xa1: {  	s23 =	simm.s32 $0x1B8B  }
0xa2: {  	_ =	swait.ge [sflag:s23], $0x1  }
0xa3: {  	[sflag:s23] =	ssyncset.done $0x0  }
0xa4: {  	[sflag:s23] =	ssyncadd.s32 $0xFFFFFFFF  }
0xa5: {  	s4 =	sld [smem:$0x0]  }
0xa6: {  	s5 =	sand.u32 $0xFFFFFFFE, s1  }
0xa7: {  	p0 =	sne.s32 s1, s5  }
0xa8: {  	s5 =	sshll.u32 @p0 s5, $0xE  }
0xa9: {  	s5 =	sadd.s32 @p0 $0x11B8D, s5;
	s6 =	sshll.u32 @p0 s4, $0x11  }
0xaa: {  	s5 =	sor.u32 @p0 s6, s5  }
0xab: {  	[sflag:s5] =	ssyncadd.remote.s32 @p0 $0x1;
	_ =	sdelay $0x1  }
0xac: {  	s5 =	simm.s32 @p0 $0x1B8D  }
0xad: {  	_ =	swait.eq @p0 [sflag:s5], $0x1  }
0xae: {  	[sflag:s5] =	ssyncadd.s32 @p0 $0xFFFFFFFF  }
0xaf: {  	s6 =	sshll.u32 @!p0 s1, $0xE  }
0xb0: {  	s6 =	sor.u32 @!p0 $0x4000, s6;
	s5 =	simm.s32 @!p0 $0x1B8D  }
0xb1: {  	s4 =	sshll.u32 @!p0 s4, $0x11;
	s6 =	sadd.s32 @!p0 $0x11B8D, s6;
	_ =	swait.eq @!p0 [sflag:s5], $0x1  }
0xb2: {  	s4 =	sor.u32 @!p0 s4, s6;
	[sflag:s5] =	ssyncadd.s32 @!p0 $0xFFFFFFFF  }
0xb3: {  	s25 =	simm.s32 $0x1B8E;
	s24 =	sld [smem:$0x3FFE];
	[sflag:s4] =	ssyncadd.remote.s32 @!p0 $0x1  }
0xb4: {  	s26 =	simm.s32 $execute0_lowered;
	[smem:$0x3FD2] =	sst s25  }
0xb5: {  	s5 =	sshll.u32 s26, $0x1;
	_ =	strace $0x8000005B;
	[dreg:$0x1] =	wrdreg $0xFFFFFFFF  }
0xb6: {  	s28 =	simm.s32 $_size_execute0_lowered;
	s3 =	sadd.s32 s3, s5;
	[dreg:$0x0] =	wrdreg $0x0  }
0xb7: {  	s5 =	sshll.u32 s28, $0x1;
	[dreg:$0x2] =	wrdreg s3  }
0xb8: {  	[dreg:$0x3] =	wrdreg s5  }
0xb9: {  	[dreg:$0x4] =	wrdreg $0xC0  }
0xba: {  	_ =	task [dreg:s22], $0x5FFFF  }
0xbb: {  	[dreg:$0x1] =	wrdreg $0xFFFFFFFF  }
0xbc: {  	[dreg:$0x0] =	wrdreg $0x60  }
0xbd: {  	[dreg:$0x2] =	wrdreg s24  }
0xbe: {  	[dreg:$0x3] =	wrdreg $0xA  }
0xbf: {  	_ =	task.clear_ibuf [dreg:s22], $0x4FFFF;
	_ =	strace $0x9000005B  }
0xc0: {  	s29 =	simm.s32 $0xA;
	_ =	strace $0x8000005D  }
0xc1: {  	_ =	swait.ge [sflag:s29], $0x1  }
0xc2: {  	[sflag:s29] =	ssyncadd.s32 $0xFFFFFFFF  }
0xc3: {  	_ =	strace $0x9000005D  }
0xc4: {  	_ =	sfence  }
0xc5: {  	s30 =	sld [smem:$0x0];
	_ =	sdelay $0x2  }
0xc6: {  	s31 =	sshll.u32 s1, $0xD;
	s1 =	sshrl.u32 s1, $0x2  }
0xc7: {  	s4 =	sand.u32 $0x4000, s31;
	s1 =	sadd.s32 s1, s30  }
0xc8: {  	s0 =	sor.u32 s4, s0;
	s1 =	sshll.u32 s1, $0x11  }
0xc9: {  	s0 =	sor.u32 s1, s0  }
0xca: {  	s0 =	sadd.s32 $0x8F2B, s0  }
0xcb: {  	[sflag:s0] =	ssyncadd.remote.s32 $0x1  }
0xcc: {  	_ =	sfence.sel $0xFFFF  }
0xcd: {  	[dreg:$0x0] =	wrdreg $0xFFFFFFFF;
	(pc) =	sbr.abs _section_cstart, $3  }
0xce: {  	[dreg:$0x1] =	wrdreg $0xFFFFFFFF  }
0xcf: {  	_ =	task.clear_ibuf [dreg:s22], $0x2FFFF;
	_ =	strace $0x9FFFFFFF  }
0xd0: {  	(tm) =	ssettm $0x7FFFFFFF  }
0xd1: {  	_ =	shalt  }
tec
execute0_lowered:
.L_overlay_start_1:
0x0: {  	(tag) =	ssettag $0x1  }
0x1: {  	s4 =	rddreg [dreg:$0x0]  }
0x2: {  	s0 =	rddreg [dreg:$0x1]  }
0x3: {  	s3 =	srdreg.scid;
	s1 =	stileid.u32;
	s2 =	simm.s32 $0x0  }
0x4: {  	s10 =	simm.s32 $0x1;
	s11 =	simm.s32 $0x0;
	s6 =	smul.u32 $0x2710, s1  }
0x5: {  	s5 =	sand.u32 $0x1, s3;
	[smem:$0x7FF] =	sst s2;
	s8 =	smul.u32 $0x27100, s1  }
0x6: {  	s3 =	sadd.s32 $0x52FE00, s4;
	s7 =	smul.u32 $0x1388, s5;
	s9 =	ssub.s32 $0x2, s5  }
0x7: {  	_ =	strace $0x8000005C;
	s5 =	smul.u32 $0x13880, s5;
	s31 =	sshrl.u32 s9, $0x1  }
0x8: {  	s30 =	sadd.s32 s8, s4;
	s6 =	sadd.s32 s7, s6;
	s8 =	ssub.s32 s9, s31  }
0x9: {  	s5 =	sadd.s32 s5, s30;
	s7 =	simm.s32 $0x2;
	s6 =	sshrl.u32 s6, $0x3  }
0xa: {  	s9 =	simm.s32 $0x100;
	s5 =	sadd.s32 $0x2AB400, s5;
	s6 =	sadd.s32 s6, s4  }
0xb: {  	s4 =	smax.u32 s8, $0x1;
	s8 =	simm.s32 $0xC8;
	s6 =	sadd.s32 $0x2A6400, s6  }
.LBB2_1:
0xc: {  	s12 =	sadd.s32 $0x0, s6  }
0xd: {  	[tilespmem:s2], [sflag:$0x2] =	stream.linear.gather [hbm4b:s12+s2], $0xC8, $0x38;
	[tilespmem:$0x6500] =	vst v63  }
0xe: {  	_ =	swait.ge [sflag:s7], $0xC8  }
0xf: {  	[sflag:s7] =	ssyncset.done $0x0  }
0x10: {  	[sflag:s7] =	ssyncadd.s32 $0xFFFFFF38  }
0x11: {  	[tilespmem:s9], [sflag:$0x1] =	stream.indirect.gather [hbm4b:s3+s8], $0x80, s2, s8, $0xb8;
	[tilespmem:$0x6500] =	vst v63  }
0x12: {  	_ =	swait.ge [sflag:s10], $0x6400  }
0x13: {  	[sflag:s10] =	ssyncset.done $0x0  }
0x14: {  	[sflag:s10] =	ssyncadd.s32 $0xFFFF9C00  }
0x15: {  	[hbm4b:s5+s2] =	stream.linear.scatter [tilespmem:s9], [sflag:$0x2], $0x6400, $0x38;
	[tilespmem:$0x6500] =	vst v63  }
0x16: {  	s13 =	simm.s32 $0x19;
	_ =	swait.ge [sflag:s7], $0x6400  }
0x17: {  	s14 =	simm.s32 $0x32;
	s12 =	sadd.s32 $0xC80, s5;
	[sflag:s7] =	ssyncset.done $0x0  }
.LBB2_2:
0x18: {  	s15 =	sadd.s32 s13, s6  }
0x19: {  	[sflag:s7] =	ssyncadd.s32 $0xFFFF9C00;
	s13 =	smov.u32 s14;
	s16 =	sadd.s32 $0x19, s14  }
0x1a: {  	[tilespmem:s2], [sflag:$0x2] =	stream.linear.gather [hbm4b:s15+s2], $0xC8, $0x38;
	[tilespmem:$0x6500] =	vst v63  }
0x1b: {  	p0 =	sne.s32 s14, $0x258;
	_ =	swait.ge [sflag:s7], $0xC8  }
0x1c: {  	[sflag:s7] =	ssyncset.done $0x0  }
0x1d: {  	[sflag:s7] =	ssyncadd.s32 $0xFFFFFF38  }
0x1e: {  	[tilespmem:s9], [sflag:$0x1] =	stream.indirect.gather [hbm4b:s3+s8], $0x80, s2, s8, $0xb8;
	[tilespmem:$0x6500] =	vst v63  }
0x1f: {  	_ =	swait.ge [sflag:s10], $0x6400  }
.Ltmp0:
0x20: {  	[sflag:s10] =	ssyncset.done $0x0;
	(pc) =	sbr.rel @p0 .LBB2_2-.Ltmp0, $4  }
0x21: {  	[sflag:s10] =	ssyncadd.s32 $0xFFFF9C00  }
0x22: {  	[hbm4b:s12+s2] =	stream.linear.scatter [tilespmem:s9], [sflag:$0x2], $0x6400, $0x38;
	[tilespmem:$0x6500] =	vst v63  }
0x23: {  	_ =	swait.ge [sflag:s7], $0x6400  }
0x24: {  	s14 =	smov.u32 s16;
	s12 =	sadd.s32 $0xC80, s12;
	[sflag:s7] =	ssyncset.done $0x0  }
0x25: {  	s13 =	sadd.s32 s13, s6;
	[sflag:s7] =	ssyncadd.s32 $0xFFFF9C00  }
0x26: {  	[tilespmem:s2], [sflag:$0x2] =	stream.linear.gather [hbm4b:s13+s2], $0xC8, $0x38;
	[tilespmem:$0x6500] =	vst v63  }
0x27: {  	_ =	swait.ge [sflag:s7], $0xC8  }
0x28: {  	[sflag:s7] =	ssyncset.done $0x0  }
0x29: {  	[sflag:s7] =	ssyncadd.s32 $0xFFFFFF38  }
0x2a: {  	[tilespmem:s9], [sflag:$0x1] =	stream.indirect.gather [hbm4b:s3+s8], $0x80, s2, s8, $0xb8;
	[tilespmem:$0x6500] =	vst v63  }
0x2b: {  	s11 =	sadd.s32 $0x1, s11;
	_ =	swait.ge [sflag:s10], $0x6400  }
0x2c: {  	p0 =	sne.s32 s11, s4;
	[sflag:s10] =	ssyncset.done $0x0  }
.Ltmp1:
0x2d: {  	[sflag:s10] =	ssyncadd.s32 $0xFFFF9C00;
	(pc) =	sbr.rel @p0 .LBB2_1-.Ltmp1, $4  }
0x2e: {  	[hbm4b:s12+s2] =	stream.linear.scatter [tilespmem:s9], [sflag:$0x2], $0x6400, $0x38;
	[tilespmem:$0x6500] =	vst v63  }
0x2f: {  	_ =	swait.ge [sflag:s7], $0x6400  }
0x30: {  	[sflag:s7] =	ssyncset.done $0x0  }
0x31: {  	[sflag:s7] =	ssyncadd.s32 $0xFFFF9C00  }
0x32: {  	_ =	sfence.sel $0x180000  }
0x33: {  	[bflag:$0x0] =	sbarrier.arrive $0xFFFF  }
0x34: {  	p0 =	sne.s32 s1, $0x0;
	_ =	strace $0x9000005C  }
0x35: {  	s0 =	sadd.s32 @!p0 $0x100000, s0;
	[bflag:$0x2] =	sbarrier.arrive $0xFFFF  }
0x36: {  	[sflag:s0] =	ssyncadd.tile.s32 @!p0 $0x1;
	_ =	shalt  }
.Lfunc_end2:
_tile_overlayer_lowered:
.L_overlay_start_2:
0x37: {  	(tag) =	ssettag $0x2  }
0x38: {  	s0 =	rddreg [dreg:$0x0];
	s2 =	stileid.u32  }
0x39: {  	s1 =	rddreg [dreg:$0x1];
	p0 =	sne.s32 s2, $0x0  }
0x3a: {  	s3 =	rddreg [dreg:$0x2];
	[bflag:$0x3] =	sbarrier.arrive $0xFFFF;
	s2 =	simm.s32 @!p0 $0x1C02  }
0x3b: {  	[timem:s3], [sflag:s2] =	dma.local @!p0 [hbm:s0], s1  }
0x3c: {  	s0 =	simm.s32 @!p0 $0x2  }
0x3d: {  	_ =	swait.ge @!p0 [sflag:s0], s1  }
0x3e: {  	s1 =	ssub.s32 @!p0 $0x0, s1;
	[sflag:s0] =	ssyncset.done @!p0 $0x0  }
0x3f: {  	[sflag:s0] =	ssyncadd.s32 @!p0 s1  }
0x40: {  	[bflag:$0x3] =	sbarrier.arrive $0xFFFF  }
0x41: {  	_ =	shalt  }

</sc_bundles>
